<compile_context>
chip_gen: v7x
topology: tpu7x:2x2x1
jax: 0.10.2.dev20260603
libtpu: 0.0.44.dev20260713+nightly
codegen_flags: <defaults>
</compile_context>

<pallas_src>
import jax
import jax.numpy as jnp
from jax import lax
from jax.experimental import pallas as pl
from jax.experimental.pallas import tpu as pltpu
from jax.experimental.pallas import tpu_sc as plsc


def _score_body(x_ref, w_ref, idx_ref, wt_ref):
    B = x_ref.shape[0]
    w = w_ref[...]
    K = w.shape[0]
    w_hi = w.astype(jnp.bfloat16)
    w_lo = (w - w_hi.astype(jnp.float32)).astype(jnp.bfloat16)
    wsq = jnp.sum(w * w, axis=1, keepdims=True)

    def _mm(a, b):
        return lax.dot_general(a, b, (((1,), (0,)), ((), ())),
                               preferred_element_type=jnp.float32)

    for b in range(B):
        xb = x_ref[b]
        x_hi = xb.astype(jnp.bfloat16)
        x_lo = (xb - x_hi.astype(jnp.float32)).astype(jnp.bfloat16)
        prod = _mm(w_hi, x_hi) + _mm(w_hi, x_lo) + _mm(w_lo, x_hi)
        s = wsq - 2.0 * prod
        smin = jnp.min(s, axis=0, keepdims=True)
        kiota = lax.broadcasted_iota(jnp.int32, s.shape, 0)
        cand = jnp.where(s == smin, kiota, jnp.int32(K))
        idx_ref[b, :] = jnp.min(cand, axis=0)
    wt_ref[...] = w.T


def _gather_body(idx_hbm, wt_hbm, q_hbm, wt_vmem, idx_vmem, out_vmem,
                 sem_w, sem_i, sem_o):
    B = idx_hbm.shape[0]
    T = idx_hbm.shape[1]
    tile = lax.axis_index("c") * 16 + lax.axis_index("s")
    c0 = tile * 8
    cp_w = pltpu.make_async_copy(wt_hbm.at[pl.ds(c0, 8), :], wt_vmem, sem_w)
    cp_w.start()
    cp_i = pltpu.make_async_copy(idx_hbm, idx_vmem, sem_i)
    cp_i.start()
    cp_w.wait()
    cp_i.wait()
    chunks_per_b = T // 16

    out_copies = []
    for b in range(B):
        def _chunk(j, carry, b=b):
            tl = j * 16
            vidx = idx_vmem[b, pl.ds(tl, 16)]
            for cl in range(8):
                cvec = jnp.full((16,), cl, jnp.int32)
                vals = plsc.load_gather(wt_vmem, [cvec, vidx])
                out_vmem[b, cl, pl.ds(tl, 16)] = vals
            return carry

        lax.fori_loop(0, chunks_per_b, _chunk, 0, unroll=4)
        cp_o = pltpu.make_async_copy(out_vmem.at[b],
                                     q_hbm.at[b, pl.ds(c0, 8), :], sem_o)
        cp_o.start()
        out_copies.append(cp_o)
    for cp_o in out_copies:
        cp_o.wait()


def kernel(x, W):
    B, C, T = x.shape
    K = W.shape[0]
    idx3, wt = pl.pallas_call(
        _score_body,
        out_shape=[
            jax.ShapeDtypeStruct((B, T), jnp.int32),
            jax.ShapeDtypeStruct((C, K), jnp.float32),
        ],
    )(x, W)

    gather = pl.kernel(
        _gather_body,
        out_type=jax.ShapeDtypeStruct((B, C, T), jnp.float32),
        mesh=plsc.VectorSubcoreMesh(core_axis_name="c", subcore_axis_name="s"),
        compiler_params=pltpu.CompilerParams(needs_layout_passes=False),
        scratch_types=[
            pltpu.VMEM((8, K), jnp.float32),
            pltpu.VMEM((B, T), jnp.int32),
            pltpu.VMEM((B, 8, T), jnp.float32),
            pltpu.SemaphoreType.DMA,
            pltpu.SemaphoreType.DMA,
            pltpu.SemaphoreType.DMA,
        ],
    )
    q = gather(idx3, wt)
    return q, idx3

# --- scband reference (transcript-rebuilt; emitter-appended) ---
"""Pipeline reference for scband-codebook-45896020525584 (READ-ONLY COPY).

The authoritative reference and input builder live on the scoring server;
editing this copy changes nothing except your own understanding.
"""

import jax, jax.numpy as jnp
import numpy as np


def setup_inputs(seed: int = 0) -> dict:
    key = jax.random.key(seed)
    k1, k2 = jax.random.split(key)
    x = jax.random.normal(k1, (4, 256, 256), dtype=jnp.float32)
    W = jax.random.normal(k2, (512, 256), dtype=jnp.float32) * 0.02
    return {"x": x, "W": W}


def reference(x, W):
    # x: [B, C=embedding_dim, T]; transpose(1,2) -> [B, T, C]
    xt = jnp.transpose(x, (0, 2, 1))
    x_flat = xt.reshape(-1, xt.shape[-1])  # [B*T, C]
    # pairwise squared L2 distances to every codebook entry: [B*T, K]
    distances = ((x_flat[:, None, :] - W[None, :, :]) ** 2).sum(-1)
    indices_flat = jnp.argmin(distances, axis=1)  # [B*T]
    indices = indices_flat.reshape(xt.shape[0], xt.shape[1])  # [B, T]
    # embedding lookup (gather) then transpose back to [B, C, T]
    quantized = jnp.take(W, indices, axis=0)  # [B, T, C]
    quantized = jnp.transpose(quantized, (0, 2, 1))  # [B, C, T]
    return (quantized, indices)

if __name__ == "__main__":
    import jax
    _d = setup_inputs()
    print(jax.jit(kernel)(*tuple(_d.values())))

</pallas_src>

<mosaic_0001>
#map = affine_map<(d0, d1) -> (0, 0)>
#map1 = affine_map<(d0, d1) -> (0, 0, 0)>
module attributes {stable_mosaic.version = 14 : i64} {
  func.func @_gather_body(%arg0: i32, %arg1: i32, %arg2: memref<4x256xi32, #tpu.memory_space<hbm>>, %arg3: memref<256x512xf32, #tpu.memory_space<hbm>>, %arg4: memref<4x256x256xf32, #tpu.memory_space<hbm>>, %arg5: memref<8x512xf32, #tpu.memory_space<vmem>>, %arg6: memref<4x256xi32, #tpu.memory_space<vmem>>, %arg7: memref<4x8x256xf32, #tpu.memory_space<vmem>>, %arg8: memref<!tpu.dma_semaphore, #tpu.memory_space<semaphore_mem>>, %arg9: memref<!tpu.dma_semaphore, #tpu.memory_space<semaphore_mem>>, %arg10: memref<!tpu.dma_semaphore, #tpu.memory_space<semaphore_mem>>) attributes {dimension_semantics = [#tpu.dimension_semantics<core_parallel>, #tpu.dimension_semantics<subcore_parallel>], iteration_bounds = array<i64: 2, 16>, scalar_prefetch = 0 : i64, scratch_operands = 6 : i64, tpu.core_type = #tpu.core_type<sc_vector_subcore>, window_params = [{transform_indices = #map}, {transform_indices = #map}, {transform_indices = #map1}]} {
    %mul3A = arith.constant 16 : i32
    %mul3A_0 = arith.muli %arg0, %mul3A : i32
    %add3A = arith.addi %mul3A_0, %arg1 : i32
    %mul3A_1 = arith.constant 8 : i32
    %mul3A_2 = arith.muli %add3A, %mul3A_1 : i32
    %dma_start3A = arith.constant 0 : i32
    %dma_start3A_3 = tpu.memref_slice %arg3[%mul3A_2, %dma_start3A] : memref<256x512xf32, #tpu.memory_space<hbm>> -> memref<8x512xf32, #tpu.memory_space<hbm>>
    %dma_start3A_4 = arith.constant 0 : i32
    %dma_start3A_5 = tpu.memref_slice %arg3[%mul3A_2, %dma_start3A_4] : memref<256x512xf32, #tpu.memory_space<hbm>> -> memref<8x512xf32, #tpu.memory_space<hbm>>
    tpu.enqueue_dma source(%dma_start3A_5 : memref<8x512xf32, #tpu.memory_space<hbm>>) target(%arg5 : memref<8x512xf32, #tpu.memory_space<vmem>>) target_semaphore(%arg8 : memref<!tpu.dma_semaphore, #tpu.memory_space<semaphore_mem>>)
    tpu.enqueue_dma source(%arg2 : memref<4x256xi32, #tpu.memory_space<hbm>>) target(%arg6 : memref<4x256xi32, #tpu.memory_space<vmem>>) target_semaphore(%arg9 : memref<!tpu.dma_semaphore, #tpu.memory_space<semaphore_mem>>)
    %dma_wait3A = arith.constant 0 : i32
    %dma_wait3A_6 = tpu.memref_slice %arg3[%mul3A_2, %dma_wait3A] : memref<256x512xf32, #tpu.memory_space<hbm>> -> memref<8x512xf32, #tpu.memory_space<hbm>>
    %dma_wait3A_7 = arith.constant 0 : i32
    %dma_wait3A_8 = tpu.memref_slice %arg3[%mul3A_2, %dma_wait3A_7] : memref<256x512xf32, #tpu.memory_space<hbm>> -> memref<8x512xf32, #tpu.memory_space<hbm>>
    tpu.wait_dma2 semaphore(%arg8 : memref<!tpu.dma_semaphore, #tpu.memory_space<semaphore_mem>>) src(%dma_wait3A_8 : memref<8x512xf32, #tpu.memory_space<hbm>>) dst(%arg5 : memref<8x512xf32, #tpu.memory_space<vmem>>)
    tpu.wait_dma2 semaphore(%arg9 : memref<!tpu.dma_semaphore, #tpu.memory_space<semaphore_mem>>) src(%arg2 : memref<4x256xi32, #tpu.memory_space<hbm>>) dst(%arg6 : memref<4x256xi32, #tpu.memory_space<vmem>>)
    %scan3A = arith.constant 0 : i32
    %scan3A_9 = arith.constant 0 : i32
    %scan3A_10 = arith.constant 16 : i32
    %scan3A_11 = arith.addi %scan3A_9, %scan3A_10 : i32
    %scan3A_12 = arith.constant 4 : i32
    scf.for %scan3A_160 = %scan3A_9 to %scan3A_11 step %scan3A_12  : i32 {
      %mul3A_161 = arith.constant 16 : i32
      %mul3A_162 = arith.muli %scan3A_160, %mul3A_161 : i32
      %get3A = arith.constant 0 : i32
      %get3A_163 = arith.index_cast %get3A : i32 to index
      %get3A_164 = arith.index_cast %mul3A_162 : i32 to index
      %get3A_165 = tpu.vector_load %arg6[%get3A_163, %get3A_164] {strides = array<i32>} : memref<4x256xi32, #tpu.memory_space<vmem>>, vector<16xi32>,
      %broadcast_in_dim3A = arith.constant 0 : i32
      %broadcast_in_dim3A_166 = vector.broadcast %broadcast_in_dim3A : i32 to vector<16xi32>
      %gather3A = tpu.vector_load_idx %arg5[%broadcast_in_dim3A_166, %get3A_165] : memref<8x512xf32, #tpu.memory_space<vmem>>[vector<16xi32>, vector<16xi32>], vector<16xf32>,
      %swap3A = arith.constant 0 : i32
      %swap3A_167 = arith.constant 0 : i32
      %swap3A_168 = arith.index_cast %swap3A : i32 to index
      %swap3A_169 = arith.index_cast %swap3A_167 : i32 to index
      %swap3A_170 = arith.index_cast %mul3A_162 : i32 to index
      %swap3A_171 = tpu.vector_load %arg7[%swap3A_168, %swap3A_169, %swap3A_170] {strides = array<i32>} : memref<4x8x256xf32, #tpu.memory_space<vmem>>, vector<16xf32>,
      tpu.vector_store %arg7[%swap3A_168, %swap3A_169, %swap3A_170], %gather3A {strides = array<i32>} : memref<4x8x256xf32, #tpu.memory_space<vmem>>, vector<16xf32>,
      %broadcast_in_dim3A_172 = arith.constant 1 : i32
      %broadcast_in_dim3A_173 = vector.broadcast %broadcast_in_dim3A_172 : i32 to vector<16xi32>
      %gather3A_174 = tpu.vector_load_idx %arg5[%broadcast_in_dim3A_173, %get3A_165] : memref<8x512xf32, #tpu.memory_space<vmem>>[vector<16xi32>, vector<16xi32>], vector<16xf32>,
      %swap3A_175 = arith.constant 0 : i32
      %swap3A_176 = arith.constant 1 : i32
      %swap3A_177 = arith.index_cast %swap3A_175 : i32 to index
      %swap3A_178 = arith.index_cast %swap3A_176 : i32 to index
      %swap3A_179 = arith.index_cast %mul3A_162 : i32 to index
      %swap3A_180 = tpu.vector_load %arg7[%swap3A_177, %swap3A_178, %swap3A_179] {strides = array<i32>} : memref<4x8x256xf32, #tpu.memory_space<vmem>>, vector<16xf32>,
      tpu.vector_store %arg7[%swap3A_177, %swap3A_178, %swap3A_179], %gather3A_174 {strides = array<i32>} : memref<4x8x256xf32, #tpu.memory_space<vmem>>, vector<16xf32>,
      %broadcast_in_dim3A_181 = arith.constant 2 : i32
      %broadcast_in_dim3A_182 = vector.broadcast %broadcast_in_dim3A_181 : i32 to vector<16xi32>
      %gather3A_183 = tpu.vector_load_idx %arg5[%broadcast_in_dim3A_182, %get3A_165] : memref<8x512xf32, #tpu.memory_space<vmem>>[vector<16xi32>, vector<16xi32>], vector<16xf32>,
      %swap3A_184 = arith.constant 0 : i32
      %swap3A_185 = arith.constant 2 : i32
      %swap3A_186 = arith.index_cast %swap3A_184 : i32 to index
      %swap3A_187 = arith.index_cast %swap3A_185 : i32 to index
      %swap3A_188 = arith.index_cast %mul3A_162 : i32 to index
      %swap3A_189 = tpu.vector_load %arg7[%swap3A_186, %swap3A_187, %swap3A_188] {strides = array<i32>} : memref<4x8x256xf32, #tpu.memory_space<vmem>>, vector<16xf32>,
      tpu.vector_store %arg7[%swap3A_186, %swap3A_187, %swap3A_188], %gather3A_183 {strides = array<i32>} : memref<4x8x256xf32, #tpu.memory_space<vmem>>, vector<16xf32>,
      %broadcast_in_dim3A_190 = arith.constant 3 : i32
      %broadcast_in_dim3A_191 = vector.broadcast %broadcast_in_dim3A_190 : i32 to vector<16xi32>
      %gather3A_192 = tpu.vector_load_idx %arg5[%broadcast_in_dim3A_191, %get3A_165] : memref<8x512xf32, #tpu.memory_space<vmem>>[vector<16xi32>, vector<16xi32>], vector<16xf32>,
      %swap3A_193 = arith.constant 0 : i32
      %swap3A_194 = arith.constant 3 : i32
      %swap3A_195 = arith.index_cast %swap3A_193 : i32 to index
      %swap3A_196 = arith.index_cast %swap3A_194 : i32 to index
      %swap3A_197 = arith.index_cast %mul3A_162 : i32 to index
      %swap3A_198 = tpu.vector_load %arg7[%swap3A_195, %swap3A_196, %swap3A_197] {strides = array<i32>} : memref<4x8x256xf32, #tpu.memory_space<vmem>>, vector<16xf32>,
      tpu.vector_store %arg7[%swap3A_195, %swap3A_196, %swap3A_197], %gather3A_192 {strides = array<i32>} : memref<4x8x256xf32, #tpu.memory_space<vmem>>, vector<16xf32>,
      %broadcast_in_dim3A_199 = arith.constant 4 : i32
      %broadcast_in_dim3A_200 = vector.broadcast %broadcast_in_dim3A_199 : i32 to vector<16xi32>
      %gather3A_201 = tpu.vector_load_idx %arg5[%broadcast_in_dim3A_200, %get3A_165] : memref<8x512xf32, #tpu.memory_space<vmem>>[vector<16xi32>, vector<16xi32>], vector<16xf32>,
      %swap3A_202 = arith.constant 0 : i32
      %swap3A_203 = arith.constant 4 : i32
      %swap3A_204 = arith.index_cast %swap3A_202 : i32 to index
      %swap3A_205 = arith.index_cast %swap3A_203 : i32 to index
      %swap3A_206 = arith.index_cast %mul3A_162 : i32 to index
      %swap3A_207 = tpu.vector_load %arg7[%swap3A_204, %swap3A_205, %swap3A_206] {strides = array<i32>} : memref<4x8x256xf32, #tpu.memory_space<vmem>>, vector<16xf32>,
      tpu.vector_store %arg7[%swap3A_204, %swap3A_205, %swap3A_206], %gather3A_201 {strides = array<i32>} : memref<4x8x256xf32, #tpu.memory_space<vmem>>, vector<16xf32>,
      %broadcast_in_dim3A_208 = arith.constant 5 : i32
      %broadcast_in_dim3A_209 = vector.broadcast %broadcast_in_dim3A_208 : i32 to vector<16xi32>
      %gather3A_210 = tpu.vector_load_idx %arg5[%broadcast_in_dim3A_209, %get3A_165] : memref<8x512xf32, #tpu.memory_space<vmem>>[vector<16xi32>, vector<16xi32>], vector<16xf32>,
      %swap3A_211 = arith.constant 0 : i32
      %swap3A_212 = arith.constant 5 : i32
      %swap3A_213 = arith.index_cast %swap3A_211 : i32 to index
      %swap3A_214 = arith.index_cast %swap3A_212 : i32 to index
      %swap3A_215 = arith.index_cast %mul3A_162 : i32 to index
      %swap3A_216 = tpu.vector_load %arg7[%swap3A_213, %swap3A_214, %swap3A_215] {strides = array<i32>} : memref<4x8x256xf32, #tpu.memory_space<vmem>>, vector<16xf32>,
      tpu.vector_store %arg7[%swap3A_213, %swap3A_214, %swap3A_215], %gather3A_210 {strides = array<i32>} : memref<4x8x256xf32, #tpu.memory_space<vmem>>, vector<16xf32>,
      %broadcast_in_dim3A_217 = arith.constant 6 : i32
      %broadcast_in_dim3A_218 = vector.broadcast %broadcast_in_dim3A_217 : i32 to vector<16xi32>
      %gather3A_219 = tpu.vector_load_idx %arg5[%broadcast_in_dim3A_218, %get3A_165] : memref<8x512xf32, #tpu.memory_space<vmem>>[vector<16xi32>, vector<16xi32>], vector<16xf32>,
      %swap3A_220 = arith.constant 0 : i32
      %swap3A_221 = arith.constant 6 : i32
      %swap3A_222 = arith.index_cast %swap3A_220 : i32 to index
      %swap3A_223 = arith.index_cast %swap3A_221 : i32 to index
      %swap3A_224 = arith.index_cast %mul3A_162 : i32 to index
      %swap3A_225 = tpu.vector_load %arg7[%swap3A_222, %swap3A_223, %swap3A_224] {strides = array<i32>} : memref<4x8x256xf32, #tpu.memory_space<vmem>>, vector<16xf32>,
      tpu.vector_store %arg7[%swap3A_222, %swap3A_223, %swap3A_224], %gather3A_219 {strides = array<i32>} : memref<4x8x256xf32, #tpu.memory_space<vmem>>, vector<16xf32>,
      %broadcast_in_dim3A_226 = arith.constant 7 : i32
      %broadcast_in_dim3A_227 = vector.broadcast %broadcast_in_dim3A_226 : i32 to vector<16xi32>
      %gather3A_228 = tpu.vector_load_idx %arg5[%broadcast_in_dim3A_227, %get3A_165] : memref<8x512xf32, #tpu.memory_space<vmem>>[vector<16xi32>, vector<16xi32>], vector<16xf32>,
      %swap3A_229 = arith.constant 0 : i32
      %swap3A_230 = arith.constant 7 : i32
      %swap3A_231 = arith.index_cast %swap3A_229 : i32 to index
      %swap3A_232 = arith.index_cast %swap3A_230 : i32 to index
      %swap3A_233 = arith.index_cast %mul3A_162 : i32 to index
      %swap3A_234 = tpu.vector_load %arg7[%swap3A_231, %swap3A_232, %swap3A_233] {strides = array<i32>} : memref<4x8x256xf32, #tpu.memory_space<vmem>>, vector<16xf32>,
      tpu.vector_store %arg7[%swap3A_231, %swap3A_232, %swap3A_233], %gather3A_228 {strides = array<i32>} : memref<4x8x256xf32, #tpu.memory_space<vmem>>, vector<16xf32>,
      %scan3A_235 = arith.constant 1 : i32
      %scan3A_236 = arith.addi %scan3A_160, %scan3A_235 : i32
      %mul3A_237 = arith.constant 16 : i32
      %mul3A_238 = arith.muli %scan3A_236, %mul3A_237 : i32
      %get3A_239 = arith.constant 0 : i32
      %get3A_240 = arith.index_cast %get3A_239 : i32 to index
      %get3A_241 = arith.index_cast %mul3A_238 : i32 to index
      %get3A_242 = tpu.vector_load %arg6[%get3A_240, %get3A_241] {strides = array<i32>} : memref<4x256xi32, #tpu.memory_space<vmem>>, vector<16xi32>,
      %broadcast_in_dim3A_243 = arith.constant 0 : i32
      %broadcast_in_dim3A_244 = vector.broadcast %broadcast_in_dim3A_243 : i32 to vector<16xi32>
      %gather3A_245 = tpu.vector_load_idx %arg5[%broadcast_in_dim3A_244, %get3A_242] : memref<8x512xf32, #tpu.memory_space<vmem>>[vector<16xi32>, vector<16xi32>], vector<16xf32>,
      %swap3A_246 = arith.constant 0 : i32
      %swap3A_247 = arith.constant 0 : i32
      %swap3A_248 = arith.index_cast %swap3A_246 : i32 to index
      %swap3A_249 = arith.index_cast %swap3A_247 : i32 to index
      %swap3A_250 = arith.index_cast %mul3A_238 : i32 to index
      %swap3A_251 = tpu.vector_load %arg7[%swap3A_248, %swap3A_249, %swap3A_250] {strides = array<i32>} : memref<4x8x256xf32, #tpu.memory_space<vmem>>, vector<16xf32>,
      tpu.vector_store %arg7[%swap3A_248, %swap3A_249, %swap3A_250], %gather3A_245 {strides = array<i32>} : memref<4x8x256xf32, #tpu.memory_space<vmem>>, vector<16xf32>,
      %broadcast_in_dim3A_252 = arith.constant 1 : i32
      %broadcast_in_dim3A_253 = vector.broadcast %broadcast_in_dim3A_252 : i32 to vector<16xi32>
      %gather3A_254 = tpu.vector_load_idx %arg5[%broadcast_in_dim3A_253, %get3A_242] : memref<8x512xf32, #tpu.memory_space<vmem>>[vector<16xi32>, vector<16xi32>], vector<16xf32>,
      %swap3A_255 = arith.constant 0 : i32
      %swap3A_256 = arith.constant 1 : i32
      %swap3A_257 = arith.index_cast %swap3A_255 : i32 to index
      %swap3A_258 = arith.index_cast %swap3A_256 : i32 to index
      %swap3A_259 = arith.index_cast %mul3A_238 : i32 to index
      %swap3A_260 = tpu.vector_load %arg7[%swap3A_257, %swap3A_258, %swap3A_259] {strides = array<i32>} : memref<4x8x256xf32, #tpu.memory_space<vmem>>, vector<16xf32>,
      tpu.vector_store %arg7[%swap3A_257, %swap3A_258, %swap3A_259], %gather3A_254 {strides = array<i32>} : memref<4x8x256xf32, #tpu.memory_space<vmem>>, vector<16xf32>,
      %broadcast_in_dim3A_261 = arith.constant 2 : i32
      %broadcast_in_dim3A_262 = vector.broadcast %broadcast_in_dim3A_261 : i32 to vector<16xi32>
      %gather3A_263 = tpu.vector_load_idx %arg5[%broadcast_in_dim3A_262, %get3A_242] : memref<8x512xf32, #tpu.memory_space<vmem>>[vector<16xi32>, vector<16xi32>], vector<16xf32>,
      %swap3A_264 = arith.constant 0 : i32
      %swap3A_265 = arith.constant 2 : i32
      %swap3A_266 = arith.index_cast %swap3A_264 : i32 to index
      %swap3A_267 = arith.index_cast %swap3A_265 : i32 to index
      %swap3A_268 = arith.index_cast %mul3A_238 : i32 to index
      %swap3A_269 = tpu.vector_load %arg7[%swap3A_266, %swap3A_267, %swap3A_268] {strides = array<i32>} : memref<4x8x256xf32, #tpu.memory_space<vmem>>, vector<16xf32>,
      tpu.vector_store %arg7[%swap3A_266, %swap3A_267, %swap3A_268], %gather3A_263 {strides = array<i32>} : memref<4x8x256xf32, #tpu.memory_space<vmem>>, vector<16xf32>,
      %broadcast_in_dim3A_270 = arith.constant 3 : i32
      %broadcast_in_dim3A_271 = vector.broadcast %broadcast_in_dim3A_270 : i32 to vector<16xi32>
      %gather3A_272 = tpu.vector_load_idx %arg5[%broadcast_in_dim3A_271, %get3A_242] : memref<8x512xf32, #tpu.memory_space<vmem>>[vector<16xi32>, vector<16xi32>], vector<16xf32>,
      %swap3A_273 = arith.constant 0 : i32
      %swap3A_274 = arith.constant 3 : i32
      %swap3A_275 = arith.index_cast %swap3A_273 : i32 to index
      %swap3A_276 = arith.index_cast %swap3A_274 : i32 to index
      %swap3A_277 = arith.index_cast %mul3A_238 : i32 to index
      %swap3A_278 = tpu.vector_load %arg7[%swap3A_275, %swap3A_276, %swap3A_277] {strides = array<i32>} : memref<4x8x256xf32, #tpu.memory_space<vmem>>, vector<16xf32>,
      tpu.vector_store %arg7[%swap3A_275, %swap3A_276, %swap3A_277], %gather3A_272 {strides = array<i32>} : memref<4x8x256xf32, #tpu.memory_space<vmem>>, vector<16xf32>,
      %broadcast_in_dim3A_279 = arith.constant 4 : i32
      %broadcast_in_dim3A_280 = vector.broadcast %broadcast_in_dim3A_279 : i32 to vector<16xi32>
      %gather3A_281 = tpu.vector_load_idx %arg5[%broadcast_in_dim3A_280, %get3A_242] : memref<8x512xf32, #tpu.memory_space<vmem>>[vector<16xi32>, vector<16xi32>], vector<16xf32>,
      %swap3A_282 = arith.constant 0 : i32
      %swap3A_283 = arith.constant 4 : i32
      %swap3A_284 = arith.index_cast %swap3A_282 : i32 to index
      %swap3A_285 = arith.index_cast %swap3A_283 : i32 to index
      %swap3A_286 = arith.index_cast %mul3A_238 : i32 to index
      %swap3A_287 = tpu.vector_load %arg7[%swap3A_284, %swap3A_285, %swap3A_286] {strides = array<i32>} : memref<4x8x256xf32, #tpu.memory_space<vmem>>, vector<16xf32>,
      tpu.vector_store %arg7[%swap3A_284, %swap3A_285, %swap3A_286], %gather3A_281 {strides = array<i32>} : memref<4x8x256xf32, #tpu.memory_space<vmem>>, vector<16xf32>,
      %broadcast_in_dim3A_288 = arith.constant 5 : i32
      %broadcast_in_dim3A_289 = vector.broadcast %broadcast_in_dim3A_288 : i32 to vector<16xi32>
      %gather3A_290 = tpu.vector_load_idx %arg5[%broadcast_in_dim3A_289, %get3A_242] : memref<8x512xf32, #tpu.memory_space<vmem>>[vector<16xi32>, vector<16xi32>], vector<16xf32>,
      %swap3A_291 = arith.constant 0 : i32
      %swap3A_292 = arith.constant 5 : i32
      %swap3A_293 = arith.index_cast %swap3A_291 : i32 to index
      %swap3A_294 = arith.index_cast %swap3A_292 : i32 to index
      %swap3A_295 = arith.index_cast %mul3A_238 : i32 to index
      %swap3A_296 = tpu.vector_load %arg7[%swap3A_293, %swap3A_294, %swap3A_295] {strides = array<i32>} : memref<4x8x256xf32, #tpu.memory_space<vmem>>, vector<16xf32>,
      tpu.vector_store %arg7[%swap3A_293, %swap3A_294, %swap3A_295], %gather3A_290 {strides = array<i32>} : memref<4x8x256xf32, #tpu.memory_space<vmem>>, vector<16xf32>,
      %broadcast_in_dim3A_297 = arith.constant 6 : i32
      %broadcast_in_dim3A_298 = vector.broadcast %broadcast_in_dim3A_297 : i32 to vector<16xi32>
      %gather3A_299 = tpu.vector_load_idx %arg5[%broadcast_in_dim3A_298, %get3A_242] : memref<8x512xf32, #tpu.memory_space<vmem>>[vector<16xi32>, vector<16xi32>], vector<16xf32>,
      %swap3A_300 = arith.constant 0 : i32
      %swap3A_301 = arith.constant 6 : i32
      %swap3A_302 = arith.index_cast %swap3A_300 : i32 to index
      %swap3A_303 = arith.index_cast %swap3A_301 : i32 to index
      %swap3A_304 = arith.index_cast %mul3A_238 : i32 to index
      %swap3A_305 = tpu.vector_load %arg7[%swap3A_302, %swap3A_303, %swap3A_304] {strides = array<i32>} : memref<4x8x256xf32, #tpu.memory_space<vmem>>, vector<16xf32>,
      tpu.vector_store %arg7[%swap3A_302, %swap3A_303, %swap3A_304], %gather3A_299 {strides = array<i32>} : memref<4x8x256xf32, #tpu.memory_space<vmem>>, vector<16xf32>,
      %broadcast_in_dim3A_306 = arith.constant 7 : i32
      %broadcast_in_dim3A_307 = vector.broadcast %broadcast_in_dim3A_306 : i32 to vector<16xi32>
      %gather3A_308 = tpu.vector_load_idx %arg5[%broadcast_in_dim3A_307, %get3A_242] : memref<8x512xf32, #tpu.memory_space<vmem>>[vector<16xi32>, vector<16xi32>], vector<16xf32>,
      %swap3A_309 = arith.constant 0 : i32
      %swap3A_310 = arith.constant 7 : i32
      %swap3A_311 = arith.index_cast %swap3A_309 : i32 to index
      %swap3A_312 = arith.index_cast %swap3A_310 : i32 to index
      %swap3A_313 = arith.index_cast %mul3A_238 : i32 to index
      %swap3A_314 = tpu.vector_load %arg7[%swap3A_311, %swap3A_312, %swap3A_313] {strides = array<i32>} : memref<4x8x256xf32, #tpu.memory_space<vmem>>, vector<16xf32>,
      tpu.vector_store %arg7[%swap3A_311, %swap3A_312, %swap3A_313], %gather3A_308 {strides = array<i32>} : memref<4x8x256xf32, #tpu.memory_space<vmem>>, vector<16xf32>,
      %scan3A_315 = arith.constant 2 : i32
      %scan3A_316 = arith.addi %scan3A_160, %scan3A_315 : i32
      %mul3A_317 = arith.constant 16 : i32
      %mul3A_318 = arith.muli %scan3A_316, %mul3A_317 : i32
      %get3A_319 = arith.constant 0 : i32
      %get3A_320 = arith.index_cast %get3A_319 : i32 to index
      %get3A_321 = arith.index_cast %mul3A_318 : i32 to index
      %get3A_322 = tpu.vector_load %arg6[%get3A_320, %get3A_321] {strides = array<i32>} : memref<4x256xi32, #tpu.memory_space<vmem>>, vector<16xi32>,
      %broadcast_in_dim3A_323 = arith.constant 0 : i32
      %broadcast_in_dim3A_324 = vector.broadcast %broadcast_in_dim3A_323 : i32 to vector<16xi32>
      %gather3A_325 = tpu.vector_load_idx %arg5[%broadcast_in_dim3A_324, %get3A_322] : memref<8x512xf32, #tpu.memory_space<vmem>>[vector<16xi32>, vector<16xi32>], vector<16xf32>,
      %swap3A_326 = arith.constant 0 : i32
      %swap3A_327 = arith.constant 0 : i32
      %swap3A_328 = arith.index_cast %swap3A_326 : i32 to index
      %swap3A_329 = arith.index_cast %swap3A_327 : i32 to index
      %swap3A_330 = arith.index_cast %mul3A_318 : i32 to index
      %swap3A_331 = tpu.vector_load %arg7[%swap3A_328, %swap3A_329, %swap3A_330] {strides = array<i32>} : memref<4x8x256xf32, #tpu.memory_space<vmem>>, vector<16xf32>,
      tpu.vector_store %arg7[%swap3A_328, %swap3A_329, %swap3A_330], %gather3A_325 {strides = array<i32>} : memref<4x8x256xf32, #tpu.memory_space<vmem>>, vector<16xf32>,
      %broadcast_in_dim3A_332 = arith.constant 1 : i32
      %broadcast_in_dim3A_333 = vector.broadcast %broadcast_in_dim3A_332 : i32 to vector<16xi32>
      %gather3A_334 = tpu.vector_load_idx %arg5[%broadcast_in_dim3A_333, %get3A_322] : memref<8x512xf32, #tpu.memory_space<vmem>>[vector<16xi32>, vector<16xi32>], vector<16xf32>,
      %swap3A_335 = arith.constant 0 : i32
      %swap3A_336 = arith.constant 1 : i32
      %swap3A_337 = arith.index_cast %swap3A_335 : i32 to index
      %swap3A_338 = arith.index_cast %swap3A_336 : i32 to index
      %swap3A_339 = arith.index_cast %mul3A_318 : i32 to index
      %swap3A_340 = tpu.vector_load %arg7[%swap3A_337, %swap3A_338, %swap3A_339] {strides = array<i32>} : memref<4x8x256xf32, #tpu.memory_space<vmem>>, vector<16xf32>,
      tpu.vector_store %arg7[%swap3A_337, %swap3A_338, %swap3A_339], %gather3A_334 {strides = array<i32>} : memref<4x8x256xf32, #tpu.memory_space<vmem>>, vector<16xf32>,
      %broadcast_in_dim3A_341 = arith.constant 2 : i32
      %broadcast_in_dim3A_342 = vector.broadcast %broadcast_in_dim3A_341 : i32 to vector<16xi32>
      %gather3A_343 = tpu.vector_load_idx %arg5[%broadcast_in_dim3A_342, %get3A_322] : memref<8x512xf32, #tpu.memory_space<vmem>>[vector<16xi32>, vector<16xi32>], vector<16xf32>,
      %swap3A_344 = arith.constant 0 : i32
      %swap3A_345 = arith.constant 2 : i32
      %swap3A_346 = arith.index_cast %swap3A_344 : i32 to index
      %swap3A_347 = arith.index_cast %swap3A_345 : i32 to index
      %swap3A_348 = arith.index_cast %mul3A_318 : i32 to index
      %swap3A_349 = tpu.vector_load %arg7[%swap3A_346, %swap3A_347, %swap3A_348] {strides = array<i32>} : memref<4x8x256xf32, #tpu.memory_space<vmem>>, vector<16xf32>,
      tpu.vector_store %arg7[%swap3A_346, %swap3A_347, %swap3A_348], %gather3A_343 {strides = array<i32>} : memref<4x8x256xf32, #tpu.memory_space<vmem>>, vector<16xf32>,
      %broadcast_in_dim3A_350 = arith.constant 3 : i32
      %broadcast_in_dim3A_351 = vector.broadcast %broadcast_in_dim3A_350 : i32 to vector<16xi32>
      %gather3A_352 = tpu.vector_load_idx %arg5[%broadcast_in_dim3A_351, %get3A_322] : memref<8x512xf32, #tpu.memory_space<vmem>>[vector<16xi32>, vector<16xi32>], vector<16xf32>,
      %swap3A_353 = arith.constant 0 : i32
      %swap3A_354 = arith.constant 3 : i32
      %swap3A_355 = arith.index_cast %swap3A_353 : i32 to index
      %swap3A_356 = arith.index_cast %swap3A_354 : i32 to index
      %swap3A_357 = arith.index_cast %mul3A_318 : i32 to index
      %swap3A_358 = tpu.vector_load %arg7[%swap3A_355, %swap3A_356, %swap3A_357] {strides = array<i32>} : memref<4x8x256xf32, #tpu.memory_space<vmem>>, vector<16xf32>,
      tpu.vector_store %arg7[%swap3A_355, %swap3A_356, %swap3A_357], %gather3A_352 {strides = array<i32>} : memref<4x8x256xf32, #tpu.memory_space<vmem>>, vector<16xf32>,
      %broadcast_in_dim3A_359 = arith.constant 4 : i32
      %broadcast_in_dim3A_360 = vector.broadcast %broadcast_in_dim3A_359 : i32 to vector<16xi32>
      %gather3A_361 = tpu.vector_load_idx %arg5[%broadcast_in_dim3A_360, %get3A_322] : memref<8x512xf32, #tpu.memory_space<vmem>>[vector<16xi32>, vector<16xi32>], vector<16xf32>,
      %swap3A_362 = arith.constant 0 : i32
      %swap3A_363 = arith.constant 4 : i32
      %swap3A_364 = arith.index_cast %swap3A_362 : i32 to index
      %swap3A_365 = arith.index_cast %swap3A_363 : i32 to index
      %swap3A_366 = arith.index_cast %mul3A_318 : i32 to index
      %swap3A_367 = tpu.vector_load %arg7[%swap3A_364, %swap3A_365, %swap3A_366] {strides = array<i32>} : memref<4x8x256xf32, #tpu.memory_space<vmem>>, vector<16xf32>,
      tpu.vector_store %arg7[%swap3A_364, %swap3A_365, %swap3A_366], %gather3A_361 {strides = array<i32>} : memref<4x8x256xf32, #tpu.memory_space<vmem>>, vector<16xf32>,
      %broadcast_in_dim3A_368 = arith.constant 5 : i32
      %broadcast_in_dim3A_369 = vector.broadcast %broadcast_in_dim3A_368 : i32 to vector<16xi32>
      %gather3A_370 = tpu.vector_load_idx %arg5[%broadcast_in_dim3A_369, %get3A_322] : memref<8x512xf32, #tpu.memory_space<vmem>>[vector<16xi32>, vector<16xi32>], vector<16xf32>,
      %swap3A_371 = arith.constant 0 : i32
      %swap3A_372 = arith.constant 5 : i32
      %swap3A_373 = arith.index_cast %swap3A_371 : i32 to index
      %swap3A_374 = arith.index_cast %swap3A_372 : i32 to index
      %swap3A_375 = arith.index_cast %mul3A_318 : i32 to index
      %swap3A_376 = tpu.vector_load %arg7[%swap3A_373, %swap3A_374, %swap3A_375] {strides = array<i32>} : memref<4x8x256xf32, #tpu.memory_space<vmem>>, vector<16xf32>,
      tpu.vector_store %arg7[%swap3A_373, %swap3A_374, %swap3A_375], %gather3A_370 {strides = array<i32>} : memref<4x8x256xf32, #tpu.memory_space<vmem>>, vector<16xf32>,
      %broadcast_in_dim3A_377 = arith.constant 6 : i32
      %broadcast_in_dim3A_378 = vector.broadcast %broadcast_in_dim3A_377 : i32 to vector<16xi32>
      %gather3A_379 = tpu.vector_load_idx %arg5[%broadcast_in_dim3A_378, %get3A_322] : memref<8x512xf32, #tpu.memory_space<vmem>>[vector<16xi32>, vector<16xi32>], vector<16xf32>,
      %swap3A_380 = arith.constant 0 : i32
      %swap3A_381 = arith.constant 6 : i32
      %swap3A_382 = arith.index_cast %swap3A_380 : i32 to index
      %swap3A_383 = arith.index_cast %swap3A_381 : i32 to index
      %swap3A_384 = arith.index_cast %mul3A_318 : i32 to index
      %swap3A_385 = tpu.vector_load %arg7[%swap3A_382, %swap3A_383, %swap3A_384] {strides = array<i32>} : memref<4x8x256xf32, #tpu.memory_space<vmem>>, vector<16xf32>,
      tpu.vector_store %arg7[%swap3A_382, %swap3A_383, %swap3A_384], %gather3A_379 {strides = array<i32>} : memref<4x8x256xf32, #tpu.memory_space<vmem>>, vector<16xf32>,
      %broadcast_in_dim3A_386 = arith.constant 7 : i32
      %broadcast_in_dim3A_387 = vector.broadcast %broadcast_in_dim3A_386 : i32 to vector<16xi32>
      %gather3A_388 = tpu.vector_load_idx %arg5[%broadcast_in_dim3A_387, %get3A_322] : memref<8x512xf32, #tpu.memory_space<vmem>>[vector<16xi32>, vector<16xi32>], vector<16xf32>,
      %swap3A_389 = arith.constant 0 : i32
      %swap3A_390 = arith.constant 7 : i32
      %swap3A_391 = arith.index_cast %swap3A_389 : i32 to index
      %swap3A_392 = arith.index_cast %swap3A_390 : i32 to index
      %swap3A_393 = arith.index_cast %mul3A_318 : i32 to index
      %swap3A_394 = tpu.vector_load %arg7[%swap3A_391, %swap3A_392, %swap3A_393] {strides = array<i32>} : memref<4x8x256xf32, #tpu.memory_space<vmem>>, vector<16xf32>,
      tpu.vector_store %arg7[%swap3A_391, %swap3A_392, %swap3A_393], %gather3A_388 {strides = array<i32>} : memref<4x8x256xf32, #tpu.memory_space<vmem>>, vector<16xf32>,
      %scan3A_395 = arith.constant 3 : i32
      %scan3A_396 = arith.addi %scan3A_160, %scan3A_395 : i32
      %mul3A_397 = arith.constant 16 : i32
      %mul3A_398 = arith.muli %scan3A_396, %mul3A_397 : i32
      %get3A_399 = arith.constant 0 : i32
      %get3A_400 = arith.index_cast %get3A_399 : i32 to index
      %get3A_401 = arith.index_cast %mul3A_398 : i32 to index
      %get3A_402 = tpu.vector_load %arg6[%get3A_400, %get3A_401] {strides = array<i32>} : memref<4x256xi32, #tpu.memory_space<vmem>>, vector<16xi32>,
      %broadcast_in_dim3A_403 = arith.constant 0 : i32
      %broadcast_in_dim3A_404 = vector.broadcast %broadcast_in_dim3A_403 : i32 to vector<16xi32>
      %gather3A_405 = tpu.vector_load_idx %arg5[%broadcast_in_dim3A_404, %get3A_402] : memref<8x512xf32, #tpu.memory_space<vmem>>[vector<16xi32>, vector<16xi32>], vector<16xf32>,
      %swap3A_406 = arith.constant 0 : i32
      %swap3A_407 = arith.constant 0 : i32
      %swap3A_408 = arith.index_cast %swap3A_406 : i32 to index
      %swap3A_409 = arith.index_cast %swap3A_407 : i32 to index
      %swap3A_410 = arith.index_cast %mul3A_398 : i32 to index
      %swap3A_411 = tpu.vector_load %arg7[%swap3A_408, %swap3A_409, %swap3A_410] {strides = array<i32>} : memref<4x8x256xf32, #tpu.memory_space<vmem>>, vector<16xf32>,
      tpu.vector_store %arg7[%swap3A_408, %swap3A_409, %swap3A_410], %gather3A_405 {strides = array<i32>} : memref<4x8x256xf32, #tpu.memory_space<vmem>>, vector<16xf32>,
      %broadcast_in_dim3A_412 = arith.constant 1 : i32
      %broadcast_in_dim3A_413 = vector.broadcast %broadcast_in_dim3A_412 : i32 to vector<16xi32>
      %gather3A_414 = tpu.vector_load_idx %arg5[%broadcast_in_dim3A_413, %get3A_402] : memref<8x512xf32, #tpu.memory_space<vmem>>[vector<16xi32>, vector<16xi32>], vector<16xf32>,
      %swap3A_415 = arith.constant 0 : i32
      %swap3A_416 = arith.constant 1 : i32
      %swap3A_417 = arith.index_cast %swap3A_415 : i32 to index
      %swap3A_418 = arith.index_cast %swap3A_416 : i32 to index
      %swap3A_419 = arith.index_cast %mul3A_398 : i32 to index
      %swap3A_420 = tpu.vector_load %arg7[%swap3A_417, %swap3A_418, %swap3A_419] {strides = array<i32>} : memref<4x8x256xf32, #tpu.memory_space<vmem>>, vector<16xf32>,
      tpu.vector_store %arg7[%swap3A_417, %swap3A_418, %swap3A_419], %gather3A_414 {strides = array<i32>} : memref<4x8x256xf32, #tpu.memory_space<vmem>>, vector<16xf32>,
      %broadcast_in_dim3A_421 = arith.constant 2 : i32
      %broadcast_in_dim3A_422 = vector.broadcast %broadcast_in_dim3A_421 : i32 to vector<16xi32>
      %gather3A_423 = tpu.vector_load_idx %arg5[%broadcast_in_dim3A_422, %get3A_402] : memref<8x512xf32, #tpu.memory_space<vmem>>[vector<16xi32>, vector<16xi32>], vector<16xf32>,
      %swap3A_424 = arith.constant 0 : i32
      %swap3A_425 = arith.constant 2 : i32
      %swap3A_426 = arith.index_cast %swap3A_424 : i32 to index
      %swap3A_427 = arith.index_cast %swap3A_425 : i32 to index
      %swap3A_428 = arith.index_cast %mul3A_398 : i32 to index
      %swap3A_429 = tpu.vector_load %arg7[%swap3A_426, %swap3A_427, %swap3A_428] {strides = array<i32>} : memref<4x8x256xf32, #tpu.memory_space<vmem>>, vector<16xf32>,
      tpu.vector_store %arg7[%swap3A_426, %swap3A_427, %swap3A_428], %gather3A_423 {strides = array<i32>} : memref<4x8x256xf32, #tpu.memory_space<vmem>>, vector<16xf32>,
      %broadcast_in_dim3A_430 = arith.constant 3 : i32
      %broadcast_in_dim3A_431 = vector.broadcast %broadcast_in_dim3A_430 : i32 to vector<16xi32>
      %gather3A_432 = tpu.vector_load_idx %arg5[%broadcast_in_dim3A_431, %get3A_402] : memref<8x512xf32, #tpu.memory_space<vmem>>[vector<16xi32>, vector<16xi32>], vector<16xf32>,
      %swap3A_433 = arith.constant 0 : i32
      %swap3A_434 = arith.constant 3 : i32
      %swap3A_435 = arith.index_cast %swap3A_433 : i32 to index
      %swap3A_436 = arith.index_cast %swap3A_434 : i32 to index
      %swap3A_437 = arith.index_cast %mul3A_398 : i32 to index
      %swap3A_438 = tpu.vector_load %arg7[%swap3A_435, %swap3A_436, %swap3A_437] {strides = array<i32>} : memref<4x8x256xf32, #tpu.memory_space<vmem>>, vector<16xf32>,
      tpu.vector_store %arg7[%swap3A_435, %swap3A_436, %swap3A_437], %gather3A_432 {strides = array<i32>} : memref<4x8x256xf32, #tpu.memory_space<vmem>>, vector<16xf32>,
      %broadcast_in_dim3A_439 = arith.constant 4 : i32
      %broadcast_in_dim3A_440 = vector.broadcast %broadcast_in_dim3A_439 : i32 to vector<16xi32>
      %gather3A_441 = tpu.vector_load_idx %arg5[%broadcast_in_dim3A_440, %get3A_402] : memref<8x512xf32, #tpu.memory_space<vmem>>[vector<16xi32>, vector<16xi32>], vector<16xf32>,
      %swap3A_442 = arith.constant 0 : i32
      %swap3A_443 = arith.constant 4 : i32
      %swap3A_444 = arith.index_cast %swap3A_442 : i32 to index
      %swap3A_445 = arith.index_cast %swap3A_443 : i32 to index
      %swap3A_446 = arith.index_cast %mul3A_398 : i32 to index
      %swap3A_447 = tpu.vector_load %arg7[%swap3A_444, %swap3A_445, %swap3A_446] {strides = array<i32>} : memref<4x8x256xf32, #tpu.memory_space<vmem>>, vector<16xf32>,
      tpu.vector_store %arg7[%swap3A_444, %swap3A_445, %swap3A_446], %gather3A_441 {strides = array<i32>} : memref<4x8x256xf32, #tpu.memory_space<vmem>>, vector<16xf32>,
      %broadcast_in_dim3A_448 = arith.constant 5 : i32
      %broadcast_in_dim3A_449 = vector.broadcast %broadcast_in_dim3A_448 : i32 to vector<16xi32>
      %gather3A_450 = tpu.vector_load_idx %arg5[%broadcast_in_dim3A_449, %get3A_402] : memref<8x512xf32, #tpu.memory_space<vmem>>[vector<16xi32>, vector<16xi32>], vector<16xf32>,
      %swap3A_451 = arith.constant 0 : i32
      %swap3A_452 = arith.constant 5 : i32
      %swap3A_453 = arith.index_cast %swap3A_451 : i32 to index
      %swap3A_454 = arith.index_cast %swap3A_452 : i32 to index
      %swap3A_455 = arith.index_cast %mul3A_398 : i32 to index
      %swap3A_456 = tpu.vector_load %arg7[%swap3A_453, %swap3A_454, %swap3A_455] {strides = array<i32>} : memref<4x8x256xf32, #tpu.memory_space<vmem>>, vector<16xf32>,
      tpu.vector_store %arg7[%swap3A_453, %swap3A_454, %swap3A_455], %gather3A_450 {strides = array<i32>} : memref<4x8x256xf32, #tpu.memory_space<vmem>>, vector<16xf32>,
      %broadcast_in_dim3A_457 = arith.constant 6 : i32
      %broadcast_in_dim3A_458 = vector.broadcast %broadcast_in_dim3A_457 : i32 to vector<16xi32>
      %gather3A_459 = tpu.vector_load_idx %arg5[%broadcast_in_dim3A_458, %get3A_402] : memref<8x512xf32, #tpu.memory_space<vmem>>[vector<16xi32>, vector<16xi32>], vector<16xf32>,
      %swap3A_460 = arith.constant 0 : i32
      %swap3A_461 = arith.constant 6 : i32
      %swap3A_462 = arith.index_cast %swap3A_460 : i32 to index
      %swap3A_463 = arith.index_cast %swap3A_461 : i32 to index
      %swap3A_464 = arith.index_cast %mul3A_398 : i32 to index
      %swap3A_465 = tpu.vector_load %arg7[%swap3A_462, %swap3A_463, %swap3A_464] {strides = array<i32>} : memref<4x8x256xf32, #tpu.memory_space<vmem>>, vector<16xf32>,
      tpu.vector_store %arg7[%swap3A_462, %swap3A_463, %swap3A_464], %gather3A_459 {strides = array<i32>} : memref<4x8x256xf32, #tpu.memory_space<vmem>>, vector<16xf32>,
      %broadcast_in_dim3A_466 = arith.constant 7 : i32
      %broadcast_in_dim3A_467 = vector.broadcast %broadcast_in_dim3A_466 : i32 to vector<16xi32>
      %gather3A_468 = tpu.vector_load_idx %arg5[%broadcast_in_dim3A_467, %get3A_402] : memref<8x512xf32, #tpu.memory_space<vmem>>[vector<16xi32>, vector<16xi32>], vector<16xf32>,
      %swap3A_469 = arith.constant 0 : i32
      %swap3A_470 = arith.constant 7 : i32
      %swap3A_471 = arith.index_cast %swap3A_469 : i32 to index
      %swap3A_472 = arith.index_cast %swap3A_470 : i32 to index
      %swap3A_473 = arith.index_cast %mul3A_398 : i32 to index
      %swap3A_474 = tpu.vector_load %arg7[%swap3A_471, %swap3A_472, %swap3A_473] {strides = array<i32>} : memref<4x8x256xf32, #tpu.memory_space<vmem>>, vector<16xf32>,
      tpu.vector_store %arg7[%swap3A_471, %swap3A_472, %swap3A_473], %gather3A_468 {strides = array<i32>} : memref<4x8x256xf32, #tpu.memory_space<vmem>>, vector<16xf32>,
    }
    %scan3A_13 = arith.constant 16 : i32
    %dma_start3A_14 = arith.constant 0 : i32
    %dma_start3A_15 = arith.constant 0 : i32
    %dma_start3A_16 = arith.constant 0 : i32
    %dma_start3A_17 = arith.constant 0 : i32
    %dma_start3A_18 = tpu.memref_slice %arg7[%dma_start3A_14, %dma_start3A_16, %dma_start3A_17] : memref<4x8x256xf32, #tpu.memory_space<vmem>> -> memref<1x8x256xf32, #tpu.memory_space<vmem>>
    %dma_start3A_19 = tpu.memref_squeeze %dma_start3A_18 : memref<1x8x256xf32, #tpu.memory_space<vmem>> -> memref<8x256xf32, #tpu.memory_space<vmem>>
    %dma_start3A_20 = arith.constant 0 : i32
    %dma_start3A_21 = tpu.memref_slice %arg4[%dma_start3A_15, %mul3A_2, %dma_start3A_20] : memref<4x256x256xf32, #tpu.memory_space<hbm>> -> memref<1x8x256xf32, #tpu.memory_space<hbm>>
    %dma_start3A_22 = tpu.memref_squeeze %dma_start3A_21 : memref<1x8x256xf32, #tpu.memory_space<hbm>> -> memref<8x256xf32, #tpu.memory_space<hbm>>
    %dma_start3A_23 = arith.constant 0 : i32
    %dma_start3A_24 = tpu.memref_slice %arg4[%dma_start3A_15, %mul3A_2, %dma_start3A_23] : memref<4x256x256xf32, #tpu.memory_space<hbm>> -> memref<1x8x256xf32, #tpu.memory_space<hbm>>
    %dma_start3A_25 = tpu.memref_squeeze %dma_start3A_24 : memref<1x8x256xf32, #tpu.memory_space<hbm>> -> memref<8x256xf32, #tpu.memory_space<hbm>>
    %dma_start3A_26 = arith.constant 0 : i32
    %dma_start3A_27 = arith.constant 0 : i32
    %dma_start3A_28 = tpu.memref_slice %arg7[%dma_start3A_14, %dma_start3A_26, %dma_start3A_27] : memref<4x8x256xf32, #tpu.memory_space<vmem>> -> memref<1x8x256xf32, #tpu.memory_space<vmem>>
    %dma_start3A_29 = tpu.memref_squeeze %dma_start3A_28 : memref<1x8x256xf32, #tpu.memory_space<vmem>> -> memref<8x256xf32, #tpu.memory_space<vmem>>
    tpu.enqueue_dma source(%dma_start3A_29 : memref<8x256xf32, #tpu.memory_space<vmem>>) target(%dma_start3A_25 : memref<8x256xf32, #tpu.memory_space<hbm>>) target_semaphore(%arg10 : memref<!tpu.dma_semaphore, #tpu.memory_space<semaphore_mem>>)
    %scan3A_30 = arith.constant 0 : i32
    %scan3A_31 = arith.constant 0 : i32
    %scan3A_32 = arith.constant 16 : i32
    %scan3A_33 = arith.addi %scan3A_31, %scan3A_32 : i32
    %scan3A_34 = arith.constant 4 : i32
    scf.for %scan3A_160 = %scan3A_31 to %scan3A_33 step %scan3A_34  : i32 {
      %mul3A_161 = arith.constant 16 : i32
      %mul3A_162 = arith.muli %scan3A_160, %mul3A_161 : i32
      %get3A = arith.constant 1 : i32
      %get3A_163 = arith.index_cast %get3A : i32 to index
      %get3A_164 = arith.index_cast %mul3A_162 : i32 to index
      %get3A_165 = tpu.vector_load %arg6[%get3A_163, %get3A_164] {strides = array<i32>} : memref<4x256xi32, #tpu.memory_space<vmem>>, vector<16xi32>,
      %broadcast_in_dim3A = arith.constant 0 : i32
      %broadcast_in_dim3A_166 = vector.broadcast %broadcast_in_dim3A : i32 to vector<16xi32>
      %gather3A = tpu.vector_load_idx %arg5[%broadcast_in_dim3A_166, %get3A_165] : memref<8x512xf32, #tpu.memory_space<vmem>>[vector<16xi32>, vector<16xi32>], vector<16xf32>,
      %swap3A = arith.constant 1 : i32
      %swap3A_167 = arith.constant 0 : i32
      %swap3A_168 = arith.index_cast %swap3A : i32 to index
      %swap3A_169 = arith.index_cast %swap3A_167 : i32 to index
      %swap3A_170 = arith.index_cast %mul3A_162 : i32 to index
      %swap3A_171 = tpu.vector_load %arg7[%swap3A_168, %swap3A_169, %swap3A_170] {strides = array<i32>} : memref<4x8x256xf32, #tpu.memory_space<vmem>>, vector<16xf32>,
      tpu.vector_store %arg7[%swap3A_168, %swap3A_169, %swap3A_170], %gather3A {strides = array<i32>} : memref<4x8x256xf32, #tpu.memory_space<vmem>>, vector<16xf32>,
      %broadcast_in_dim3A_172 = arith.constant 1 : i32
      %broadcast_in_dim3A_173 = vector.broadcast %broadcast_in_dim3A_172 : i32 to vector<16xi32>
      %gather3A_174 = tpu.vector_load_idx %arg5[%broadcast_in_dim3A_173, %get3A_165] : memref<8x512xf32, #tpu.memory_space<vmem>>[vector<16xi32>, vector<16xi32>], vector<16xf32>,
      %swap3A_175 = arith.constant 1 : i32
      %swap3A_176 = arith.constant 1 : i32
      %swap3A_177 = arith.index_cast %swap3A_175 : i32 to index
      %swap3A_178 = arith.index_cast %swap3A_176 : i32 to index
      %swap3A_179 = arith.index_cast %mul3A_162 : i32 to index
      %swap3A_180 = tpu.vector_load %arg7[%swap3A_177, %swap3A_178, %swap3A_179] {strides = array<i32>} : memref<4x8x256xf32, #tpu.memory_space<vmem>>, vector<16xf32>,
      tpu.vector_store %arg7[%swap3A_177, %swap3A_178, %swap3A_179], %gather3A_174 {strides = array<i32>} : memref<4x8x256xf32, #tpu.memory_space<vmem>>, vector<16xf32>,
      %broadcast_in_dim3A_181 = arith.constant 2 : i32
      %broadcast_in_dim3A_182 = vector.broadcast %broadcast_in_dim3A_181 : i32 to vector<16xi32>
      %gather3A_183 = tpu.vector_load_idx %arg5[%broadcast_in_dim3A_182, %get3A_165] : memref<8x512xf32, #tpu.memory_space<vmem>>[vector<16xi32>, vector<16xi32>], vector<16xf32>,
      %swap3A_184 = arith.constant 1 : i32
      %swap3A_185 = arith.constant 2 : i32
      %swap3A_186 = arith.index_cast %swap3A_184 : i32 to index
      %swap3A_187 = arith.index_cast %swap3A_185 : i32 to index
      %swap3A_188 = arith.index_cast %mul3A_162 : i32 to index
      %swap3A_189 = tpu.vector_load %arg7[%swap3A_186, %swap3A_187, %swap3A_188] {strides = array<i32>} : memref<4x8x256xf32, #tpu.memory_space<vmem>>, vector<16xf32>,
      tpu.vector_store %arg7[%swap3A_186, %swap3A_187, %swap3A_188], %gather3A_183 {strides = array<i32>} : memref<4x8x256xf32, #tpu.memory_space<vmem>>, vector<16xf32>,
      %broadcast_in_dim3A_190 = arith.constant 3 : i32
      %broadcast_in_dim3A_191 = vector.broadcast %broadcast_in_dim3A_190 : i32 to vector<16xi32>
      %gather3A_192 = tpu.vector_load_idx %arg5[%broadcast_in_dim3A_191, %get3A_165] : memref<8x512xf32, #tpu.memory_space<vmem>>[vector<16xi32>, vector<16xi32>], vector<16xf32>,
      %swap3A_193 = arith.constant 1 : i32
      %swap3A_194 = arith.constant 3 : i32
      %swap3A_195 = arith.index_cast %swap3A_193 : i32 to index
      %swap3A_196 = arith.index_cast %swap3A_194 : i32 to index
      %swap3A_197 = arith.index_cast %mul3A_162 : i32 to index
      %swap3A_198 = tpu.vector_load %arg7[%swap3A_195, %swap3A_196, %swap3A_197] {strides = array<i32>} : memref<4x8x256xf32, #tpu.memory_space<vmem>>, vector<16xf32>,
      tpu.vector_store %arg7[%swap3A_195, %swap3A_196, %swap3A_197], %gather3A_192 {strides = array<i32>} : memref<4x8x256xf32, #tpu.memory_space<vmem>>, vector<16xf32>,
      %broadcast_in_dim3A_199 = arith.constant 4 : i32
      %broadcast_in_dim3A_200 = vector.broadcast %broadcast_in_dim3A_199 : i32 to vector<16xi32>
      %gather3A_201 = tpu.vector_load_idx %arg5[%broadcast_in_dim3A_200, %get3A_165] : memref<8x512xf32, #tpu.memory_space<vmem>>[vector<16xi32>, vector<16xi32>], vector<16xf32>,
      %swap3A_202 = arith.constant 1 : i32
      %swap3A_203 = arith.constant 4 : i32
      %swap3A_204 = arith.index_cast %swap3A_202 : i32 to index
      %swap3A_205 = arith.index_cast %swap3A_203 : i32 to index
      %swap3A_206 = arith.index_cast %mul3A_162 : i32 to index
      %swap3A_207 = tpu.vector_load %arg7[%swap3A_204, %swap3A_205, %swap3A_206] {strides = array<i32>} : memref<4x8x256xf32, #tpu.memory_space<vmem>>, vector<16xf32>,
      tpu.vector_store %arg7[%swap3A_204, %swap3A_205, %swap3A_206], %gather3A_201 {strides = array<i32>} : memref<4x8x256xf32, #tpu.memory_space<vmem>>, vector<16xf32>,
      %broadcast_in_dim3A_208 = arith.constant 5 : i32
      %broadcast_in_dim3A_209 = vector.broadcast %broadcast_in_dim3A_208 : i32 to vector<16xi32>
      %gather3A_210 = tpu.vector_load_idx %arg5[%broadcast_in_dim3A_209, %get3A_165] : memref<8x512xf32, #tpu.memory_space<vmem>>[vector<16xi32>, vector<16xi32>], vector<16xf32>,
      %swap3A_211 = arith.constant 1 : i32
      %swap3A_212 = arith.constant 5 : i32
      %swap3A_213 = arith.index_cast %swap3A_211 : i32 to index
      %swap3A_214 = arith.index_cast %swap3A_212 : i32 to index
      %swap3A_215 = arith.index_cast %mul3A_162 : i32 to index
      %swap3A_216 = tpu.vector_load %arg7[%swap3A_213, %swap3A_214, %swap3A_215] {strides = array<i32>} : memref<4x8x256xf32, #tpu.memory_space<vmem>>, vector<16xf32>,
      tpu.vector_store %arg7[%swap3A_213, %swap3A_214, %swap3A_215], %gather3A_210 {strides = array<i32>} : memref<4x8x256xf32, #tpu.memory_space<vmem>>, vector<16xf32>,
      %broadcast_in_dim3A_217 = arith.constant 6 : i32
      %broadcast_in_dim3A_218 = vector.broadcast %broadcast_in_dim3A_217 : i32 to vector<16xi32>
      %gather3A_219 = tpu.vector_load_idx %arg5[%broadcast_in_dim3A_218, %get3A_165] : memref<8x512xf32, #tpu.memory_space<vmem>>[vector<16xi32>, vector<16xi32>], vector<16xf32>,
      %swap3A_220 = arith.constant 1 : i32
      %swap3A_221 = arith.constant 6 : i32
      %swap3A_222 = arith.index_cast %swap3A_220 : i32 to index
      %swap3A_223 = arith.index_cast %swap3A_221 : i32 to index
      %swap3A_224 = arith.index_cast %mul3A_162 : i32 to index
      %swap3A_225 = tpu.vector_load %arg7[%swap3A_222, %swap3A_223, %swap3A_224] {strides = array<i32>} : memref<4x8x256xf32, #tpu.memory_space<vmem>>, vector<16xf32>,
      tpu.vector_store %arg7[%swap3A_222, %swap3A_223, %swap3A_224], %gather3A_219 {strides = array<i32>} : memref<4x8x256xf32, #tpu.memory_space<vmem>>, vector<16xf32>,
      %broadcast_in_dim3A_226 = arith.constant 7 : i32
      %broadcast_in_dim3A_227 = vector.broadcast %broadcast_in_dim3A_226 : i32 to vector<16xi32>
      %gather3A_228 = tpu.vector_load_idx %arg5[%broadcast_in_dim3A_227, %get3A_165] : memref<8x512xf32, #tpu.memory_space<vmem>>[vector<16xi32>, vector<16xi32>], vector<16xf32>,
      %swap3A_229 = arith.constant 1 : i32
      %swap3A_230 = arith.constant 7 : i32
      %swap3A_231 = arith.index_cast %swap3A_229 : i32 to index
      %swap3A_232 = arith.index_cast %swap3A_230 : i32 to index
      %swap3A_233 = arith.index_cast %mul3A_162 : i32 to index
      %swap3A_234 = tpu.vector_load %arg7[%swap3A_231, %swap3A_232, %swap3A_233] {strides = array<i32>} : memref<4x8x256xf32, #tpu.memory_space<vmem>>, vector<16xf32>,
      tpu.vector_store %arg7[%swap3A_231, %swap3A_232, %swap3A_233], %gather3A_228 {strides = array<i32>} : memref<4x8x256xf32, #tpu.memory_space<vmem>>, vector<16xf32>,
      %scan3A_235 = arith.constant 1 : i32
      %scan3A_236 = arith.addi %scan3A_160, %scan3A_235 : i32
      %mul3A_237 = arith.constant 16 : i32
      %mul3A_238 = arith.muli %scan3A_236, %mul3A_237 : i32
      %get3A_239 = arith.constant 1 : i32
      %get3A_240 = arith.index_cast %get3A_239 : i32 to index
      %get3A_241 = arith.index_cast %mul3A_238 : i32 to index
      %get3A_242 = tpu.vector_load %arg6[%get3A_240, %get3A_241] {strides = array<i32>} : memref<4x256xi32, #tpu.memory_space<vmem>>, vector<16xi32>,
      %broadcast_in_dim3A_243 = arith.constant 0 : i32
      %broadcast_in_dim3A_244 = vector.broadcast %broadcast_in_dim3A_243 : i32 to vector<16xi32>
      %gather3A_245 = tpu.vector_load_idx %arg5[%broadcast_in_dim3A_244, %get3A_242] : memref<8x512xf32, #tpu.memory_space<vmem>>[vector<16xi32>, vector<16xi32>], vector<16xf32>,
      %swap3A_246 = arith.constant 1 : i32
      %swap3A_247 = arith.constant 0 : i32
      %swap3A_248 = arith.index_cast %swap3A_246 : i32 to index
      %swap3A_249 = arith.index_cast %swap3A_247 : i32 to index
      %swap3A_250 = arith.index_cast %mul3A_238 : i32 to index
      %swap3A_251 = tpu.vector_load %arg7[%swap3A_248, %swap3A_249, %swap3A_250] {strides = array<i32>} : memref<4x8x256xf32, #tpu.memory_space<vmem>>, vector<16xf32>,
      tpu.vector_store %arg7[%swap3A_248, %swap3A_249, %swap3A_250], %gather3A_245 {strides = array<i32>} : memref<4x8x256xf32, #tpu.memory_space<vmem>>, vector<16xf32>,
      %broadcast_in_dim3A_252 = arith.constant 1 : i32
      %broadcast_in_dim3A_253 = vector.broadcast %broadcast_in_dim3A_252 : i32 to vector<16xi32>
      %gather3A_254 = tpu.vector_load_idx %arg5[%broadcast_in_dim3A_253, %get3A_242] : memref<8x512xf32, #tpu.memory_space<vmem>>[vector<16xi32>, vector<16xi32>], vector<16xf32>,
      %swap3A_255 = arith.constant 1 : i32
      %swap3A_256 = arith.constant 1 : i32
      %swap3A_257 = arith.index_cast %swap3A_255 : i32 to index
      %swap3A_258 = arith.index_cast %swap3A_256 : i32 to index
      %swap3A_259 = arith.index_cast %mul3A_238 : i32 to index
      %swap3A_260 = tpu.vector_load %arg7[%swap3A_257, %swap3A_258, %swap3A_259] {strides = array<i32>} : memref<4x8x256xf32, #tpu.memory_space<vmem>>, vector<16xf32>,
      tpu.vector_store %arg7[%swap3A_257, %swap3A_258, %swap3A_259], %gather3A_254 {strides = array<i32>} : memref<4x8x256xf32, #tpu.memory_space<vmem>>, vector<16xf32>,
      %broadcast_in_dim3A_261 = arith.constant 2 : i32
      %broadcast_in_dim3A_262 = vector.broadcast %broadcast_in_dim3A_261 : i32 to vector<16xi32>
      %gather3A_263 = tpu.vector_load_idx %arg5[%broadcast_in_dim3A_262, %get3A_242] : memref<8x512xf32, #tpu.memory_space<vmem>>[vector<16xi32>, vector<16xi32>], vector<16xf32>,
      %swap3A_264 = arith.constant 1 : i32
      %swap3A_265 = arith.constant 2 : i32
      %swap3A_266 = arith.index_cast %swap3A_264 : i32 to index
      %swap3A_267 = arith.index_cast %swap3A_265 : i32 to index
      %swap3A_268 = arith.index_cast %mul3A_238 : i32 to index
      %swap3A_269 = tpu.vector_load %arg7[%swap3A_266, %swap3A_267, %swap3A_268] {strides = array<i32>} : memref<4x8x256xf32, #tpu.memory_space<vmem>>, vector<16xf32>,
      tpu.vector_store %arg7[%swap3A_266, %swap3A_267, %swap3A_268], %gather3A_263 {strides = array<i32>} : memref<4x8x256xf32, #tpu.memory_space<vmem>>, vector<16xf32>,
      %broadcast_in_dim3A_270 = arith.constant 3 : i32
      %broadcast_in_dim3A_271 = vector.broadcast %broadcast_in_dim3A_270 : i32 to vector<16xi32>
      %gather3A_272 = tpu.vector_load_idx %arg5[%broadcast_in_dim3A_271, %get3A_242] : memref<8x512xf32, #tpu.memory_space<vmem>>[vector<16xi32>, vector<16xi32>], vector<16xf32>,
      %swap3A_273 = arith.constant 1 : i32
      %swap3A_274 = arith.constant 3 : i32
      %swap3A_275 = arith.index_cast %swap3A_273 : i32 to index
      %swap3A_276 = arith.index_cast %swap3A_274 : i32 to index
      %swap3A_277 = arith.index_cast %mul3A_238 : i32 to index
      %swap3A_278 = tpu.vector_load %arg7[%swap3A_275, %swap3A_276, %swap3A_277] {strides = array<i32>} : memref<4x8x256xf32, #tpu.memory_space<vmem>>, vector<16xf32>,
      tpu.vector_store %arg7[%swap3A_275, %swap3A_276, %swap3A_277], %gather3A_272 {strides = array<i32>} : memref<4x8x256xf32, #tpu.memory_space<vmem>>, vector<16xf32>,
      %broadcast_in_dim3A_279 = arith.constant 4 : i32
      %broadcast_in_dim3A_280 = vector.broadcast %broadcast_in_dim3A_279 : i32 to vector<16xi32>
      %gather3A_281 = tpu.vector_load_idx %arg5[%broadcast_in_dim3A_280, %get3A_242] : memref<8x512xf32, #tpu.memory_space<vmem>>[vector<16xi32>, vector<16xi32>], vector<16xf32>,
      %swap3A_282 = arith.constant 1 : i32
      %swap3A_283 = arith.constant 4 : i32
      %swap3A_284 = arith.index_cast %swap3A_282 : i32 to index
      %swap3A_285 = arith.index_cast %swap3A_283 : i32 to index
      %swap3A_286 = arith.index_cast %mul3A_238 : i32 to index
      %swap3A_287 = tpu.vector_load %arg7[%swap3A_284, %swap3A_285, %swap3A_286] {strides = array<i32>} : memref<4x8x256xf32, #tpu.memory_space<vmem>>, vector<16xf32>,
      tpu.vector_store %arg7[%swap3A_284, %swap3A_285, %swap3A_286], %gather3A_281 {strides = array<i32>} : memref<4x8x256xf32, #tpu.memory_space<vmem>>, vector<16xf32>,
      %broadcast_in_dim3A_288 = arith.constant 5 : i32
      %broadcast_in_dim3A_289 = vector.broadcast %broadcast_in_dim3A_288 : i32 to vector<16xi32>
      %gather3A_290 = tpu.vector_load_idx %arg5[%broadcast_in_dim3A_289, %get3A_242] : memref<8x512xf32, #tpu.memory_space<vmem>>[vector<16xi32>, vector<16xi32>], vector<16xf32>,
      %swap3A_291 = arith.constant 1 : i32
      %swap3A_292 = arith.constant 5 : i32
      %swap3A_293 = arith.index_cast %swap3A_291 : i32 to index
      %swap3A_294 = arith.index_cast %swap3A_292 : i32 to index
      %swap3A_295 = arith.index_cast %mul3A_238 : i32 to index
      %swap3A_296 = tpu.vector_load %arg7[%swap3A_293, %swap3A_294, %swap3A_295] {strides = array<i32>} : memref<4x8x256xf32, #tpu.memory_space<vmem>>, vector<16xf32>,
      tpu.vector_store %arg7[%swap3A_293, %swap3A_294, %swap3A_295], %gather3A_290 {strides = array<i32>} : memref<4x8x256xf32, #tpu.memory_space<vmem>>, vector<16xf32>,
      %broadcast_in_dim3A_297 = arith.constant 6 : i32
      %broadcast_in_dim3A_298 = vector.broadcast %broadcast_in_dim3A_297 : i32 to vector<16xi32>
      %gather3A_299 = tpu.vector_load_idx %arg5[%broadcast_in_dim3A_298, %get3A_242] : memref<8x512xf32, #tpu.memory_space<vmem>>[vector<16xi32>, vector<16xi32>], vector<16xf32>,
      %swap3A_300 = arith.constant 1 : i32
      %swap3A_301 = arith.constant 6 : i32
      %swap3A_302 = arith.index_cast %swap3A_300 : i32 to index
      %swap3A_303 = arith.index_cast %swap3A_301 : i32 to index
      %swap3A_304 = arith.index_cast %mul3A_238 : i32 to index
      %swap3A_305 = tpu.vector_load %arg7[%swap3A_302, %swap3A_303, %swap3A_304] {strides = array<i32>} : memref<4x8x256xf32, #tpu.memory_space<vmem>>, vector<16xf32>,
      tpu.vector_store %arg7[%swap3A_302, %swap3A_303, %swap3A_304], %gather3A_299 {strides = array<i32>} : memref<4x8x256xf32, #tpu.memory_space<vmem>>, vector<16xf32>,
      %broadcast_in_dim3A_306 = arith.constant 7 : i32
      %broadcast_in_dim3A_307 = vector.broadcast %broadcast_in_dim3A_306 : i32 to vector<16xi32>
      %gather3A_308 = tpu.vector_load_idx %arg5[%broadcast_in_dim3A_307, %get3A_242] : memref<8x512xf32, #tpu.memory_space<vmem>>[vector<16xi32>, vector<16xi32>], vector<16xf32>,
      %swap3A_309 = arith.constant 1 : i32
      %swap3A_310 = arith.constant 7 : i32
      %swap3A_311 = arith.index_cast %swap3A_309 : i32 to index
      %swap3A_312 = arith.index_cast %swap3A_310 : i32 to index
      %swap3A_313 = arith.index_cast %mul3A_238 : i32 to index
      %swap3A_314 = tpu.vector_load %arg7[%swap3A_311, %swap3A_312, %swap3A_313] {strides = array<i32>} : memref<4x8x256xf32, #tpu.memory_space<vmem>>, vector<16xf32>,
      tpu.vector_store %arg7[%swap3A_311, %swap3A_312, %swap3A_313], %gather3A_308 {strides = array<i32>} : memref<4x8x256xf32, #tpu.memory_space<vmem>>, vector<16xf32>,
      %scan3A_315 = arith.constant 2 : i32
      %scan3A_316 = arith.addi %scan3A_160, %scan3A_315 : i32
      %mul3A_317 = arith.constant 16 : i32
      %mul3A_318 = arith.muli %scan3A_316, %mul3A_317 : i32
      %get3A_319 = arith.constant 1 : i32
      %get3A_320 = arith.index_cast %get3A_319 : i32 to index
      %get3A_321 = arith.index_cast %mul3A_318 : i32 to index
      %get3A_322 = tpu.vector_load %arg6[%get3A_320, %get3A_321] {strides = array<i32>} : memref<4x256xi32, #tpu.memory_space<vmem>>, vector<16xi32>,
      %broadcast_in_dim3A_323 = arith.constant 0 : i32
      %broadcast_in_dim3A_324 = vector.broadcast %broadcast_in_dim3A_323 : i32 to vector<16xi32>
      %gather3A_325 = tpu.vector_load_idx %arg5[%broadcast_in_dim3A_324, %get3A_322] : memref<8x512xf32, #tpu.memory_space<vmem>>[vector<16xi32>, vector<16xi32>], vector<16xf32>,
      %swap3A_326 = arith.constant 1 : i32
      %swap3A_327 = arith.constant 0 : i32
      %swap3A_328 = arith.index_cast %swap3A_326 : i32 to index
      %swap3A_329 = arith.index_cast %swap3A_327 : i32 to index
      %swap3A_330 = arith.index_cast %mul3A_318 : i32 to index
      %swap3A_331 = tpu.vector_load %arg7[%swap3A_328, %swap3A_329, %swap3A_330] {strides = array<i32>} : memref<4x8x256xf32, #tpu.memory_space<vmem>>, vector<16xf32>,
      tpu.vector_store %arg7[%swap3A_328, %swap3A_329, %swap3A_330], %gather3A_325 {strides = array<i32>} : memref<4x8x256xf32, #tpu.memory_space<vmem>>, vector<16xf32>,
      %broadcast_in_dim3A_332 = arith.constant 1 : i32
      %broadcast_in_dim3A_333 = vector.broadcast %broadcast_in_dim3A_332 : i32 to vector<16xi32>
      %gather3A_334 = tpu.vector_load_idx %arg5[%broadcast_in_dim3A_333, %get3A_322] : memref<8x512xf32, #tpu.memory_space<vmem>>[vector<16xi32>, vector<16xi32>], vector<16xf32>,
      %swap3A_335 = arith.constant 1 : i32
      %swap3A_336 = arith.constant 1 : i32
      %swap3A_337 = arith.index_cast %swap3A_335 : i32 to index
      %swap3A_338 = arith.index_cast %swap3A_336 : i32 to index
      %swap3A_339 = arith.index_cast %mul3A_318 : i32 to index
      %swap3A_340 = tpu.vector_load %arg7[%swap3A_337, %swap3A_338, %swap3A_339] {strides = array<i32>} : memref<4x8x256xf32, #tpu.memory_space<vmem>>, vector<16xf32>,
      tpu.vector_store %arg7[%swap3A_337, %swap3A_338, %swap3A_339], %gather3A_334 {strides = array<i32>} : memref<4x8x256xf32, #tpu.memory_space<vmem>>, vector<16xf32>,
      %broadcast_in_dim3A_341 = arith.constant 2 : i32
      %broadcast_in_dim3A_342 = vector.broadcast %broadcast_in_dim3A_341 : i32 to vector<16xi32>
      %gather3A_343 = tpu.vector_load_idx %arg5[%broadcast_in_dim3A_342, %get3A_322] : memref<8x512xf32, #tpu.memory_space<vmem>>[vector<16xi32>, vector<16xi32>], vector<16xf32>,
      %swap3A_344 = arith.constant 1 : i32
      %swap3A_345 = arith.constant 2 : i32
      %swap3A_346 = arith.index_cast %swap3A_344 : i32 to index
      %swap3A_347 = arith.index_cast %swap3A_345 : i32 to index
      %swap3A_348 = arith.index_cast %mul3A_318 : i32 to index
      %swap3A_349 = tpu.vector_load %arg7[%swap3A_346, %swap3A_347, %swap3A_348] {strides = array<i32>} : memref<4x8x256xf32, #tpu.memory_space<vmem>>, vector<16xf32>,
      tpu.vector_store %arg7[%swap3A_346, %swap3A_347, %swap3A_348], %gather3A_343 {strides = array<i32>} : memref<4x8x256xf32, #tpu.memory_space<vmem>>, vector<16xf32>,
      %broadcast_in_dim3A_350 = arith.constant 3 : i32
      %broadcast_in_dim3A_351 = vector.broadcast %broadcast_in_dim3A_350 : i32 to vector<16xi32>
      %gather3A_352 = tpu.vector_load_idx %arg5[%broadcast_in_dim3A_351, %get3A_322] : memref<8x512xf32, #tpu.memory_space<vmem>>[vector<16xi32>, vector<16xi32>], vector<16xf32>,
      %swap3A_353 = arith.constant 1 : i32
      %swap3A_354 = arith.constant 3 : i32
      %swap3A_355 = arith.index_cast %swap3A_353 : i32 to index
      %swap3A_356 = arith.index_cast %swap3A_354 : i32 to index
      %swap3A_357 = arith.index_cast %mul3A_318 : i32 to index
      %swap3A_358 = tpu.vector_load %arg7[%swap3A_355, %swap3A_356, %swap3A_357] {strides = array<i32>} : memref<4x8x256xf32, #tpu.memory_space<vmem>>, vector<16xf32>,
      tpu.vector_store %arg7[%swap3A_355, %swap3A_356, %swap3A_357], %gather3A_352 {strides = array<i32>} : memref<4x8x256xf32, #tpu.memory_space<vmem>>, vector<16xf32>,
      %broadcast_in_dim3A_359 = arith.constant 4 : i32
      %broadcast_in_dim3A_360 = vector.broadcast %broadcast_in_dim3A_359 : i32 to vector<16xi32>
      %gather3A_361 = tpu.vector_load_idx %arg5[%broadcast_in_dim3A_360, %get3A_322] : memref<8x512xf32, #tpu.memory_space<vmem>>[vector<16xi32>, vector<16xi32>], vector<16xf32>,
      %swap3A_362 = arith.constant 1 : i32
      %swap3A_363 = arith.constant 4 : i32
      %swap3A_364 = arith.index_cast %swap3A_362 : i32 to index
      %swap3A_365 = arith.index_cast %swap3A_363 : i32 to index
      %swap3A_366 = arith.index_cast %mul3A_318 : i32 to index
      %swap3A_367 = tpu.vector_load %arg7[%swap3A_364, %swap3A_365, %swap3A_366] {strides = array<i32>} : memref<4x8x256xf32, #tpu.memory_space<vmem>>, vector<16xf32>,
      tpu.vector_store %arg7[%swap3A_364, %swap3A_365, %swap3A_366], %gather3A_361 {strides = array<i32>} : memref<4x8x256xf32, #tpu.memory_space<vmem>>, vector<16xf32>,
      %broadcast_in_dim3A_368 = arith.constant 5 : i32
      %broadcast_in_dim3A_369 = vector.broadcast %broadcast_in_dim3A_368 : i32 to vector<16xi32>
      %gather3A_370 = tpu.vector_load_idx %arg5[%broadcast_in_dim3A_369, %get3A_322] : memref<8x512xf32, #tpu.memory_space<vmem>>[vector<16xi32>, vector<16xi32>], vector<16xf32>,
      %swap3A_371 = arith.constant 1 : i32
      %swap3A_372 = arith.constant 5 : i32
      %swap3A_373 = arith.index_cast %swap3A_371 : i32 to index
      %swap3A_374 = arith.index_cast %swap3A_372 : i32 to index
      %swap3A_375 = arith.index_cast %mul3A_318 : i32 to index
      %swap3A_376 = tpu.vector_load %arg7[%swap3A_373, %swap3A_374, %swap3A_375] {strides = array<i32>} : memref<4x8x256xf32, #tpu.memory_space<vmem>>, vector<16xf32>,
      tpu.vector_store %arg7[%swap3A_373, %swap3A_374, %swap3A_375], %gather3A_370 {strides = array<i32>} : memref<4x8x256xf32, #tpu.memory_space<vmem>>, vector<16xf32>,
      %broadcast_in_dim3A_377 = arith.constant 6 : i32
      %broadcast_in_dim3A_378 = vector.broadcast %broadcast_in_dim3A_377 : i32 to vector<16xi32>
      %gather3A_379 = tpu.vector_load_idx %arg5[%broadcast_in_dim3A_378, %get3A_322] : memref<8x512xf32, #tpu.memory_space<vmem>>[vector<16xi32>, vector<16xi32>], vector<16xf32>,
      %swap3A_380 = arith.constant 1 : i32
      %swap3A_381 = arith.constant 6 : i32
      %swap3A_382 = arith.index_cast %swap3A_380 : i32 to index
      %swap3A_383 = arith.index_cast %swap3A_381 : i32 to index
      %swap3A_384 = arith.index_cast %mul3A_318 : i32 to index
      %swap3A_385 = tpu.vector_load %arg7[%swap3A_382, %swap3A_383, %swap3A_384] {strides = array<i32>} : memref<4x8x256xf32, #tpu.memory_space<vmem>>, vector<16xf32>,
      tpu.vector_store %arg7[%swap3A_382, %swap3A_383, %swap3A_384], %gather3A_379 {strides = array<i32>} : memref<4x8x256xf32, #tpu.memory_space<vmem>>, vector<16xf32>,
      %broadcast_in_dim3A_386 = arith.constant 7 : i32
      %broadcast_in_dim3A_387 = vector.broadcast %broadcast_in_dim3A_386 : i32 to vector<16xi32>
      %gather3A_388 = tpu.vector_load_idx %arg5[%broadcast_in_dim3A_387, %get3A_322] : memref<8x512xf32, #tpu.memory_space<vmem>>[vector<16xi32>, vector<16xi32>], vector<16xf32>,
      %swap3A_389 = arith.constant 1 : i32
      %swap3A_390 = arith.constant 7 : i32
      %swap3A_391 = arith.index_cast %swap3A_389 : i32 to index
      %swap3A_392 = arith.index_cast %swap3A_390 : i32 to index
      %swap3A_393 = arith.index_cast %mul3A_318 : i32 to index
      %swap3A_394 = tpu.vector_load %arg7[%swap3A_391, %swap3A_392, %swap3A_393] {strides = array<i32>} : memref<4x8x256xf32, #tpu.memory_space<vmem>>, vector<16xf32>,
      tpu.vector_store %arg7[%swap3A_391, %swap3A_392, %swap3A_393], %gather3A_388 {strides = array<i32>} : memref<4x8x256xf32, #tpu.memory_space<vmem>>, vector<16xf32>,
      %scan3A_395 = arith.constant 3 : i32
      %scan3A_396 = arith.addi %scan3A_160, %scan3A_395 : i32
      %mul3A_397 = arith.constant 16 : i32
      %mul3A_398 = arith.muli %scan3A_396, %mul3A_397 : i32
      %get3A_399 = arith.constant 1 : i32
      %get3A_400 = arith.index_cast %get3A_399 : i32 to index
      %get3A_401 = arith.index_cast %mul3A_398 : i32 to index
      %get3A_402 = tpu.vector_load %arg6[%get3A_400, %get3A_401] {strides = array<i32>} : memref<4x256xi32, #tpu.memory_space<vmem>>, vector<16xi32>,
      %broadcast_in_dim3A_403 = arith.constant 0 : i32
      %broadcast_in_dim3A_404 = vector.broadcast %broadcast_in_dim3A_403 : i32 to vector<16xi32>
      %gather3A_405 = tpu.vector_load_idx %arg5[%broadcast_in_dim3A_404, %get3A_402] : memref<8x512xf32, #tpu.memory_space<vmem>>[vector<16xi32>, vector<16xi32>], vector<16xf32>,
      %swap3A_406 = arith.constant 1 : i32
      %swap3A_407 = arith.constant 0 : i32
      %swap3A_408 = arith.index_cast %swap3A_406 : i32 to index
      %swap3A_409 = arith.index_cast %swap3A_407 : i32 to index
      %swap3A_410 = arith.index_cast %mul3A_398 : i32 to index
      %swap3A_411 = tpu.vector_load %arg7[%swap3A_408, %swap3A_409, %swap3A_410] {strides = array<i32>} : memref<4x8x256xf32, #tpu.memory_space<vmem>>, vector<16xf32>,
      tpu.vector_store %arg7[%swap3A_408, %swap3A_409, %swap3A_410], %gather3A_405 {strides = array<i32>} : memref<4x8x256xf32, #tpu.memory_space<vmem>>, vector<16xf32>,
      %broadcast_in_dim3A_412 = arith.constant 1 : i32
      %broadcast_in_dim3A_413 = vector.broadcast %broadcast_in_dim3A_412 : i32 to vector<16xi32>
      %gather3A_414 = tpu.vector_load_idx %arg5[%broadcast_in_dim3A_413, %get3A_402] : memref<8x512xf32, #tpu.memory_space<vmem>>[vector<16xi32>, vector<16xi32>], vector<16xf32>,
      %swap3A_415 = arith.constant 1 : i32
      %swap3A_416 = arith.constant 1 : i32
      %swap3A_417 = arith.index_cast %swap3A_415 : i32 to index
      %swap3A_418 = arith.index_cast %swap3A_416 : i32 to index
      %swap3A_419 = arith.index_cast %mul3A_398 : i32 to index
      %swap3A_420 = tpu.vector_load %arg7[%swap3A_417, %swap3A_418, %swap3A_419] {strides = array<i32>} : memref<4x8x256xf32, #tpu.memory_space<vmem>>, vector<16xf32>,
      tpu.vector_store %arg7[%swap3A_417, %swap3A_418, %swap3A_419], %gather3A_414 {strides = array<i32>} : memref<4x8x256xf32, #tpu.memory_space<vmem>>, vector<16xf32>,
      %broadcast_in_dim3A_421 = arith.constant 2 : i32
      %broadcast_in_dim3A_422 = vector.broadcast %broadcast_in_dim3A_421 : i32 to vector<16xi32>
      %gather3A_423 = tpu.vector_load_idx %arg5[%broadcast_in_dim3A_422, %get3A_402] : memref<8x512xf32, #tpu.memory_space<vmem>>[vector<16xi32>, vector<16xi32>], vector<16xf32>,
      %swap3A_424 = arith.constant 1 : i32
      %swap3A_425 = arith.constant 2 : i32
      %swap3A_426 = arith.index_cast %swap3A_424 : i32 to index
      %swap3A_427 = arith.index_cast %swap3A_425 : i32 to index
      %swap3A_428 = arith.index_cast %mul3A_398 : i32 to index
      %swap3A_429 = tpu.vector_load %arg7[%swap3A_426, %swap3A_427, %swap3A_428] {strides = array<i32>} : memref<4x8x256xf32, #tpu.memory_space<vmem>>, vector<16xf32>,
      tpu.vector_store %arg7[%swap3A_426, %swap3A_427, %swap3A_428], %gather3A_423 {strides = array<i32>} : memref<4x8x256xf32, #tpu.memory_space<vmem>>, vector<16xf32>,
      %broadcast_in_dim3A_430 = arith.constant 3 : i32
      %broadcast_in_dim3A_431 = vector.broadcast %broadcast_in_dim3A_430 : i32 to vector<16xi32>
      %gather3A_432 = tpu.vector_load_idx %arg5[%broadcast_in_dim3A_431, %get3A_402] : memref<8x512xf32, #tpu.memory_space<vmem>>[vector<16xi32>, vector<16xi32>], vector<16xf32>,
      %swap3A_433 = arith.constant 1 : i32
      %swap3A_434 = arith.constant 3 : i32
      %swap3A_435 = arith.index_cast %swap3A_433 : i32 to index
      %swap3A_436 = arith.index_cast %swap3A_434 : i32 to index
      %swap3A_437 = arith.index_cast %mul3A_398 : i32 to index
      %swap3A_438 = tpu.vector_load %arg7[%swap3A_435, %swap3A_436, %swap3A_437] {strides = array<i32>} : memref<4x8x256xf32, #tpu.memory_space<vmem>>, vector<16xf32>,
      tpu.vector_store %arg7[%swap3A_435, %swap3A_436, %swap3A_437], %gather3A_432 {strides = array<i32>} : memref<4x8x256xf32, #tpu.memory_space<vmem>>, vector<16xf32>,
      %broadcast_in_dim3A_439 = arith.constant 4 : i32
      %broadcast_in_dim3A_440 = vector.broadcast %broadcast_in_dim3A_439 : i32 to vector<16xi32>
      %gather3A_441 = tpu.vector_load_idx %arg5[%broadcast_in_dim3A_440, %get3A_402] : memref<8x512xf32, #tpu.memory_space<vmem>>[vector<16xi32>, vector<16xi32>], vector<16xf32>,
      %swap3A_442 = arith.constant 1 : i32
      %swap3A_443 = arith.constant 4 : i32
      %swap3A_444 = arith.index_cast %swap3A_442 : i32 to index
      %swap3A_445 = arith.index_cast %swap3A_443 : i32 to index
      %swap3A_446 = arith.index_cast %mul3A_398 : i32 to index
      %swap3A_447 = tpu.vector_load %arg7[%swap3A_444, %swap3A_445, %swap3A_446] {strides = array<i32>} : memref<4x8x256xf32, #tpu.memory_space<vmem>>, vector<16xf32>,
      tpu.vector_store %arg7[%swap3A_444, %swap3A_445, %swap3A_446], %gather3A_441 {strides = array<i32>} : memref<4x8x256xf32, #tpu.memory_space<vmem>>, vector<16xf32>,
      %broadcast_in_dim3A_448 = arith.constant 5 : i32
      %broadcast_in_dim3A_449 = vector.broadcast %broadcast_in_dim3A_448 : i32 to vector<16xi32>
      %gather3A_450 = tpu.vector_load_idx %arg5[%broadcast_in_dim3A_449, %get3A_402] : memref<8x512xf32, #tpu.memory_space<vmem>>[vector<16xi32>, vector<16xi32>], vector<16xf32>,
      %swap3A_451 = arith.constant 1 : i32
      %swap3A_452 = arith.constant 5 : i32
      %swap3A_453 = arith.index_cast %swap3A_451 : i32 to index
      %swap3A_454 = arith.index_cast %swap3A_452 : i32 to index
      %swap3A_455 = arith.index_cast %mul3A_398 : i32 to index
      %swap3A_456 = tpu.vector_load %arg7[%swap3A_453, %swap3A_454, %swap3A_455] {strides = array<i32>} : memref<4x8x256xf32, #tpu.memory_space<vmem>>, vector<16xf32>,
      tpu.vector_store %arg7[%swap3A_453, %swap3A_454, %swap3A_455], %gather3A_450 {strides = array<i32>} : memref<4x8x256xf32, #tpu.memory_space<vmem>>, vector<16xf32>,
      %broadcast_in_dim3A_457 = arith.constant 6 : i32
      %broadcast_in_dim3A_458 = vector.broadcast %broadcast_in_dim3A_457 : i32 to vector<16xi32>
      %gather3A_459 = tpu.vector_load_idx %arg5[%broadcast_in_dim3A_458, %get3A_402] : memref<8x512xf32, #tpu.memory_space<vmem>>[vector<16xi32>, vector<16xi32>], vector<16xf32>,
      %swap3A_460 = arith.constant 1 : i32
      %swap3A_461 = arith.constant 6 : i32
      %swap3A_462 = arith.index_cast %swap3A_460 : i32 to index
      %swap3A_463 = arith.index_cast %swap3A_461 : i32 to index
      %swap3A_464 = arith.index_cast %mul3A_398 : i32 to index
      %swap3A_465 = tpu.vector_load %arg7[%swap3A_462, %swap3A_463, %swap3A_464] {strides = array<i32>} : memref<4x8x256xf32, #tpu.memory_space<vmem>>, vector<16xf32>,
      tpu.vector_store %arg7[%swap3A_462, %swap3A_463, %swap3A_464], %gather3A_459 {strides = array<i32>} : memref<4x8x256xf32, #tpu.memory_space<vmem>>, vector<16xf32>,
      %broadcast_in_dim3A_466 = arith.constant 7 : i32
      %broadcast_in_dim3A_467 = vector.broadcast %broadcast_in_dim3A_466 : i32 to vector<16xi32>
      %gather3A_468 = tpu.vector_load_idx %arg5[%broadcast_in_dim3A_467, %get3A_402] : memref<8x512xf32, #tpu.memory_space<vmem>>[vector<16xi32>, vector<16xi32>], vector<16xf32>,
      %swap3A_469 = arith.constant 1 : i32
      %swap3A_470 = arith.constant 7 : i32
      %swap3A_471 = arith.index_cast %swap3A_469 : i32 to index
      %swap3A_472 = arith.index_cast %swap3A_470 : i32 to index
      %swap3A_473 = arith.index_cast %mul3A_398 : i32 to index
      %swap3A_474 = tpu.vector_load %arg7[%swap3A_471, %swap3A_472, %swap3A_473] {strides = array<i32>} : memref<4x8x256xf32, #tpu.memory_space<vmem>>, vector<16xf32>,
      tpu.vector_store %arg7[%swap3A_471, %swap3A_472, %swap3A_473], %gather3A_468 {strides = array<i32>} : memref<4x8x256xf32, #tpu.memory_space<vmem>>, vector<16xf32>,
    }
    %scan3A_35 = arith.constant 16 : i32
    %dma_start3A_36 = arith.constant 1 : i32
    %dma_start3A_37 = arith.constant 1 : i32
    %dma_start3A_38 = arith.constant 0 : i32
    %dma_start3A_39 = arith.constant 0 : i32
    %dma_start3A_40 = tpu.memref_slice %arg7[%dma_start3A_36, %dma_start3A_38, %dma_start3A_39] : memref<4x8x256xf32, #tpu.memory_space<vmem>> -> memref<1x8x256xf32, #tpu.memory_space<vmem>>
    %dma_start3A_41 = tpu.memref_squeeze %dma_start3A_40 : memref<1x8x256xf32, #tpu.memory_space<vmem>> -> memref<8x256xf32, #tpu.memory_space<vmem>>
    %dma_start3A_42 = arith.constant 0 : i32
    %dma_start3A_43 = tpu.memref_slice %arg4[%dma_start3A_37, %mul3A_2, %dma_start3A_42] : memref<4x256x256xf32, #tpu.memory_space<hbm>> -> memref<1x8x256xf32, #tpu.memory_space<hbm>>
    %dma_start3A_44 = tpu.memref_squeeze %dma_start3A_43 : memref<1x8x256xf32, #tpu.memory_space<hbm>> -> memref<8x256xf32, #tpu.memory_space<hbm>>
    %dma_start3A_45 = arith.constant 0 : i32
    %dma_start3A_46 = tpu.memref_slice %arg4[%dma_start3A_37, %mul3A_2, %dma_start3A_45] : memref<4x256x256xf32, #tpu.memory_space<hbm>> -> memref<1x8x256xf32, #tpu.memory_space<hbm>>
    %dma_start3A_47 = tpu.memref_squeeze %dma_start3A_46 : memref<1x8x256xf32, #tpu.memory_space<hbm>> -> memref<8x256xf32, #tpu.memory_space<hbm>>
    %dma_start3A_48 = arith.constant 0 : i32
    %dma_start3A_49 = arith.constant 0 : i32
    %dma_start3A_50 = tpu.memref_slice %arg7[%dma_start3A_36, %dma_start3A_48, %dma_start3A_49] : memref<4x8x256xf32, #tpu.memory_space<vmem>> -> memref<1x8x256xf32, #tpu.memory_space<vmem>>
    %dma_start3A_51 = tpu.memref_squeeze %dma_start3A_50 : memref<1x8x256xf32, #tpu.memory_space<vmem>> -> memref<8x256xf32, #tpu.memory_space<vmem>>
    tpu.enqueue_dma source(%dma_start3A_51 : memref<8x256xf32, #tpu.memory_space<vmem>>) target(%dma_start3A_47 : memref<8x256xf32, #tpu.memory_space<hbm>>) target_semaphore(%arg10 : memref<!tpu.dma_semaphore, #tpu.memory_space<semaphore_mem>>)
    %scan3A_52 = arith.constant 0 : i32
    %scan3A_53 = arith.constant 0 : i32
    %scan3A_54 = arith.constant 16 : i32
    %scan3A_55 = arith.addi %scan3A_53, %scan3A_54 : i32
    %scan3A_56 = arith.constant 4 : i32
    scf.for %scan3A_160 = %scan3A_53 to %scan3A_55 step %scan3A_56  : i32 {
      %mul3A_161 = arith.constant 16 : i32
      %mul3A_162 = arith.muli %scan3A_160, %mul3A_161 : i32
      %get3A = arith.constant 2 : i32
      %get3A_163 = arith.index_cast %get3A : i32 to index
      %get3A_164 = arith.index_cast %mul3A_162 : i32 to index
      %get3A_165 = tpu.vector_load %arg6[%get3A_163, %get3A_164] {strides = array<i32>} : memref<4x256xi32, #tpu.memory_space<vmem>>, vector<16xi32>,
      %broadcast_in_dim3A = arith.constant 0 : i32
      %broadcast_in_dim3A_166 = vector.broadcast %broadcast_in_dim3A : i32 to vector<16xi32>
      %gather3A = tpu.vector_load_idx %arg5[%broadcast_in_dim3A_166, %get3A_165] : memref<8x512xf32, #tpu.memory_space<vmem>>[vector<16xi32>, vector<16xi32>], vector<16xf32>,
      %swap3A = arith.constant 2 : i32
      %swap3A_167 = arith.constant 0 : i32
      %swap3A_168 = arith.index_cast %swap3A : i32 to index
      %swap3A_169 = arith.index_cast %swap3A_167 : i32 to index
      %swap3A_170 = arith.index_cast %mul3A_162 : i32 to index
      %swap3A_171 = tpu.vector_load %arg7[%swap3A_168, %swap3A_169, %swap3A_170] {strides = array<i32>} : memref<4x8x256xf32, #tpu.memory_space<vmem>>, vector<16xf32>,
      tpu.vector_store %arg7[%swap3A_168, %swap3A_169, %swap3A_170], %gather3A {strides = array<i32>} : memref<4x8x256xf32, #tpu.memory_space<vmem>>, vector<16xf32>,
      %broadcast_in_dim3A_172 = arith.constant 1 : i32
      %broadcast_in_dim3A_173 = vector.broadcast %broadcast_in_dim3A_172 : i32 to vector<16xi32>
      %gather3A_174 = tpu.vector_load_idx %arg5[%broadcast_in_dim3A_173, %get3A_165] : memref<8x512xf32, #tpu.memory_space<vmem>>[vector<16xi32>, vector<16xi32>], vector<16xf32>,
      %swap3A_175 = arith.constant 2 : i32
      %swap3A_176 = arith.constant 1 : i32
      %swap3A_177 = arith.index_cast %swap3A_175 : i32 to index
      %swap3A_178 = arith.index_cast %swap3A_176 : i32 to index
      %swap3A_179 = arith.index_cast %mul3A_162 : i32 to index
      %swap3A_180 = tpu.vector_load %arg7[%swap3A_177, %swap3A_178, %swap3A_179] {strides = array<i32>} : memref<4x8x256xf32, #tpu.memory_space<vmem>>, vector<16xf32>,
      tpu.vector_store %arg7[%swap3A_177, %swap3A_178, %swap3A_179], %gather3A_174 {strides = array<i32>} : memref<4x8x256xf32, #tpu.memory_space<vmem>>, vector<16xf32>,
      %broadcast_in_dim3A_181 = arith.constant 2 : i32
      %broadcast_in_dim3A_182 = vector.broadcast %broadcast_in_dim3A_181 : i32 to vector<16xi32>
      %gather3A_183 = tpu.vector_load_idx %arg5[%broadcast_in_dim3A_182, %get3A_165] : memref<8x512xf32, #tpu.memory_space<vmem>>[vector<16xi32>, vector<16xi32>], vector<16xf32>,
      %swap3A_184 = arith.constant 2 : i32
      %swap3A_185 = arith.constant 2 : i32
      %swap3A_186 = arith.index_cast %swap3A_184 : i32 to index
      %swap3A_187 = arith.index_cast %swap3A_185 : i32 to index
      %swap3A_188 = arith.index_cast %mul3A_162 : i32 to index
      %swap3A_189 = tpu.vector_load %arg7[%swap3A_186, %swap3A_187, %swap3A_188] {strides = array<i32>} : memref<4x8x256xf32, #tpu.memory_space<vmem>>, vector<16xf32>,
      tpu.vector_store %arg7[%swap3A_186, %swap3A_187, %swap3A_188], %gather3A_183 {strides = array<i32>} : memref<4x8x256xf32, #tpu.memory_space<vmem>>, vector<16xf32>,
      %broadcast_in_dim3A_190 = arith.constant 3 : i32
      %broadcast_in_dim3A_191 = vector.broadcast %broadcast_in_dim3A_190 : i32 to vector<16xi32>
      %gather3A_192 = tpu.vector_load_idx %arg5[%broadcast_in_dim3A_191, %get3A_165] : memref<8x512xf32, #tpu.memory_space<vmem>>[vector<16xi32>, vector<16xi32>], vector<16xf32>,
      %swap3A_193 = arith.constant 2 : i32
      %swap3A_194 = arith.constant 3 : i32
      %swap3A_195 = arith.index_cast %swap3A_193 : i32 to index
      %swap3A_196 = arith.index_cast %swap3A_194 : i32 to index
      %swap3A_197 = arith.index_cast %mul3A_162 : i32 to index
      %swap3A_198 = tpu.vector_load %arg7[%swap3A_195, %swap3A_196, %swap3A_197] {strides = array<i32>} : memref<4x8x256xf32, #tpu.memory_space<vmem>>, vector<16xf32>,
      tpu.vector_store %arg7[%swap3A_195, %swap3A_196, %swap3A_197], %gather3A_192 {strides = array<i32>} : memref<4x8x256xf32, #tpu.memory_space<vmem>>, vector<16xf32>,
      %broadcast_in_dim3A_199 = arith.constant 4 : i32
      %broadcast_in_dim3A_200 = vector.broadcast %broadcast_in_dim3A_199 : i32 to vector<16xi32>
      %gather3A_201 = tpu.vector_load_idx %arg5[%broadcast_in_dim3A_200, %get3A_165] : memref<8x512xf32, #tpu.memory_space<vmem>>[vector<16xi32>, vector<16xi32>], vector<16xf32>,
      %swap3A_202 = arith.constant 2 : i32
      %swap3A_203 = arith.constant 4 : i32
      %swap3A_204 = arith.index_cast %swap3A_202 : i32 to index
      %swap3A_205 = arith.index_cast %swap3A_203 : i32 to index
      %swap3A_206 = arith.index_cast %mul3A_162 : i32 to index
      %swap3A_207 = tpu.vector_load %arg7[%swap3A_204, %swap3A_205, %swap3A_206] {strides = array<i32>} : memref<4x8x256xf32, #tpu.memory_space<vmem>>, vector<16xf32>,
      tpu.vector_store %arg7[%swap3A_204, %swap3A_205, %swap3A_206], %gather3A_201 {strides = array<i32>} : memref<4x8x256xf32, #tpu.memory_space<vmem>>, vector<16xf32>,
      %broadcast_in_dim3A_208 = arith.constant 5 : i32
      %broadcast_in_dim3A_209 = vector.broadcast %broadcast_in_dim3A_208 : i32 to vector<16xi32>
      %gather3A_210 = tpu.vector_load_idx %arg5[%broadcast_in_dim3A_209, %get3A_165] : memref<8x512xf32, #tpu.memory_space<vmem>>[vector<16xi32>, vector<16xi32>], vector<16xf32>,
      %swap3A_211 = arith.constant 2 : i32
      %swap3A_212 = arith.constant 5 : i32
      %swap3A_213 = arith.index_cast %swap3A_211 : i32 to index
      %swap3A_214 = arith.index_cast %swap3A_212 : i32 to index
      %swap3A_215 = arith.index_cast %mul3A_162 : i32 to index
      %swap3A_216 = tpu.vector_load %arg7[%swap3A_213, %swap3A_214, %swap3A_215] {strides = array<i32>} : memref<4x8x256xf32, #tpu.memory_space<vmem>>, vector<16xf32>,
      tpu.vector_store %arg7[%swap3A_213, %swap3A_214, %swap3A_215], %gather3A_210 {strides = array<i32>} : memref<4x8x256xf32, #tpu.memory_space<vmem>>, vector<16xf32>,
      %broadcast_in_dim3A_217 = arith.constant 6 : i32
      %broadcast_in_dim3A_218 = vector.broadcast %broadcast_in_dim3A_217 : i32 to vector<16xi32>
      %gather3A_219 = tpu.vector_load_idx %arg5[%broadcast_in_dim3A_218, %get3A_165] : memref<8x512xf32, #tpu.memory_space<vmem>>[vector<16xi32>, vector<16xi32>], vector<16xf32>,
      %swap3A_220 = arith.constant 2 : i32
      %swap3A_221 = arith.constant 6 : i32
      %swap3A_222 = arith.index_cast %swap3A_220 : i32 to index
      %swap3A_223 = arith.index_cast %swap3A_221 : i32 to index
      %swap3A_224 = arith.index_cast %mul3A_162 : i32 to index
      %swap3A_225 = tpu.vector_load %arg7[%swap3A_222, %swap3A_223, %swap3A_224] {strides = array<i32>} : memref<4x8x256xf32, #tpu.memory_space<vmem>>, vector<16xf32>,
      tpu.vector_store %arg7[%swap3A_222, %swap3A_223, %swap3A_224], %gather3A_219 {strides = array<i32>} : memref<4x8x256xf32, #tpu.memory_space<vmem>>, vector<16xf32>,
      %broadcast_in_dim3A_226 = arith.constant 7 : i32
      %broadcast_in_dim3A_227 = vector.broadcast %broadcast_in_dim3A_226 : i32 to vector<16xi32>
      %gather3A_228 = tpu.vector_load_idx %arg5[%broadcast_in_dim3A_227, %get3A_165] : memref<8x512xf32, #tpu.memory_space<vmem>>[vector<16xi32>, vector<16xi32>], vector<16xf32>,
      %swap3A_229 = arith.constant 2 : i32
      %swap3A_230 = arith.constant 7 : i32
      %swap3A_231 = arith.index_cast %swap3A_229 : i32 to index
      %swap3A_232 = arith.index_cast %swap3A_230 : i32 to index
      %swap3A_233 = arith.index_cast %mul3A_162 : i32 to index
      %swap3A_234 = tpu.vector_load %arg7[%swap3A_231, %swap3A_232, %swap3A_233] {strides = array<i32>} : memref<4x8x256xf32, #tpu.memory_space<vmem>>, vector<16xf32>,
      tpu.vector_store %arg7[%swap3A_231, %swap3A_232, %swap3A_233], %gather3A_228 {strides = array<i32>} : memref<4x8x256xf32, #tpu.memory_space<vmem>>, vector<16xf32>,
      %scan3A_235 = arith.constant 1 : i32
      %scan3A_236 = arith.addi %scan3A_160, %scan3A_235 : i32
      %mul3A_237 = arith.constant 16 : i32
      %mul3A_238 = arith.muli %scan3A_236, %mul3A_237 : i32
      %get3A_239 = arith.constant 2 : i32
      %get3A_240 = arith.index_cast %get3A_239 : i32 to index
      %get3A_241 = arith.index_cast %mul3A_238 : i32 to index
      %get3A_242 = tpu.vector_load %arg6[%get3A_240, %get3A_241] {strides = array<i32>} : memref<4x256xi32, #tpu.memory_space<vmem>>, vector<16xi32>,
      %broadcast_in_dim3A_243 = arith.constant 0 : i32
      %broadcast_in_dim3A_244 = vector.broadcast %broadcast_in_dim3A_243 : i32 to vector<16xi32>
      %gather3A_245 = tpu.vector_load_idx %arg5[%broadcast_in_dim3A_244, %get3A_242] : memref<8x512xf32, #tpu.memory_space<vmem>>[vector<16xi32>, vector<16xi32>], vector<16xf32>,
      %swap3A_246 = arith.constant 2 : i32
      %swap3A_247 = arith.constant 0 : i32
      %swap3A_248 = arith.index_cast %swap3A_246 : i32 to index
      %swap3A_249 = arith.index_cast %swap3A_247 : i32 to index
      %swap3A_250 = arith.index_cast %mul3A_238 : i32 to index
      %swap3A_251 = tpu.vector_load %arg7[%swap3A_248, %swap3A_249, %swap3A_250] {strides = array<i32>} : memref<4x8x256xf32, #tpu.memory_space<vmem>>, vector<16xf32>,
      tpu.vector_store %arg7[%swap3A_248, %swap3A_249, %swap3A_250], %gather3A_245 {strides = array<i32>} : memref<4x8x256xf32, #tpu.memory_space<vmem>>, vector<16xf32>,
      %broadcast_in_dim3A_252 = arith.constant 1 : i32
      %broadcast_in_dim3A_253 = vector.broadcast %broadcast_in_dim3A_252 : i32 to vector<16xi32>
      %gather3A_254 = tpu.vector_load_idx %arg5[%broadcast_in_dim3A_253, %get3A_242] : memref<8x512xf32, #tpu.memory_space<vmem>>[vector<16xi32>, vector<16xi32>], vector<16xf32>,
      %swap3A_255 = arith.constant 2 : i32
      %swap3A_256 = arith.constant 1 : i32
      %swap3A_257 = arith.index_cast %swap3A_255 : i32 to index
      %swap3A_258 = arith.index_cast %swap3A_256 : i32 to index
      %swap3A_259 = arith.index_cast %mul3A_238 : i32 to index
      %swap3A_260 = tpu.vector_load %arg7[%swap3A_257, %swap3A_258, %swap3A_259] {strides = array<i32>} : memref<4x8x256xf32, #tpu.memory_space<vmem>>, vector<16xf32>,
      tpu.vector_store %arg7[%swap3A_257, %swap3A_258, %swap3A_259], %gather3A_254 {strides = array<i32>} : memref<4x8x256xf32, #tpu.memory_space<vmem>>, vector<16xf32>,
      %broadcast_in_dim3A_261 = arith.constant 2 : i32
      %broadcast_in_dim3A_262 = vector.broadcast %broadcast_in_dim3A_261 : i32 to vector<16xi32>
      %gather3A_263 = tpu.vector_load_idx %arg5[%broadcast_in_dim3A_262, %get3A_242] : memref<8x512xf32, #tpu.memory_space<vmem>>[vector<16xi32>, vector<16xi32>], vector<16xf32>,
      %swap3A_264 = arith.constant 2 : i32
      %swap3A_265 = arith.constant 2 : i32
      %swap3A_266 = arith.index_cast %swap3A_264 : i32 to index
      %swap3A_267 = arith.index_cast %swap3A_265 : i32 to index
      %swap3A_268 = arith.index_cast %mul3A_238 : i32 to index
      %swap3A_269 = tpu.vector_load %arg7[%swap3A_266, %swap3A_267, %swap3A_268] {strides = array<i32>} : memref<4x8x256xf32, #tpu.memory_space<vmem>>, vector<16xf32>,
      tpu.vector_store %arg7[%swap3A_266, %swap3A_267, %swap3A_268], %gather3A_263 {strides = array<i32>} : memref<4x8x256xf32, #tpu.memory_space<vmem>>, vector<16xf32>,
      %broadcast_in_dim3A_270 = arith.constant 3 : i32
      %broadcast_in_dim3A_271 = vector.broadcast %broadcast_in_dim3A_270 : i32 to vector<16xi32>
      %gather3A_272 = tpu.vector_load_idx %arg5[%broadcast_in_dim3A_271, %get3A_242] : memref<8x512xf32, #tpu.memory_space<vmem>>[vector<16xi32>, vector<16xi32>], vector<16xf32>,
      %swap3A_273 = arith.constant 2 : i32
      %swap3A_274 = arith.constant 3 : i32
      %swap3A_275 = arith.index_cast %swap3A_273 : i32 to index
      %swap3A_276 = arith.index_cast %swap3A_274 : i32 to index
      %swap3A_277 = arith.index_cast %mul3A_238 : i32 to index
      %swap3A_278 = tpu.vector_load %arg7[%swap3A_275, %swap3A_276, %swap3A_277] {strides = array<i32>} : memref<4x8x256xf32, #tpu.memory_space<vmem>>, vector<16xf32>,
      tpu.vector_store %arg7[%swap3A_275, %swap3A_276, %swap3A_277], %gather3A_272 {strides = array<i32>} : memref<4x8x256xf32, #tpu.memory_space<vmem>>, vector<16xf32>,
      %broadcast_in_dim3A_279 = arith.constant 4 : i32
      %broadcast_in_dim3A_280 = vector.broadcast %broadcast_in_dim3A_279 : i32 to vector<16xi32>
      %gather3A_281 = tpu.vector_load_idx %arg5[%broadcast_in_dim3A_280, %get3A_242] : memref<8x512xf32, #tpu.memory_space<vmem>>[vector<16xi32>, vector<16xi32>], vector<16xf32>,
      %swap3A_282 = arith.constant 2 : i32
      %swap3A_283 = arith.constant 4 : i32
      %swap3A_284 = arith.index_cast %swap3A_282 : i32 to index
      %swap3A_285 = arith.index_cast %swap3A_283 : i32 to index
      %swap3A_286 = arith.index_cast %mul3A_238 : i32 to index
      %swap3A_287 = tpu.vector_load %arg7[%swap3A_284, %swap3A_285, %swap3A_286] {strides = array<i32>} : memref<4x8x256xf32, #tpu.memory_space<vmem>>, vector<16xf32>,
      tpu.vector_store %arg7[%swap3A_284, %swap3A_285, %swap3A_286], %gather3A_281 {strides = array<i32>} : memref<4x8x256xf32, #tpu.memory_space<vmem>>, vector<16xf32>,
      %broadcast_in_dim3A_288 = arith.constant 5 : i32
      %broadcast_in_dim3A_289 = vector.broadcast %broadcast_in_dim3A_288 : i32 to vector<16xi32>
      %gather3A_290 = tpu.vector_load_idx %arg5[%broadcast_in_dim3A_289, %get3A_242] : memref<8x512xf32, #tpu.memory_space<vmem>>[vector<16xi32>, vector<16xi32>], vector<16xf32>,
      %swap3A_291 = arith.constant 2 : i32
      %swap3A_292 = arith.constant 5 : i32
      %swap3A_293 = arith.index_cast %swap3A_291 : i32 to index
      %swap3A_294 = arith.index_cast %swap3A_292 : i32 to index
      %swap3A_295 = arith.index_cast %mul3A_238 : i32 to index
      %swap3A_296 = tpu.vector_load %arg7[%swap3A_293, %swap3A_294, %swap3A_295] {strides = array<i32>} : memref<4x8x256xf32, #tpu.memory_space<vmem>>, vector<16xf32>,
      tpu.vector_store %arg7[%swap3A_293, %swap3A_294, %swap3A_295], %gather3A_290 {strides = array<i32>} : memref<4x8x256xf32, #tpu.memory_space<vmem>>, vector<16xf32>,
      %broadcast_in_dim3A_297 = arith.constant 6 : i32
      %broadcast_in_dim3A_298 = vector.broadcast %broadcast_in_dim3A_297 : i32 to vector<16xi32>
      %gather3A_299 = tpu.vector_load_idx %arg5[%broadcast_in_dim3A_298, %get3A_242] : memref<8x512xf32, #tpu.memory_space<vmem>>[vector<16xi32>, vector<16xi32>], vector<16xf32>,
      %swap3A_300 = arith.constant 2 : i32
      %swap3A_301 = arith.constant 6 : i32
      %swap3A_302 = arith.index_cast %swap3A_300 : i32 to index
      %swap3A_303 = arith.index_cast %swap3A_301 : i32 to index
      %swap3A_304 = arith.index_cast %mul3A_238 : i32 to index
      %swap3A_305 = tpu.vector_load %arg7[%swap3A_302, %swap3A_303, %swap3A_304] {strides = array<i32>} : memref<4x8x256xf32, #tpu.memory_space<vmem>>, vector<16xf32>,
      tpu.vector_store %arg7[%swap3A_302, %swap3A_303, %swap3A_304], %gather3A_299 {strides = array<i32>} : memref<4x8x256xf32, #tpu.memory_space<vmem>>, vector<16xf32>,
      %broadcast_in_dim3A_306 = arith.constant 7 : i32
      %broadcast_in_dim3A_307 = vector.broadcast %broadcast_in_dim3A_306 : i32 to vector<16xi32>
      %gather3A_308 = tpu.vector_load_idx %arg5[%broadcast_in_dim3A_307, %get3A_242] : memref<8x512xf32, #tpu.memory_space<vmem>>[vector<16xi32>, vector<16xi32>], vector<16xf32>,
      %swap3A_309 = arith.constant 2 : i32
      %swap3A_310 = arith.constant 7 : i32
      %swap3A_311 = arith.index_cast %swap3A_309 : i32 to index
      %swap3A_312 = arith.index_cast %swap3A_310 : i32 to index
      %swap3A_313 = arith.index_cast %mul3A_238 : i32 to index
      %swap3A_314 = tpu.vector_load %arg7[%swap3A_311, %swap3A_312, %swap3A_313] {strides = array<i32>} : memref<4x8x256xf32, #tpu.memory_space<vmem>>, vector<16xf32>,
      tpu.vector_store %arg7[%swap3A_311, %swap3A_312, %swap3A_313], %gather3A_308 {strides = array<i32>} : memref<4x8x256xf32, #tpu.memory_space<vmem>>, vector<16xf32>,
      %scan3A_315 = arith.constant 2 : i32
      %scan3A_316 = arith.addi %scan3A_160, %scan3A_315 : i32
      %mul3A_317 = arith.constant 16 : i32
      %mul3A_318 = arith.muli %scan3A_316, %mul3A_317 : i32
      %get3A_319 = arith.constant 2 : i32
      %get3A_320 = arith.index_cast %get3A_319 : i32 to index
      %get3A_321 = arith.index_cast %mul3A_318 : i32 to index
      %get3A_322 = tpu.vector_load %arg6[%get3A_320, %get3A_321] {strides = array<i32>} : memref<4x256xi32, #tpu.memory_space<vmem>>, vector<16xi32>,
      %broadcast_in_dim3A_323 = arith.constant 0 : i32
      %broadcast_in_dim3A_324 = vector.broadcast %broadcast_in_dim3A_323 : i32 to vector<16xi32>
      %gather3A_325 = tpu.vector_load_idx %arg5[%broadcast_in_dim3A_324, %get3A_322] : memref<8x512xf32, #tpu.memory_space<vmem>>[vector<16xi32>, vector<16xi32>], vector<16xf32>,
      %swap3A_326 = arith.constant 2 : i32
      %swap3A_327 = arith.constant 0 : i32
      %swap3A_328 = arith.index_cast %swap3A_326 : i32 to index
      %swap3A_329 = arith.index_cast %swap3A_327 : i32 to index
      %swap3A_330 = arith.index_cast %mul3A_318 : i32 to index
      %swap3A_331 = tpu.vector_load %arg7[%swap3A_328, %swap3A_329, %swap3A_330] {strides = array<i32>} : memref<4x8x256xf32, #tpu.memory_space<vmem>>, vector<16xf32>,
      tpu.vector_store %arg7[%swap3A_328, %swap3A_329, %swap3A_330], %gather3A_325 {strides = array<i32>} : memref<4x8x256xf32, #tpu.memory_space<vmem>>, vector<16xf32>,
      %broadcast_in_dim3A_332 = arith.constant 1 : i32
      %broadcast_in_dim3A_333 = vector.broadcast %broadcast_in_dim3A_332 : i32 to vector<16xi32>
      %gather3A_334 = tpu.vector_load_idx %arg5[%broadcast_in_dim3A_333, %get3A_322] : memref<8x512xf32, #tpu.memory_space<vmem>>[vector<16xi32>, vector<16xi32>], vector<16xf32>,
      %swap3A_335 = arith.constant 2 : i32
      %swap3A_336 = arith.constant 1 : i32
      %swap3A_337 = arith.index_cast %swap3A_335 : i32 to index
      %swap3A_338 = arith.index_cast %swap3A_336 : i32 to index
      %swap3A_339 = arith.index_cast %mul3A_318 : i32 to index
      %swap3A_340 = tpu.vector_load %arg7[%swap3A_337, %swap3A_338, %swap3A_339] {strides = array<i32>} : memref<4x8x256xf32, #tpu.memory_space<vmem>>, vector<16xf32>,
      tpu.vector_store %arg7[%swap3A_337, %swap3A_338, %swap3A_339], %gather3A_334 {strides = array<i32>} : memref<4x8x256xf32, #tpu.memory_space<vmem>>, vector<16xf32>,
      %broadcast_in_dim3A_341 = arith.constant 2 : i32
      %broadcast_in_dim3A_342 = vector.broadcast %broadcast_in_dim3A_341 : i32 to vector<16xi32>
      %gather3A_343 = tpu.vector_load_idx %arg5[%broadcast_in_dim3A_342, %get3A_322] : memref<8x512xf32, #tpu.memory_space<vmem>>[vector<16xi32>, vector<16xi32>], vector<16xf32>,
      %swap3A_344 = arith.constant 2 : i32
      %swap3A_345 = arith.constant 2 : i32
      %swap3A_346 = arith.index_cast %swap3A_344 : i32 to index
      %swap3A_347 = arith.index_cast %swap3A_345 : i32 to index
      %swap3A_348 = arith.index_cast %mul3A_318 : i32 to index
      %swap3A_349 = tpu.vector_load %arg7[%swap3A_346, %swap3A_347, %swap3A_348] {strides = array<i32>} : memref<4x8x256xf32, #tpu.memory_space<vmem>>, vector<16xf32>,
      tpu.vector_store %arg7[%swap3A_346, %swap3A_347, %swap3A_348], %gather3A_343 {strides = array<i32>} : memref<4x8x256xf32, #tpu.memory_space<vmem>>, vector<16xf32>,
      %broadcast_in_dim3A_350 = arith.constant 3 : i32
      %broadcast_in_dim3A_351 = vector.broadcast %broadcast_in_dim3A_350 : i32 to vector<16xi32>
      %gather3A_352 = tpu.vector_load_idx %arg5[%broadcast_in_dim3A_351, %get3A_322] : memref<8x512xf32, #tpu.memory_space<vmem>>[vector<16xi32>, vector<16xi32>], vector<16xf32>,
      %swap3A_353 = arith.constant 2 : i32
      %swap3A_354 = arith.constant 3 : i32
      %swap3A_355 = arith.index_cast %swap3A_353 : i32 to index
      %swap3A_356 = arith.index_cast %swap3A_354 : i32 to index
      %swap3A_357 = arith.index_cast %mul3A_318 : i32 to index
      %swap3A_358 = tpu.vector_load %arg7[%swap3A_355, %swap3A_356, %swap3A_357] {strides = array<i32>} : memref<4x8x256xf32, #tpu.memory_space<vmem>>, vector<16xf32>,
      tpu.vector_store %arg7[%swap3A_355, %swap3A_356, %swap3A_357], %gather3A_352 {strides = array<i32>} : memref<4x8x256xf32, #tpu.memory_space<vmem>>, vector<16xf32>,
      %broadcast_in_dim3A_359 = arith.constant 4 : i32
      %broadcast_in_dim3A_360 = vector.broadcast %broadcast_in_dim3A_359 : i32 to vector<16xi32>
      %gather3A_361 = tpu.vector_load_idx %arg5[%broadcast_in_dim3A_360, %get3A_322] : memref<8x512xf32, #tpu.memory_space<vmem>>[vector<16xi32>, vector<16xi32>], vector<16xf32>,
      %swap3A_362 = arith.constant 2 : i32
      %swap3A_363 = arith.constant 4 : i32
      %swap3A_364 = arith.index_cast %swap3A_362 : i32 to index
      %swap3A_365 = arith.index_cast %swap3A_363 : i32 to index
      %swap3A_366 = arith.index_cast %mul3A_318 : i32 to index
      %swap3A_367 = tpu.vector_load %arg7[%swap3A_364, %swap3A_365, %swap3A_366] {strides = array<i32>} : memref<4x8x256xf32, #tpu.memory_space<vmem>>, vector<16xf32>,
      tpu.vector_store %arg7[%swap3A_364, %swap3A_365, %swap3A_366], %gather3A_361 {strides = array<i32>} : memref<4x8x256xf32, #tpu.memory_space<vmem>>, vector<16xf32>,
      %broadcast_in_dim3A_368 = arith.constant 5 : i32
      %broadcast_in_dim3A_369 = vector.broadcast %broadcast_in_dim3A_368 : i32 to vector<16xi32>
      %gather3A_370 = tpu.vector_load_idx %arg5[%broadcast_in_dim3A_369, %get3A_322] : memref<8x512xf32, #tpu.memory_space<vmem>>[vector<16xi32>, vector<16xi32>], vector<16xf32>,
      %swap3A_371 = arith.constant 2 : i32
      %swap3A_372 = arith.constant 5 : i32
      %swap3A_373 = arith.index_cast %swap3A_371 : i32 to index
      %swap3A_374 = arith.index_cast %swap3A_372 : i32 to index
      %swap3A_375 = arith.index_cast %mul3A_318 : i32 to index
      %swap3A_376 = tpu.vector_load %arg7[%swap3A_373, %swap3A_374, %swap3A_375] {strides = array<i32>} : memref<4x8x256xf32, #tpu.memory_space<vmem>>, vector<16xf32>,
      tpu.vector_store %arg7[%swap3A_373, %swap3A_374, %swap3A_375], %gather3A_370 {strides = array<i32>} : memref<4x8x256xf32, #tpu.memory_space<vmem>>, vector<16xf32>,
      %broadcast_in_dim3A_377 = arith.constant 6 : i32
      %broadcast_in_dim3A_378 = vector.broadcast %broadcast_in_dim3A_377 : i32 to vector<16xi32>
      %gather3A_379 = tpu.vector_load_idx %arg5[%broadcast_in_dim3A_378, %get3A_322] : memref<8x512xf32, #tpu.memory_space<vmem>>[vector<16xi32>, vector<16xi32>], vector<16xf32>,
      %swap3A_380 = arith.constant 2 : i32
      %swap3A_381 = arith.constant 6 : i32
      %swap3A_382 = arith.index_cast %swap3A_380 : i32 to index
      %swap3A_383 = arith.index_cast %swap3A_381 : i32 to index
      %swap3A_384 = arith.index_cast %mul3A_318 : i32 to index
      %swap3A_385 = tpu.vector_load %arg7[%swap3A_382, %swap3A_383, %swap3A_384] {strides = array<i32>} : memref<4x8x256xf32, #tpu.memory_space<vmem>>, vector<16xf32>,
      tpu.vector_store %arg7[%swap3A_382, %swap3A_383, %swap3A_384], %gather3A_379 {strides = array<i32>} : memref<4x8x256xf32, #tpu.memory_space<vmem>>, vector<16xf32>,
      %broadcast_in_dim3A_386 = arith.constant 7 : i32
      %broadcast_in_dim3A_387 = vector.broadcast %broadcast_in_dim3A_386 : i32 to vector<16xi32>
      %gather3A_388 = tpu.vector_load_idx %arg5[%broadcast_in_dim3A_387, %get3A_322] : memref<8x512xf32, #tpu.memory_space<vmem>>[vector<16xi32>, vector<16xi32>], vector<16xf32>,
      %swap3A_389 = arith.constant 2 : i32
      %swap3A_390 = arith.constant 7 : i32
      %swap3A_391 = arith.index_cast %swap3A_389 : i32 to index
      %swap3A_392 = arith.index_cast %swap3A_390 : i32 to index
      %swap3A_393 = arith.index_cast %mul3A_318 : i32 to index
      %swap3A_394 = tpu.vector_load %arg7[%swap3A_391, %swap3A_392, %swap3A_393] {strides = array<i32>} : memref<4x8x256xf32, #tpu.memory_space<vmem>>, vector<16xf32>,
      tpu.vector_store %arg7[%swap3A_391, %swap3A_392, %swap3A_393], %gather3A_388 {strides = array<i32>} : memref<4x8x256xf32, #tpu.memory_space<vmem>>, vector<16xf32>,
      %scan3A_395 = arith.constant 3 : i32
      %scan3A_396 = arith.addi %scan3A_160, %scan3A_395 : i32
      %mul3A_397 = arith.constant 16 : i32
      %mul3A_398 = arith.muli %scan3A_396, %mul3A_397 : i32
      %get3A_399 = arith.constant 2 : i32
      %get3A_400 = arith.index_cast %get3A_399 : i32 to index
      %get3A_401 = arith.index_cast %mul3A_398 : i32 to index
      %get3A_402 = tpu.vector_load %arg6[%get3A_400, %get3A_401] {strides = array<i32>} : memref<4x256xi32, #tpu.memory_space<vmem>>, vector<16xi32>,
      %broadcast_in_dim3A_403 = arith.constant 0 : i32
      %broadcast_in_dim3A_404 = vector.broadcast %broadcast_in_dim3A_403 : i32 to vector<16xi32>
      %gather3A_405 = tpu.vector_load_idx %arg5[%broadcast_in_dim3A_404, %get3A_402] : memref<8x512xf32, #tpu.memory_space<vmem>>[vector<16xi32>, vector<16xi32>], vector<16xf32>,
      %swap3A_406 = arith.constant 2 : i32
      %swap3A_407 = arith.constant 0 : i32
      %swap3A_408 = arith.index_cast %swap3A_406 : i32 to index
      %swap3A_409 = arith.index_cast %swap3A_407 : i32 to index
      %swap3A_410 = arith.index_cast %mul3A_398 : i32 to index
      %swap3A_411 = tpu.vector_load %arg7[%swap3A_408, %swap3A_409, %swap3A_410] {strides = array<i32>} : memref<4x8x256xf32, #tpu.memory_space<vmem>>, vector<16xf32>,
      tpu.vector_store %arg7[%swap3A_408, %swap3A_409, %swap3A_410], %gather3A_405 {strides = array<i32>} : memref<4x8x256xf32, #tpu.memory_space<vmem>>, vector<16xf32>,
      %broadcast_in_dim3A_412 = arith.constant 1 : i32
      %broadcast_in_dim3A_413 = vector.broadcast %broadcast_in_dim3A_412 : i32 to vector<16xi32>
      %gather3A_414 = tpu.vector_load_idx %arg5[%broadcast_in_dim3A_413, %get3A_402] : memref<8x512xf32, #tpu.memory_space<vmem>>[vector<16xi32>, vector<16xi32>], vector<16xf32>,
      %swap3A_415 = arith.constant 2 : i32
      %swap3A_416 = arith.constant 1 : i32
      %swap3A_417 = arith.index_cast %swap3A_415 : i32 to index
      %swap3A_418 = arith.index_cast %swap3A_416 : i32 to index
      %swap3A_419 = arith.index_cast %mul3A_398 : i32 to index
      %swap3A_420 = tpu.vector_load %arg7[%swap3A_417, %swap3A_418, %swap3A_419] {strides = array<i32>} : memref<4x8x256xf32, #tpu.memory_space<vmem>>, vector<16xf32>,
      tpu.vector_store %arg7[%swap3A_417, %swap3A_418, %swap3A_419], %gather3A_414 {strides = array<i32>} : memref<4x8x256xf32, #tpu.memory_space<vmem>>, vector<16xf32>,
      %broadcast_in_dim3A_421 = arith.constant 2 : i32
      %broadcast_in_dim3A_422 = vector.broadcast %broadcast_in_dim3A_421 : i32 to vector<16xi32>
      %gather3A_423 = tpu.vector_load_idx %arg5[%broadcast_in_dim3A_422, %get3A_402] : memref<8x512xf32, #tpu.memory_space<vmem>>[vector<16xi32>, vector<16xi32>], vector<16xf32>,
      %swap3A_424 = arith.constant 2 : i32
      %swap3A_425 = arith.constant 2 : i32
      %swap3A_426 = arith.index_cast %swap3A_424 : i32 to index
      %swap3A_427 = arith.index_cast %swap3A_425 : i32 to index
      %swap3A_428 = arith.index_cast %mul3A_398 : i32 to index
      %swap3A_429 = tpu.vector_load %arg7[%swap3A_426, %swap3A_427, %swap3A_428] {strides = array<i32>} : memref<4x8x256xf32, #tpu.memory_space<vmem>>, vector<16xf32>,
      tpu.vector_store %arg7[%swap3A_426, %swap3A_427, %swap3A_428], %gather3A_423 {strides = array<i32>} : memref<4x8x256xf32, #tpu.memory_space<vmem>>, vector<16xf32>,
      %broadcast_in_dim3A_430 = arith.constant 3 : i32
      %broadcast_in_dim3A_431 = vector.broadcast %broadcast_in_dim3A_430 : i32 to vector<16xi32>
      %gather3A_432 = tpu.vector_load_idx %arg5[%broadcast_in_dim3A_431, %get3A_402] : memref<8x512xf32, #tpu.memory_space<vmem>>[vector<16xi32>, vector<16xi32>], vector<16xf32>,
      %swap3A_433 = arith.constant 2 : i32
      %swap3A_434 = arith.constant 3 : i32
      %swap3A_435 = arith.index_cast %swap3A_433 : i32 to index
      %swap3A_436 = arith.index_cast %swap3A_434 : i32 to index
      %swap3A_437 = arith.index_cast %mul3A_398 : i32 to index
      %swap3A_438 = tpu.vector_load %arg7[%swap3A_435, %swap3A_436, %swap3A_437] {strides = array<i32>} : memref<4x8x256xf32, #tpu.memory_space<vmem>>, vector<16xf32>,
      tpu.vector_store %arg7[%swap3A_435, %swap3A_436, %swap3A_437], %gather3A_432 {strides = array<i32>} : memref<4x8x256xf32, #tpu.memory_space<vmem>>, vector<16xf32>,
      %broadcast_in_dim3A_439 = arith.constant 4 : i32
      %broadcast_in_dim3A_440 = vector.broadcast %broadcast_in_dim3A_439 : i32 to vector<16xi32>
      %gather3A_441 = tpu.vector_load_idx %arg5[%broadcast_in_dim3A_440, %get3A_402] : memref<8x512xf32, #tpu.memory_space<vmem>>[vector<16xi32>, vector<16xi32>], vector<16xf32>,
      %swap3A_442 = arith.constant 2 : i32
      %swap3A_443 = arith.constant 4 : i32
      %swap3A_444 = arith.index_cast %swap3A_442 : i32 to index
      %swap3A_445 = arith.index_cast %swap3A_443 : i32 to index
      %swap3A_446 = arith.index_cast %mul3A_398 : i32 to index
      %swap3A_447 = tpu.vector_load %arg7[%swap3A_444, %swap3A_445, %swap3A_446] {strides = array<i32>} : memref<4x8x256xf32, #tpu.memory_space<vmem>>, vector<16xf32>,
      tpu.vector_store %arg7[%swap3A_444, %swap3A_445, %swap3A_446], %gather3A_441 {strides = array<i32>} : memref<4x8x256xf32, #tpu.memory_space<vmem>>, vector<16xf32>,
      %broadcast_in_dim3A_448 = arith.constant 5 : i32
      %broadcast_in_dim3A_449 = vector.broadcast %broadcast_in_dim3A_448 : i32 to vector<16xi32>
      %gather3A_450 = tpu.vector_load_idx %arg5[%broadcast_in_dim3A_449, %get3A_402] : memref<8x512xf32, #tpu.memory_space<vmem>>[vector<16xi32>, vector<16xi32>], vector<16xf32>,
      %swap3A_451 = arith.constant 2 : i32
      %swap3A_452 = arith.constant 5 : i32
      %swap3A_453 = arith.index_cast %swap3A_451 : i32 to index
      %swap3A_454 = arith.index_cast %swap3A_452 : i32 to index
      %swap3A_455 = arith.index_cast %mul3A_398 : i32 to index
      %swap3A_456 = tpu.vector_load %arg7[%swap3A_453, %swap3A_454, %swap3A_455] {strides = array<i32>} : memref<4x8x256xf32, #tpu.memory_space<vmem>>, vector<16xf32>,
      tpu.vector_store %arg7[%swap3A_453, %swap3A_454, %swap3A_455], %gather3A_450 {strides = array<i32>} : memref<4x8x256xf32, #tpu.memory_space<vmem>>, vector<16xf32>,
      %broadcast_in_dim3A_457 = arith.constant 6 : i32
      %broadcast_in_dim3A_458 = vector.broadcast %broadcast_in_dim3A_457 : i32 to vector<16xi32>
      %gather3A_459 = tpu.vector_load_idx %arg5[%broadcast_in_dim3A_458, %get3A_402] : memref<8x512xf32, #tpu.memory_space<vmem>>[vector<16xi32>, vector<16xi32>], vector<16xf32>,
      %swap3A_460 = arith.constant 2 : i32
      %swap3A_461 = arith.constant 6 : i32
      %swap3A_462 = arith.index_cast %swap3A_460 : i32 to index
      %swap3A_463 = arith.index_cast %swap3A_461 : i32 to index
      %swap3A_464 = arith.index_cast %mul3A_398 : i32 to index
      %swap3A_465 = tpu.vector_load %arg7[%swap3A_462, %swap3A_463, %swap3A_464] {strides = array<i32>} : memref<4x8x256xf32, #tpu.memory_space<vmem>>, vector<16xf32>,
      tpu.vector_store %arg7[%swap3A_462, %swap3A_463, %swap3A_464], %gather3A_459 {strides = array<i32>} : memref<4x8x256xf32, #tpu.memory_space<vmem>>, vector<16xf32>,
      %broadcast_in_dim3A_466 = arith.constant 7 : i32
      %broadcast_in_dim3A_467 = vector.broadcast %broadcast_in_dim3A_466 : i32 to vector<16xi32>
      %gather3A_468 = tpu.vector_load_idx %arg5[%broadcast_in_dim3A_467, %get3A_402] : memref<8x512xf32, #tpu.memory_space<vmem>>[vector<16xi32>, vector<16xi32>], vector<16xf32>,
      %swap3A_469 = arith.constant 2 : i32
      %swap3A_470 = arith.constant 7 : i32
      %swap3A_471 = arith.index_cast %swap3A_469 : i32 to index
      %swap3A_472 = arith.index_cast %swap3A_470 : i32 to index
      %swap3A_473 = arith.index_cast %mul3A_398 : i32 to index
      %swap3A_474 = tpu.vector_load %arg7[%swap3A_471, %swap3A_472, %swap3A_473] {strides = array<i32>} : memref<4x8x256xf32, #tpu.memory_space<vmem>>, vector<16xf32>,
      tpu.vector_store %arg7[%swap3A_471, %swap3A_472, %swap3A_473], %gather3A_468 {strides = array<i32>} : memref<4x8x256xf32, #tpu.memory_space<vmem>>, vector<16xf32>,
    }
    %scan3A_57 = arith.constant 16 : i32
    %dma_start3A_58 = arith.constant 2 : i32
    %dma_start3A_59 = arith.constant 2 : i32
    %dma_start3A_60 = arith.constant 0 : i32
    %dma_start3A_61 = arith.constant 0 : i32
    %dma_start3A_62 = tpu.memref_slice %arg7[%dma_start3A_58, %dma_start3A_60, %dma_start3A_61] : memref<4x8x256xf32, #tpu.memory_space<vmem>> -> memref<1x8x256xf32, #tpu.memory_space<vmem>>
    %dma_start3A_63 = tpu.memref_squeeze %dma_start3A_62 : memref<1x8x256xf32, #tpu.memory_space<vmem>> -> memref<8x256xf32, #tpu.memory_space<vmem>>
    %dma_start3A_64 = arith.constant 0 : i32
    %dma_start3A_65 = tpu.memref_slice %arg4[%dma_start3A_59, %mul3A_2, %dma_start3A_64] : memref<4x256x256xf32, #tpu.memory_space<hbm>> -> memref<1x8x256xf32, #tpu.memory_space<hbm>>
    %dma_start3A_66 = tpu.memref_squeeze %dma_start3A_65 : memref<1x8x256xf32, #tpu.memory_space<hbm>> -> memref<8x256xf32, #tpu.memory_space<hbm>>
    %dma_start3A_67 = arith.constant 0 : i32
    %dma_start3A_68 = tpu.memref_slice %arg4[%dma_start3A_59, %mul3A_2, %dma_start3A_67] : memref<4x256x256xf32, #tpu.memory_space<hbm>> -> memref<1x8x256xf32, #tpu.memory_space<hbm>>
    %dma_start3A_69 = tpu.memref_squeeze %dma_start3A_68 : memref<1x8x256xf32, #tpu.memory_space<hbm>> -> memref<8x256xf32, #tpu.memory_space<hbm>>
    %dma_start3A_70 = arith.constant 0 : i32
    %dma_start3A_71 = arith.constant 0 : i32
    %dma_start3A_72 = tpu.memref_slice %arg7[%dma_start3A_58, %dma_start3A_70, %dma_start3A_71] : memref<4x8x256xf32, #tpu.memory_space<vmem>> -> memref<1x8x256xf32, #tpu.memory_space<vmem>>
    %dma_start3A_73 = tpu.memref_squeeze %dma_start3A_72 : memref<1x8x256xf32, #tpu.memory_space<vmem>> -> memref<8x256xf32, #tpu.memory_space<vmem>>
    tpu.enqueue_dma source(%dma_start3A_73 : memref<8x256xf32, #tpu.memory_space<vmem>>) target(%dma_start3A_69 : memref<8x256xf32, #tpu.memory_space<hbm>>) target_semaphore(%arg10 : memref<!tpu.dma_semaphore, #tpu.memory_space<semaphore_mem>>)
    %scan3A_74 = arith.constant 0 : i32
    %scan3A_75 = arith.constant 0 : i32
    %scan3A_76 = arith.constant 16 : i32
    %scan3A_77 = arith.addi %scan3A_75, %scan3A_76 : i32
    %scan3A_78 = arith.constant 4 : i32
    scf.for %scan3A_160 = %scan3A_75 to %scan3A_77 step %scan3A_78  : i32 {
      %mul3A_161 = arith.constant 16 : i32
      %mul3A_162 = arith.muli %scan3A_160, %mul3A_161 : i32
      %get3A = arith.constant 3 : i32
      %get3A_163 = arith.index_cast %get3A : i32 to index
      %get3A_164 = arith.index_cast %mul3A_162 : i32 to index
      %get3A_165 = tpu.vector_load %arg6[%get3A_163, %get3A_164] {strides = array<i32>} : memref<4x256xi32, #tpu.memory_space<vmem>>, vector<16xi32>,
      %broadcast_in_dim3A = arith.constant 0 : i32
      %broadcast_in_dim3A_166 = vector.broadcast %broadcast_in_dim3A : i32 to vector<16xi32>
      %gather3A = tpu.vector_load_idx %arg5[%broadcast_in_dim3A_166, %get3A_165] : memref<8x512xf32, #tpu.memory_space<vmem>>[vector<16xi32>, vector<16xi32>], vector<16xf32>,
      %swap3A = arith.constant 3 : i32
      %swap3A_167 = arith.constant 0 : i32
      %swap3A_168 = arith.index_cast %swap3A : i32 to index
      %swap3A_169 = arith.index_cast %swap3A_167 : i32 to index
      %swap3A_170 = arith.index_cast %mul3A_162 : i32 to index
      %swap3A_171 = tpu.vector_load %arg7[%swap3A_168, %swap3A_169, %swap3A_170] {strides = array<i32>} : memref<4x8x256xf32, #tpu.memory_space<vmem>>, vector<16xf32>,
      tpu.vector_store %arg7[%swap3A_168, %swap3A_169, %swap3A_170], %gather3A {strides = array<i32>} : memref<4x8x256xf32, #tpu.memory_space<vmem>>, vector<16xf32>,
      %broadcast_in_dim3A_172 = arith.constant 1 : i32
      %broadcast_in_dim3A_173 = vector.broadcast %broadcast_in_dim3A_172 : i32 to vector<16xi32>
      %gather3A_174 = tpu.vector_load_idx %arg5[%broadcast_in_dim3A_173, %get3A_165] : memref<8x512xf32, #tpu.memory_space<vmem>>[vector<16xi32>, vector<16xi32>], vector<16xf32>,
      %swap3A_175 = arith.constant 3 : i32
      %swap3A_176 = arith.constant 1 : i32
      %swap3A_177 = arith.index_cast %swap3A_175 : i32 to index
      %swap3A_178 = arith.index_cast %swap3A_176 : i32 to index
      %swap3A_179 = arith.index_cast %mul3A_162 : i32 to index
      %swap3A_180 = tpu.vector_load %arg7[%swap3A_177, %swap3A_178, %swap3A_179] {strides = array<i32>} : memref<4x8x256xf32, #tpu.memory_space<vmem>>, vector<16xf32>,
      tpu.vector_store %arg7[%swap3A_177, %swap3A_178, %swap3A_179], %gather3A_174 {strides = array<i32>} : memref<4x8x256xf32, #tpu.memory_space<vmem>>, vector<16xf32>,
      %broadcast_in_dim3A_181 = arith.constant 2 : i32
      %broadcast_in_dim3A_182 = vector.broadcast %broadcast_in_dim3A_181 : i32 to vector<16xi32>
      %gather3A_183 = tpu.vector_load_idx %arg5[%broadcast_in_dim3A_182, %get3A_165] : memref<8x512xf32, #tpu.memory_space<vmem>>[vector<16xi32>, vector<16xi32>], vector<16xf32>,
      %swap3A_184 = arith.constant 3 : i32
      %swap3A_185 = arith.constant 2 : i32
      %swap3A_186 = arith.index_cast %swap3A_184 : i32 to index
      %swap3A_187 = arith.index_cast %swap3A_185 : i32 to index
      %swap3A_188 = arith.index_cast %mul3A_162 : i32 to index
      %swap3A_189 = tpu.vector_load %arg7[%swap3A_186, %swap3A_187, %swap3A_188] {strides = array<i32>} : memref<4x8x256xf32, #tpu.memory_space<vmem>>, vector<16xf32>,
      tpu.vector_store %arg7[%swap3A_186, %swap3A_187, %swap3A_188], %gather3A_183 {strides = array<i32>} : memref<4x8x256xf32, #tpu.memory_space<vmem>>, vector<16xf32>,
      %broadcast_in_dim3A_190 = arith.constant 3 : i32
      %broadcast_in_dim3A_191 = vector.broadcast %broadcast_in_dim3A_190 : i32 to vector<16xi32>
      %gather3A_192 = tpu.vector_load_idx %arg5[%broadcast_in_dim3A_191, %get3A_165] : memref<8x512xf32, #tpu.memory_space<vmem>>[vector<16xi32>, vector<16xi32>], vector<16xf32>,
      %swap3A_193 = arith.constant 3 : i32
      %swap3A_194 = arith.constant 3 : i32
      %swap3A_195 = arith.index_cast %swap3A_193 : i32 to index
      %swap3A_196 = arith.index_cast %swap3A_194 : i32 to index
      %swap3A_197 = arith.index_cast %mul3A_162 : i32 to index
      %swap3A_198 = tpu.vector_load %arg7[%swap3A_195, %swap3A_196, %swap3A_197] {strides = array<i32>} : memref<4x8x256xf32, #tpu.memory_space<vmem>>, vector<16xf32>,
      tpu.vector_store %arg7[%swap3A_195, %swap3A_196, %swap3A_197], %gather3A_192 {strides = array<i32>} : memref<4x8x256xf32, #tpu.memory_space<vmem>>, vector<16xf32>,
      %broadcast_in_dim3A_199 = arith.constant 4 : i32
      %broadcast_in_dim3A_200 = vector.broadcast %broadcast_in_dim3A_199 : i32 to vector<16xi32>
      %gather3A_201 = tpu.vector_load_idx %arg5[%broadcast_in_dim3A_200, %get3A_165] : memref<8x512xf32, #tpu.memory_space<vmem>>[vector<16xi32>, vector<16xi32>], vector<16xf32>,
      %swap3A_202 = arith.constant 3 : i32
      %swap3A_203 = arith.constant 4 : i32
      %swap3A_204 = arith.index_cast %swap3A_202 : i32 to index
      %swap3A_205 = arith.index_cast %swap3A_203 : i32 to index
      %swap3A_206 = arith.index_cast %mul3A_162 : i32 to index
      %swap3A_207 = tpu.vector_load %arg7[%swap3A_204, %swap3A_205, %swap3A_206] {strides = array<i32>} : memref<4x8x256xf32, #tpu.memory_space<vmem>>, vector<16xf32>,
      tpu.vector_store %arg7[%swap3A_204, %swap3A_205, %swap3A_206], %gather3A_201 {strides = array<i32>} : memref<4x8x256xf32, #tpu.memory_space<vmem>>, vector<16xf32>,
      %broadcast_in_dim3A_208 = arith.constant 5 : i32
      %broadcast_in_dim3A_209 = vector.broadcast %broadcast_in_dim3A_208 : i32 to vector<16xi32>
      %gather3A_210 = tpu.vector_load_idx %arg5[%broadcast_in_dim3A_209, %get3A_165] : memref<8x512xf32, #tpu.memory_space<vmem>>[vector<16xi32>, vector<16xi32>], vector<16xf32>,
      %swap3A_211 = arith.constant 3 : i32
      %swap3A_212 = arith.constant 5 : i32
      %swap3A_213 = arith.index_cast %swap3A_211 : i32 to index
      %swap3A_214 = arith.index_cast %swap3A_212 : i32 to index
      %swap3A_215 = arith.index_cast %mul3A_162 : i32 to index
      %swap3A_216 = tpu.vector_load %arg7[%swap3A_213, %swap3A_214, %swap3A_215] {strides = array<i32>} : memref<4x8x256xf32, #tpu.memory_space<vmem>>, vector<16xf32>,
      tpu.vector_store %arg7[%swap3A_213, %swap3A_214, %swap3A_215], %gather3A_210 {strides = array<i32>} : memref<4x8x256xf32, #tpu.memory_space<vmem>>, vector<16xf32>,
      %broadcast_in_dim3A_217 = arith.constant 6 : i32
      %broadcast_in_dim3A_218 = vector.broadcast %broadcast_in_dim3A_217 : i32 to vector<16xi32>
      %gather3A_219 = tpu.vector_load_idx %arg5[%broadcast_in_dim3A_218, %get3A_165] : memref<8x512xf32, #tpu.memory_space<vmem>>[vector<16xi32>, vector<16xi32>], vector<16xf32>,
      %swap3A_220 = arith.constant 3 : i32
      %swap3A_221 = arith.constant 6 : i32
      %swap3A_222 = arith.index_cast %swap3A_220 : i32 to index
      %swap3A_223 = arith.index_cast %swap3A_221 : i32 to index
      %swap3A_224 = arith.index_cast %mul3A_162 : i32 to index
      %swap3A_225 = tpu.vector_load %arg7[%swap3A_222, %swap3A_223, %swap3A_224] {strides = array<i32>} : memref<4x8x256xf32, #tpu.memory_space<vmem>>, vector<16xf32>,
      tpu.vector_store %arg7[%swap3A_222, %swap3A_223, %swap3A_224], %gather3A_219 {strides = array<i32>} : memref<4x8x256xf32, #tpu.memory_space<vmem>>, vector<16xf32>,
      %broadcast_in_dim3A_226 = arith.constant 7 : i32
      %broadcast_in_dim3A_227 = vector.broadcast %broadcast_in_dim3A_226 : i32 to vector<16xi32>
      %gather3A_228 = tpu.vector_load_idx %arg5[%broadcast_in_dim3A_227, %get3A_165] : memref<8x512xf32, #tpu.memory_space<vmem>>[vector<16xi32>, vector<16xi32>], vector<16xf32>,
      %swap3A_229 = arith.constant 3 : i32
      %swap3A_230 = arith.constant 7 : i32
      %swap3A_231 = arith.index_cast %swap3A_229 : i32 to index
      %swap3A_232 = arith.index_cast %swap3A_230 : i32 to index
      %swap3A_233 = arith.index_cast %mul3A_162 : i32 to index
      %swap3A_234 = tpu.vector_load %arg7[%swap3A_231, %swap3A_232, %swap3A_233] {strides = array<i32>} : memref<4x8x256xf32, #tpu.memory_space<vmem>>, vector<16xf32>,
      tpu.vector_store %arg7[%swap3A_231, %swap3A_232, %swap3A_233], %gather3A_228 {strides = array<i32>} : memref<4x8x256xf32, #tpu.memory_space<vmem>>, vector<16xf32>,
      %scan3A_235 = arith.constant 1 : i32
      %scan3A_236 = arith.addi %scan3A_160, %scan3A_235 : i32
      %mul3A_237 = arith.constant 16 : i32
      %mul3A_238 = arith.muli %scan3A_236, %mul3A_237 : i32
      %get3A_239 = arith.constant 3 : i32
      %get3A_240 = arith.index_cast %get3A_239 : i32 to index
      %get3A_241 = arith.index_cast %mul3A_238 : i32 to index
      %get3A_242 = tpu.vector_load %arg6[%get3A_240, %get3A_241] {strides = array<i32>} : memref<4x256xi32, #tpu.memory_space<vmem>>, vector<16xi32>,
      %broadcast_in_dim3A_243 = arith.constant 0 : i32
      %broadcast_in_dim3A_244 = vector.broadcast %broadcast_in_dim3A_243 : i32 to vector<16xi32>
      %gather3A_245 = tpu.vector_load_idx %arg5[%broadcast_in_dim3A_244, %get3A_242] : memref<8x512xf32, #tpu.memory_space<vmem>>[vector<16xi32>, vector<16xi32>], vector<16xf32>,
      %swap3A_246 = arith.constant 3 : i32
      %swap3A_247 = arith.constant 0 : i32
      %swap3A_248 = arith.index_cast %swap3A_246 : i32 to index
      %swap3A_249 = arith.index_cast %swap3A_247 : i32 to index
      %swap3A_250 = arith.index_cast %mul3A_238 : i32 to index
      %swap3A_251 = tpu.vector_load %arg7[%swap3A_248, %swap3A_249, %swap3A_250] {strides = array<i32>} : memref<4x8x256xf32, #tpu.memory_space<vmem>>, vector<16xf32>,
      tpu.vector_store %arg7[%swap3A_248, %swap3A_249, %swap3A_250], %gather3A_245 {strides = array<i32>} : memref<4x8x256xf32, #tpu.memory_space<vmem>>, vector<16xf32>,
      %broadcast_in_dim3A_252 = arith.constant 1 : i32
      %broadcast_in_dim3A_253 = vector.broadcast %broadcast_in_dim3A_252 : i32 to vector<16xi32>
      %gather3A_254 = tpu.vector_load_idx %arg5[%broadcast_in_dim3A_253, %get3A_242] : memref<8x512xf32, #tpu.memory_space<vmem>>[vector<16xi32>, vector<16xi32>], vector<16xf32>,
      %swap3A_255 = arith.constant 3 : i32
      %swap3A_256 = arith.constant 1 : i32
      %swap3A_257 = arith.index_cast %swap3A_255 : i32 to index
      %swap3A_258 = arith.index_cast %swap3A_256 : i32 to index
      %swap3A_259 = arith.index_cast %mul3A_238 : i32 to index
      %swap3A_260 = tpu.vector_load %arg7[%swap3A_257, %swap3A_258, %swap3A_259] {strides = array<i32>} : memref<4x8x256xf32, #tpu.memory_space<vmem>>, vector<16xf32>,
      tpu.vector_store %arg7[%swap3A_257, %swap3A_258, %swap3A_259], %gather3A_254 {strides = array<i32>} : memref<4x8x256xf32, #tpu.memory_space<vmem>>, vector<16xf32>,
      %broadcast_in_dim3A_261 = arith.constant 2 : i32
      %broadcast_in_dim3A_262 = vector.broadcast %broadcast_in_dim3A_261 : i32 to vector<16xi32>
      %gather3A_263 = tpu.vector_load_idx %arg5[%broadcast_in_dim3A_262, %get3A_242] : memref<8x512xf32, #tpu.memory_space<vmem>>[vector<16xi32>, vector<16xi32>], vector<16xf32>,
      %swap3A_264 = arith.constant 3 : i32
      %swap3A_265 = arith.constant 2 : i32
      %swap3A_266 = arith.index_cast %swap3A_264 : i32 to index
      %swap3A_267 = arith.index_cast %swap3A_265 : i32 to index
      %swap3A_268 = arith.index_cast %mul3A_238 : i32 to index
      %swap3A_269 = tpu.vector_load %arg7[%swap3A_266, %swap3A_267, %swap3A_268] {strides = array<i32>} : memref<4x8x256xf32, #tpu.memory_space<vmem>>, vector<16xf32>,
      tpu.vector_store %arg7[%swap3A_266, %swap3A_267, %swap3A_268], %gather3A_263 {strides = array<i32>} : memref<4x8x256xf32, #tpu.memory_space<vmem>>, vector<16xf32>,
      %broadcast_in_dim3A_270 = arith.constant 3 : i32
      %broadcast_in_dim3A_271 = vector.broadcast %broadcast_in_dim3A_270 : i32 to vector<16xi32>
      %gather3A_272 = tpu.vector_load_idx %arg5[%broadcast_in_dim3A_271, %get3A_242] : memref<8x512xf32, #tpu.memory_space<vmem>>[vector<16xi32>, vector<16xi32>], vector<16xf32>,
      %swap3A_273 = arith.constant 3 : i32
      %swap3A_274 = arith.constant 3 : i32
      %swap3A_275 = arith.index_cast %swap3A_273 : i32 to index
      %swap3A_276 = arith.index_cast %swap3A_274 : i32 to index
      %swap3A_277 = arith.index_cast %mul3A_238 : i32 to index
      %swap3A_278 = tpu.vector_load %arg7[%swap3A_275, %swap3A_276, %swap3A_277] {strides = array<i32>} : memref<4x8x256xf32, #tpu.memory_space<vmem>>, vector<16xf32>,
      tpu.vector_store %arg7[%swap3A_275, %swap3A_276, %swap3A_277], %gather3A_272 {strides = array<i32>} : memref<4x8x256xf32, #tpu.memory_space<vmem>>, vector<16xf32>,
      %broadcast_in_dim3A_279 = arith.constant 4 : i32
      %broadcast_in_dim3A_280 = vector.broadcast %broadcast_in_dim3A_279 : i32 to vector<16xi32>
      %gather3A_281 = tpu.vector_load_idx %arg5[%broadcast_in_dim3A_280, %get3A_242] : memref<8x512xf32, #tpu.memory_space<vmem>>[vector<16xi32>, vector<16xi32>], vector<16xf32>,
      %swap3A_282 = arith.constant 3 : i32
      %swap3A_283 = arith.constant 4 : i32
      %swap3A_284 = arith.index_cast %swap3A_282 : i32 to index
      %swap3A_285 = arith.index_cast %swap3A_283 : i32 to index
      %swap3A_286 = arith.index_cast %mul3A_238 : i32 to index
      %swap3A_287 = tpu.vector_load %arg7[%swap3A_284, %swap3A_285, %swap3A_286] {strides = array<i32>} : memref<4x8x256xf32, #tpu.memory_space<vmem>>, vector<16xf32>,
      tpu.vector_store %arg7[%swap3A_284, %swap3A_285, %swap3A_286], %gather3A_281 {strides = array<i32>} : memref<4x8x256xf32, #tpu.memory_space<vmem>>, vector<16xf32>,
      %broadcast_in_dim3A_288 = arith.constant 5 : i32
      %broadcast_in_dim3A_289 = vector.broadcast %broadcast_in_dim3A_288 : i32 to vector<16xi32>
      %gather3A_290 = tpu.vector_load_idx %arg5[%broadcast_in_dim3A_289, %get3A_242] : memref<8x512xf32, #tpu.memory_space<vmem>>[vector<16xi32>, vector<16xi32>], vector<16xf32>,
      %swap3A_291 = arith.constant 3 : i32
      %swap3A_292 = arith.constant 5 : i32
      %swap3A_293 = arith.index_cast %swap3A_291 : i32 to index
      %swap3A_294 = arith.index_cast %swap3A_292 : i32 to index
      %swap3A_295 = arith.index_cast %mul3A_238 : i32 to index
      %swap3A_296 = tpu.vector_load %arg7[%swap3A_293, %swap3A_294, %swap3A_295] {strides = array<i32>} : memref<4x8x256xf32, #tpu.memory_space<vmem>>, vector<16xf32>,
      tpu.vector_store %arg7[%swap3A_293, %swap3A_294, %swap3A_295], %gather3A_290 {strides = array<i32>} : memref<4x8x256xf32, #tpu.memory_space<vmem>>, vector<16xf32>,
      %broadcast_in_dim3A_297 = arith.constant 6 : i32
      %broadcast_in_dim3A_298 = vector.broadcast %broadcast_in_dim3A_297 : i32 to vector<16xi32>
      %gather3A_299 = tpu.vector_load_idx %arg5[%broadcast_in_dim3A_298, %get3A_242] : memref<8x512xf32, #tpu.memory_space<vmem>>[vector<16xi32>, vector<16xi32>], vector<16xf32>,
      %swap3A_300 = arith.constant 3 : i32
      %swap3A_301 = arith.constant 6 : i32
      %swap3A_302 = arith.index_cast %swap3A_300 : i32 to index
      %swap3A_303 = arith.index_cast %swap3A_301 : i32 to index
      %swap3A_304 = arith.index_cast %mul3A_238 : i32 to index
      %swap3A_305 = tpu.vector_load %arg7[%swap3A_302, %swap3A_303, %swap3A_304] {strides = array<i32>} : memref<4x8x256xf32, #tpu.memory_space<vmem>>, vector<16xf32>,
      tpu.vector_store %arg7[%swap3A_302, %swap3A_303, %swap3A_304], %gather3A_299 {strides = array<i32>} : memref<4x8x256xf32, #tpu.memory_space<vmem>>, vector<16xf32>,
      %broadcast_in_dim3A_306 = arith.constant 7 : i32
      %broadcast_in_dim3A_307 = vector.broadcast %broadcast_in_dim3A_306 : i32 to vector<16xi32>
      %gather3A_308 = tpu.vector_load_idx %arg5[%broadcast_in_dim3A_307, %get3A_242] : memref<8x512xf32, #tpu.memory_space<vmem>>[vector<16xi32>, vector<16xi32>], vector<16xf32>,
      %swap3A_309 = arith.constant 3 : i32
      %swap3A_310 = arith.constant 7 : i32
      %swap3A_311 = arith.index_cast %swap3A_309 : i32 to index
      %swap3A_312 = arith.index_cast %swap3A_310 : i32 to index
      %swap3A_313 = arith.index_cast %mul3A_238 : i32 to index
      %swap3A_314 = tpu.vector_load %arg7[%swap3A_311, %swap3A_312, %swap3A_313] {strides = array<i32>} : memref<4x8x256xf32, #tpu.memory_space<vmem>>, vector<16xf32>,
      tpu.vector_store %arg7[%swap3A_311, %swap3A_312, %swap3A_313], %gather3A_308 {strides = array<i32>} : memref<4x8x256xf32, #tpu.memory_space<vmem>>, vector<16xf32>,
      %scan3A_315 = arith.constant 2 : i32
      %scan3A_316 = arith.addi %scan3A_160, %scan3A_315 : i32
      %mul3A_317 = arith.constant 16 : i32
      %mul3A_318 = arith.muli %scan3A_316, %mul3A_317 : i32
      %get3A_319 = arith.constant 3 : i32
      %get3A_320 = arith.index_cast %get3A_319 : i32 to index
      %get3A_321 = arith.index_cast %mul3A_318 : i32 to index
      %get3A_322 = tpu.vector_load %arg6[%get3A_320, %get3A_321] {strides = array<i32>} : memref<4x256xi32, #tpu.memory_space<vmem>>, vector<16xi32>,
      %broadcast_in_dim3A_323 = arith.constant 0 : i32
      %broadcast_in_dim3A_324 = vector.broadcast %broadcast_in_dim3A_323 : i32 to vector<16xi32>
      %gather3A_325 = tpu.vector_load_idx %arg5[%broadcast_in_dim3A_324, %get3A_322] : memref<8x512xf32, #tpu.memory_space<vmem>>[vector<16xi32>, vector<16xi32>], vector<16xf32>,
      %swap3A_326 = arith.constant 3 : i32
      %swap3A_327 = arith.constant 0 : i32
      %swap3A_328 = arith.index_cast %swap3A_326 : i32 to index
      %swap3A_329 = arith.index_cast %swap3A_327 : i32 to index
      %swap3A_330 = arith.index_cast %mul3A_318 : i32 to index
      %swap3A_331 = tpu.vector_load %arg7[%swap3A_328, %swap3A_329, %swap3A_330] {strides = array<i32>} : memref<4x8x256xf32, #tpu.memory_space<vmem>>, vector<16xf32>,
      tpu.vector_store %arg7[%swap3A_328, %swap3A_329, %swap3A_330], %gather3A_325 {strides = array<i32>} : memref<4x8x256xf32, #tpu.memory_space<vmem>>, vector<16xf32>,
      %broadcast_in_dim3A_332 = arith.constant 1 : i32
      %broadcast_in_dim3A_333 = vector.broadcast %broadcast_in_dim3A_332 : i32 to vector<16xi32>
      %gather3A_334 = tpu.vector_load_idx %arg5[%broadcast_in_dim3A_333, %get3A_322] : memref<8x512xf32, #tpu.memory_space<vmem>>[vector<16xi32>, vector<16xi32>], vector<16xf32>,
      %swap3A_335 = arith.constant 3 : i32
      %swap3A_336 = arith.constant 1 : i32
      %swap3A_337 = arith.index_cast %swap3A_335 : i32 to index
      %swap3A_338 = arith.index_cast %swap3A_336 : i32 to index
      %swap3A_339 = arith.index_cast %mul3A_318 : i32 to index
      %swap3A_340 = tpu.vector_load %arg7[%swap3A_337, %swap3A_338, %swap3A_339] {strides = array<i32>} : memref<4x8x256xf32, #tpu.memory_space<vmem>>, vector<16xf32>,
      tpu.vector_store %arg7[%swap3A_337, %swap3A_338, %swap3A_339], %gather3A_334 {strides = array<i32>} : memref<4x8x256xf32, #tpu.memory_space<vmem>>, vector<16xf32>,
      %broadcast_in_dim3A_341 = arith.constant 2 : i32
      %broadcast_in_dim3A_342 = vector.broadcast %broadcast_in_dim3A_341 : i32 to vector<16xi32>
      %gather3A_343 = tpu.vector_load_idx %arg5[%broadcast_in_dim3A_342, %get3A_322] : memref<8x512xf32, #tpu.memory_space<vmem>>[vector<16xi32>, vector<16xi32>], vector<16xf32>,
      %swap3A_344 = arith.constant 3 : i32
      %swap3A_345 = arith.constant 2 : i32
      %swap3A_346 = arith.index_cast %swap3A_344 : i32 to index
      %swap3A_347 = arith.index_cast %swap3A_345 : i32 to index
      %swap3A_348 = arith.index_cast %mul3A_318 : i32 to index
      %swap3A_349 = tpu.vector_load %arg7[%swap3A_346, %swap3A_347, %swap3A_348] {strides = array<i32>} : memref<4x8x256xf32, #tpu.memory_space<vmem>>, vector<16xf32>,
      tpu.vector_store %arg7[%swap3A_346, %swap3A_347, %swap3A_348], %gather3A_343 {strides = array<i32>} : memref<4x8x256xf32, #tpu.memory_space<vmem>>, vector<16xf32>,
      %broadcast_in_dim3A_350 = arith.constant 3 : i32
      %broadcast_in_dim3A_351 = vector.broadcast %broadcast_in_dim3A_350 : i32 to vector<16xi32>
      %gather3A_352 = tpu.vector_load_idx %arg5[%broadcast_in_dim3A_351, %get3A_322] : memref<8x512xf32, #tpu.memory_space<vmem>>[vector<16xi32>, vector<16xi32>], vector<16xf32>,
      %swap3A_353 = arith.constant 3 : i32
      %swap3A_354 = arith.constant 3 : i32
      %swap3A_355 = arith.index_cast %swap3A_353 : i32 to index
      %swap3A_356 = arith.index_cast %swap3A_354 : i32 to index
      %swap3A_357 = arith.index_cast %mul3A_318 : i32 to index
      %swap3A_358 = tpu.vector_load %arg7[%swap3A_355, %swap3A_356, %swap3A_357] {strides = array<i32>} : memref<4x8x256xf32, #tpu.memory_space<vmem>>, vector<16xf32>,
      tpu.vector_store %arg7[%swap3A_355, %swap3A_356, %swap3A_357], %gather3A_352 {strides = array<i32>} : memref<4x8x256xf32, #tpu.memory_space<vmem>>, vector<16xf32>,
      %broadcast_in_dim3A_359 = arith.constant 4 : i32
      %broadcast_in_dim3A_360 = vector.broadcast %broadcast_in_dim3A_359 : i32 to vector<16xi32>
      %gather3A_361 = tpu.vector_load_idx %arg5[%broadcast_in_dim3A_360, %get3A_322] : memref<8x512xf32, #tpu.memory_space<vmem>>[vector<16xi32>, vector<16xi32>], vector<16xf32>,
      %swap3A_362 = arith.constant 3 : i32
      %swap3A_363 = arith.constant 4 : i32
      %swap3A_364 = arith.index_cast %swap3A_362 : i32 to index
      %swap3A_365 = arith.index_cast %swap3A_363 : i32 to index
      %swap3A_366 = arith.index_cast %mul3A_318 : i32 to index
      %swap3A_367 = tpu.vector_load %arg7[%swap3A_364, %swap3A_365, %swap3A_366] {strides = array<i32>} : memref<4x8x256xf32, #tpu.memory_space<vmem>>, vector<16xf32>,
      tpu.vector_store %arg7[%swap3A_364, %swap3A_365, %swap3A_366], %gather3A_361 {strides = array<i32>} : memref<4x8x256xf32, #tpu.memory_space<vmem>>, vector<16xf32>,
      %broadcast_in_dim3A_368 = arith.constant 5 : i32
      %broadcast_in_dim3A_369 = vector.broadcast %broadcast_in_dim3A_368 : i32 to vector<16xi32>
      %gather3A_370 = tpu.vector_load_idx %arg5[%broadcast_in_dim3A_369, %get3A_322] : memref<8x512xf32, #tpu.memory_space<vmem>>[vector<16xi32>, vector<16xi32>], vector<16xf32>,
      %swap3A_371 = arith.constant 3 : i32
      %swap3A_372 = arith.constant 5 : i32
      %swap3A_373 = arith.index_cast %swap3A_371 : i32 to index
      %swap3A_374 = arith.index_cast %swap3A_372 : i32 to index
      %swap3A_375 = arith.index_cast %mul3A_318 : i32 to index
      %swap3A_376 = tpu.vector_load %arg7[%swap3A_373, %swap3A_374, %swap3A_375] {strides = array<i32>} : memref<4x8x256xf32, #tpu.memory_space<vmem>>, vector<16xf32>,
      tpu.vector_store %arg7[%swap3A_373, %swap3A_374, %swap3A_375], %gather3A_370 {strides = array<i32>} : memref<4x8x256xf32, #tpu.memory_space<vmem>>, vector<16xf32>,
      %broadcast_in_dim3A_377 = arith.constant 6 : i32
      %broadcast_in_dim3A_378 = vector.broadcast %broadcast_in_dim3A_377 : i32 to vector<16xi32>
      %gather3A_379 = tpu.vector_load_idx %arg5[%broadcast_in_dim3A_378, %get3A_322] : memref<8x512xf32, #tpu.memory_space<vmem>>[vector<16xi32>, vector<16xi32>], vector<16xf32>,
      %swap3A_380 = arith.constant 3 : i32
      %swap3A_381 = arith.constant 6 : i32
      %swap3A_382 = arith.index_cast %swap3A_380 : i32 to index
      %swap3A_383 = arith.index_cast %swap3A_381 : i32 to index
      %swap3A_384 = arith.index_cast %mul3A_318 : i32 to index
      %swap3A_385 = tpu.vector_load %arg7[%swap3A_382, %swap3A_383, %swap3A_384] {strides = array<i32>} : memref<4x8x256xf32, #tpu.memory_space<vmem>>, vector<16xf32>,
      tpu.vector_store %arg7[%swap3A_382, %swap3A_383, %swap3A_384], %gather3A_379 {strides = array<i32>} : memref<4x8x256xf32, #tpu.memory_space<vmem>>, vector<16xf32>,
      %broadcast_in_dim3A_386 = arith.constant 7 : i32
      %broadcast_in_dim3A_387 = vector.broadcast %broadcast_in_dim3A_386 : i32 to vector<16xi32>
      %gather3A_388 = tpu.vector_load_idx %arg5[%broadcast_in_dim3A_387, %get3A_322] : memref<8x512xf32, #tpu.memory_space<vmem>>[vector<16xi32>, vector<16xi32>], vector<16xf32>,
      %swap3A_389 = arith.constant 3 : i32
      %swap3A_390 = arith.constant 7 : i32
      %swap3A_391 = arith.index_cast %swap3A_389 : i32 to index
      %swap3A_392 = arith.index_cast %swap3A_390 : i32 to index
      %swap3A_393 = arith.index_cast %mul3A_318 : i32 to index
      %swap3A_394 = tpu.vector_load %arg7[%swap3A_391, %swap3A_392, %swap3A_393] {strides = array<i32>} : memref<4x8x256xf32, #tpu.memory_space<vmem>>, vector<16xf32>,
      tpu.vector_store %arg7[%swap3A_391, %swap3A_392, %swap3A_393], %gather3A_388 {strides = array<i32>} : memref<4x8x256xf32, #tpu.memory_space<vmem>>, vector<16xf32>,
      %scan3A_395 = arith.constant 3 : i32
      %scan3A_396 = arith.addi %scan3A_160, %scan3A_395 : i32
      %mul3A_397 = arith.constant 16 : i32
      %mul3A_398 = arith.muli %scan3A_396, %mul3A_397 : i32
      %get3A_399 = arith.constant 3 : i32
      %get3A_400 = arith.index_cast %get3A_399 : i32 to index
      %get3A_401 = arith.index_cast %mul3A_398 : i32 to index
      %get3A_402 = tpu.vector_load %arg6[%get3A_400, %get3A_401] {strides = array<i32>} : memref<4x256xi32, #tpu.memory_space<vmem>>, vector<16xi32>,
      %broadcast_in_dim3A_403 = arith.constant 0 : i32
      %broadcast_in_dim3A_404 = vector.broadcast %broadcast_in_dim3A_403 : i32 to vector<16xi32>
      %gather3A_405 = tpu.vector_load_idx %arg5[%broadcast_in_dim3A_404, %get3A_402] : memref<8x512xf32, #tpu.memory_space<vmem>>[vector<16xi32>, vector<16xi32>], vector<16xf32>,
      %swap3A_406 = arith.constant 3 : i32
      %swap3A_407 = arith.constant 0 : i32
      %swap3A_408 = arith.index_cast %swap3A_406 : i32 to index
      %swap3A_409 = arith.index_cast %swap3A_407 : i32 to index
      %swap3A_410 = arith.index_cast %mul3A_398 : i32 to index
      %swap3A_411 = tpu.vector_load %arg7[%swap3A_408, %swap3A_409, %swap3A_410] {strides = array<i32>} : memref<4x8x256xf32, #tpu.memory_space<vmem>>, vector<16xf32>,
      tpu.vector_store %arg7[%swap3A_408, %swap3A_409, %swap3A_410], %gather3A_405 {strides = array<i32>} : memref<4x8x256xf32, #tpu.memory_space<vmem>>, vector<16xf32>,
      %broadcast_in_dim3A_412 = arith.constant 1 : i32
      %broadcast_in_dim3A_413 = vector.broadcast %broadcast_in_dim3A_412 : i32 to vector<16xi32>
      %gather3A_414 = tpu.vector_load_idx %arg5[%broadcast_in_dim3A_413, %get3A_402] : memref<8x512xf32, #tpu.memory_space<vmem>>[vector<16xi32>, vector<16xi32>], vector<16xf32>,
      %swap3A_415 = arith.constant 3 : i32
      %swap3A_416 = arith.constant 1 : i32
      %swap3A_417 = arith.index_cast %swap3A_415 : i32 to index
      %swap3A_418 = arith.index_cast %swap3A_416 : i32 to index
      %swap3A_419 = arith.index_cast %mul3A_398 : i32 to index
      %swap3A_420 = tpu.vector_load %arg7[%swap3A_417, %swap3A_418, %swap3A_419] {strides = array<i32>} : memref<4x8x256xf32, #tpu.memory_space<vmem>>, vector<16xf32>,
      tpu.vector_store %arg7[%swap3A_417, %swap3A_418, %swap3A_419], %gather3A_414 {strides = array<i32>} : memref<4x8x256xf32, #tpu.memory_space<vmem>>, vector<16xf32>,
      %broadcast_in_dim3A_421 = arith.constant 2 : i32
      %broadcast_in_dim3A_422 = vector.broadcast %broadcast_in_dim3A_421 : i32 to vector<16xi32>
      %gather3A_423 = tpu.vector_load_idx %arg5[%broadcast_in_dim3A_422, %get3A_402] : memref<8x512xf32, #tpu.memory_space<vmem>>[vector<16xi32>, vector<16xi32>], vector<16xf32>,
      %swap3A_424 = arith.constant 3 : i32
      %swap3A_425 = arith.constant 2 : i32
      %swap3A_426 = arith.index_cast %swap3A_424 : i32 to index
      %swap3A_427 = arith.index_cast %swap3A_425 : i32 to index
      %swap3A_428 = arith.index_cast %mul3A_398 : i32 to index
      %swap3A_429 = tpu.vector_load %arg7[%swap3A_426, %swap3A_427, %swap3A_428] {strides = array<i32>} : memref<4x8x256xf32, #tpu.memory_space<vmem>>, vector<16xf32>,
      tpu.vector_store %arg7[%swap3A_426, %swap3A_427, %swap3A_428], %gather3A_423 {strides = array<i32>} : memref<4x8x256xf32, #tpu.memory_space<vmem>>, vector<16xf32>,
      %broadcast_in_dim3A_430 = arith.constant 3 : i32
      %broadcast_in_dim3A_431 = vector.broadcast %broadcast_in_dim3A_430 : i32 to vector<16xi32>
      %gather3A_432 = tpu.vector_load_idx %arg5[%broadcast_in_dim3A_431, %get3A_402] : memref<8x512xf32, #tpu.memory_space<vmem>>[vector<16xi32>, vector<16xi32>], vector<16xf32>,
      %swap3A_433 = arith.constant 3 : i32
      %swap3A_434 = arith.constant 3 : i32
      %swap3A_435 = arith.index_cast %swap3A_433 : i32 to index
      %swap3A_436 = arith.index_cast %swap3A_434 : i32 to index
      %swap3A_437 = arith.index_cast %mul3A_398 : i32 to index
      %swap3A_438 = tpu.vector_load %arg7[%swap3A_435, %swap3A_436, %swap3A_437] {strides = array<i32>} : memref<4x8x256xf32, #tpu.memory_space<vmem>>, vector<16xf32>,
      tpu.vector_store %arg7[%swap3A_435, %swap3A_436, %swap3A_437], %gather3A_432 {strides = array<i32>} : memref<4x8x256xf32, #tpu.memory_space<vmem>>, vector<16xf32>,
      %broadcast_in_dim3A_439 = arith.constant 4 : i32
      %broadcast_in_dim3A_440 = vector.broadcast %broadcast_in_dim3A_439 : i32 to vector<16xi32>
      %gather3A_441 = tpu.vector_load_idx %arg5[%broadcast_in_dim3A_440, %get3A_402] : memref<8x512xf32, #tpu.memory_space<vmem>>[vector<16xi32>, vector<16xi32>], vector<16xf32>,
      %swap3A_442 = arith.constant 3 : i32
      %swap3A_443 = arith.constant 4 : i32
      %swap3A_444 = arith.index_cast %swap3A_442 : i32 to index
      %swap3A_445 = arith.index_cast %swap3A_443 : i32 to index
      %swap3A_446 = arith.index_cast %mul3A_398 : i32 to index
      %swap3A_447 = tpu.vector_load %arg7[%swap3A_444, %swap3A_445, %swap3A_446] {strides = array<i32>} : memref<4x8x256xf32, #tpu.memory_space<vmem>>, vector<16xf32>,
      tpu.vector_store %arg7[%swap3A_444, %swap3A_445, %swap3A_446], %gather3A_441 {strides = array<i32>} : memref<4x8x256xf32, #tpu.memory_space<vmem>>, vector<16xf32>,
      %broadcast_in_dim3A_448 = arith.constant 5 : i32
      %broadcast_in_dim3A_449 = vector.broadcast %broadcast_in_dim3A_448 : i32 to vector<16xi32>
      %gather3A_450 = tpu.vector_load_idx %arg5[%broadcast_in_dim3A_449, %get3A_402] : memref<8x512xf32, #tpu.memory_space<vmem>>[vector<16xi32>, vector<16xi32>], vector<16xf32>,
      %swap3A_451 = arith.constant 3 : i32
      %swap3A_452 = arith.constant 5 : i32
      %swap3A_453 = arith.index_cast %swap3A_451 : i32 to index
      %swap3A_454 = arith.index_cast %swap3A_452 : i32 to index
      %swap3A_455 = arith.index_cast %mul3A_398 : i32 to index
      %swap3A_456 = tpu.vector_load %arg7[%swap3A_453, %swap3A_454, %swap3A_455] {strides = array<i32>} : memref<4x8x256xf32, #tpu.memory_space<vmem>>, vector<16xf32>,
      tpu.vector_store %arg7[%swap3A_453, %swap3A_454, %swap3A_455], %gather3A_450 {strides = array<i32>} : memref<4x8x256xf32, #tpu.memory_space<vmem>>, vector<16xf32>,
      %broadcast_in_dim3A_457 = arith.constant 6 : i32
      %broadcast_in_dim3A_458 = vector.broadcast %broadcast_in_dim3A_457 : i32 to vector<16xi32>
      %gather3A_459 = tpu.vector_load_idx %arg5[%broadcast_in_dim3A_458, %get3A_402] : memref<8x512xf32, #tpu.memory_space<vmem>>[vector<16xi32>, vector<16xi32>], vector<16xf32>,
      %swap3A_460 = arith.constant 3 : i32
      %swap3A_461 = arith.constant 6 : i32
      %swap3A_462 = arith.index_cast %swap3A_460 : i32 to index
      %swap3A_463 = arith.index_cast %swap3A_461 : i32 to index
      %swap3A_464 = arith.index_cast %mul3A_398 : i32 to index
      %swap3A_465 = tpu.vector_load %arg7[%swap3A_462, %swap3A_463, %swap3A_464] {strides = array<i32>} : memref<4x8x256xf32, #tpu.memory_space<vmem>>, vector<16xf32>,
      tpu.vector_store %arg7[%swap3A_462, %swap3A_463, %swap3A_464], %gather3A_459 {strides = array<i32>} : memref<4x8x256xf32, #tpu.memory_space<vmem>>, vector<16xf32>,
      %broadcast_in_dim3A_466 = arith.constant 7 : i32
      %broadcast_in_dim3A_467 = vector.broadcast %broadcast_in_dim3A_466 : i32 to vector<16xi32>
      %gather3A_468 = tpu.vector_load_idx %arg5[%broadcast_in_dim3A_467, %get3A_402] : memref<8x512xf32, #tpu.memory_space<vmem>>[vector<16xi32>, vector<16xi32>], vector<16xf32>,
      %swap3A_469 = arith.constant 3 : i32
      %swap3A_470 = arith.constant 7 : i32
      %swap3A_471 = arith.index_cast %swap3A_469 : i32 to index
      %swap3A_472 = arith.index_cast %swap3A_470 : i32 to index
      %swap3A_473 = arith.index_cast %mul3A_398 : i32 to index
      %swap3A_474 = tpu.vector_load %arg7[%swap3A_471, %swap3A_472, %swap3A_473] {strides = array<i32>} : memref<4x8x256xf32, #tpu.memory_space<vmem>>, vector<16xf32>,
      tpu.vector_store %arg7[%swap3A_471, %swap3A_472, %swap3A_473], %gather3A_468 {strides = array<i32>} : memref<4x8x256xf32, #tpu.memory_space<vmem>>, vector<16xf32>,
    }
    %scan3A_79 = arith.constant 16 : i32
    %dma_start3A_80 = arith.constant 3 : i32
    %dma_start3A_81 = arith.constant 3 : i32
    %dma_start3A_82 = arith.constant 0 : i32
    %dma_start3A_83 = arith.constant 0 : i32
    %dma_start3A_84 = tpu.memref_slice %arg7[%dma_start3A_80, %dma_start3A_82, %dma_start3A_83] : memref<4x8x256xf32, #tpu.memory_space<vmem>> -> memref<1x8x256xf32, #tpu.memory_space<vmem>>
    %dma_start3A_85 = tpu.memref_squeeze %dma_start3A_84 : memref<1x8x256xf32, #tpu.memory_space<vmem>> -> memref<8x256xf32, #tpu.memory_space<vmem>>
    %dma_start3A_86 = arith.constant 0 : i32
    %dma_start3A_87 = tpu.memref_slice %arg4[%dma_start3A_81, %mul3A_2, %dma_start3A_86] : memref<4x256x256xf32, #tpu.memory_space<hbm>> -> memref<1x8x256xf32, #tpu.memory_space<hbm>>
    %dma_start3A_88 = tpu.memref_squeeze %dma_start3A_87 : memref<1x8x256xf32, #tpu.memory_space<hbm>> -> memref<8x256xf32, #tpu.memory_space<hbm>>
    %dma_start3A_89 = arith.constant 0 : i32
    %dma_start3A_90 = tpu.memref_slice %arg4[%dma_start3A_81, %mul3A_2, %dma_start3A_89] : memref<4x256x256xf32, #tpu.memory_space<hbm>> -> memref<1x8x256xf32, #tpu.memory_space<hbm>>
    %dma_start3A_91 = tpu.memref_squeeze %dma_start3A_90 : memref<1x8x256xf32, #tpu.memory_space<hbm>> -> memref<8x256xf32, #tpu.memory_space<hbm>>
    %dma_start3A_92 = arith.constant 0 : i32
    %dma_start3A_93 = arith.constant 0 : i32
    %dma_start3A_94 = tpu.memref_slice %arg7[%dma_start3A_80, %dma_start3A_92, %dma_start3A_93] : memref<4x8x256xf32, #tpu.memory_space<vmem>> -> memref<1x8x256xf32, #tpu.memory_space<vmem>>
    %dma_start3A_95 = tpu.memref_squeeze %dma_start3A_94 : memref<1x8x256xf32, #tpu.memory_space<vmem>> -> memref<8x256xf32, #tpu.memory_space<vmem>>
    tpu.enqueue_dma source(%dma_start3A_95 : memref<8x256xf32, #tpu.memory_space<vmem>>) target(%dma_start3A_91 : memref<8x256xf32, #tpu.memory_space<hbm>>) target_semaphore(%arg10 : memref<!tpu.dma_semaphore, #tpu.memory_space<semaphore_mem>>)
    %dma_wait3A_96 = arith.constant 0 : i32
    %dma_wait3A_97 = arith.constant 0 : i32
    %dma_wait3A_98 = arith.constant 0 : i32
    %dma_wait3A_99 = arith.constant 0 : i32
    %dma_wait3A_100 = tpu.memref_slice %arg7[%dma_wait3A_96, %dma_wait3A_98, %dma_wait3A_99] : memref<4x8x256xf32, #tpu.memory_space<vmem>> -> memref<1x8x256xf32, #tpu.memory_space<vmem>>
    %dma_wait3A_101 = tpu.memref_squeeze %dma_wait3A_100 : memref<1x8x256xf32, #tpu.memory_space<vmem>> -> memref<8x256xf32, #tpu.memory_space<vmem>>
    %dma_wait3A_102 = arith.constant 0 : i32
    %dma_wait3A_103 = tpu.memref_slice %arg4[%dma_wait3A_97, %mul3A_2, %dma_wait3A_102] : memref<4x256x256xf32, #tpu.memory_space<hbm>> -> memref<1x8x256xf32, #tpu.memory_space<hbm>>
    %dma_wait3A_104 = tpu.memref_squeeze %dma_wait3A_103 : memref<1x8x256xf32, #tpu.memory_space<hbm>> -> memref<8x256xf32, #tpu.memory_space<hbm>>
    %dma_wait3A_105 = arith.constant 0 : i32
    %dma_wait3A_106 = tpu.memref_slice %arg4[%dma_wait3A_97, %mul3A_2, %dma_wait3A_105] : memref<4x256x256xf32, #tpu.memory_space<hbm>> -> memref<1x8x256xf32, #tpu.memory_space<hbm>>
    %dma_wait3A_107 = tpu.memref_squeeze %dma_wait3A_106 : memref<1x8x256xf32, #tpu.memory_space<hbm>> -> memref<8x256xf32, #tpu.memory_space<hbm>>
    %dma_wait3A_108 = arith.constant 0 : i32
    %dma_wait3A_109 = arith.constant 0 : i32
    %dma_wait3A_110 = tpu.memref_slice %arg7[%dma_wait3A_96, %dma_wait3A_108, %dma_wait3A_109] : memref<4x8x256xf32, #tpu.memory_space<vmem>> -> memref<1x8x256xf32, #tpu.memory_space<vmem>>
    %dma_wait3A_111 = tpu.memref_squeeze %dma_wait3A_110 : memref<1x8x256xf32, #tpu.memory_space<vmem>> -> memref<8x256xf32, #tpu.memory_space<vmem>>
    tpu.wait_dma2 semaphore(%arg10 : memref<!tpu.dma_semaphore, #tpu.memory_space<semaphore_mem>>) src(%dma_wait3A_111 : memref<8x256xf32, #tpu.memory_space<vmem>>) dst(%dma_wait3A_107 : memref<8x256xf32, #tpu.memory_space<hbm>>)
    %dma_wait3A_112 = arith.constant 1 : i32
    %dma_wait3A_113 = arith.constant 1 : i32
    %dma_wait3A_114 = arith.constant 0 : i32
    %dma_wait3A_115 = arith.constant 0 : i32
    %dma_wait3A_116 = tpu.memref_slice %arg7[%dma_wait3A_112, %dma_wait3A_114, %dma_wait3A_115] : memref<4x8x256xf32, #tpu.memory_space<vmem>> -> memref<1x8x256xf32, #tpu.memory_space<vmem>>
    %dma_wait3A_117 = tpu.memref_squeeze %dma_wait3A_116 : memref<1x8x256xf32, #tpu.memory_space<vmem>> -> memref<8x256xf32, #tpu.memory_space<vmem>>
    %dma_wait3A_118 = arith.constant 0 : i32
    %dma_wait3A_119 = tpu.memref_slice %arg4[%dma_wait3A_113, %mul3A_2, %dma_wait3A_118] : memref<4x256x256xf32, #tpu.memory_space<hbm>> -> memref<1x8x256xf32, #tpu.memory_space<hbm>>
    %dma_wait3A_120 = tpu.memref_squeeze %dma_wait3A_119 : memref<1x8x256xf32, #tpu.memory_space<hbm>> -> memref<8x256xf32, #tpu.memory_space<hbm>>
    %dma_wait3A_121 = arith.constant 0 : i32
    %dma_wait3A_122 = tpu.memref_slice %arg4[%dma_wait3A_113, %mul3A_2, %dma_wait3A_121] : memref<4x256x256xf32, #tpu.memory_space<hbm>> -> memref<1x8x256xf32, #tpu.memory_space<hbm>>
    %dma_wait3A_123 = tpu.memref_squeeze %dma_wait3A_122 : memref<1x8x256xf32, #tpu.memory_space<hbm>> -> memref<8x256xf32, #tpu.memory_space<hbm>>
    %dma_wait3A_124 = arith.constant 0 : i32
    %dma_wait3A_125 = arith.constant 0 : i32
    %dma_wait3A_126 = tpu.memref_slice %arg7[%dma_wait3A_112, %dma_wait3A_124, %dma_wait3A_125] : memref<4x8x256xf32, #tpu.memory_space<vmem>> -> memref<1x8x256xf32, #tpu.memory_space<vmem>>
    %dma_wait3A_127 = tpu.memref_squeeze %dma_wait3A_126 : memref<1x8x256xf32, #tpu.memory_space<vmem>> -> memref<8x256xf32, #tpu.memory_space<vmem>>
    tpu.wait_dma2 semaphore(%arg10 : memref<!tpu.dma_semaphore, #tpu.memory_space<semaphore_mem>>) src(%dma_wait3A_127 : memref<8x256xf32, #tpu.memory_space<vmem>>) dst(%dma_wait3A_123 : memref<8x256xf32, #tpu.memory_space<hbm>>)
    %dma_wait3A_128 = arith.constant 2 : i32
    %dma_wait3A_129 = arith.constant 2 : i32
    %dma_wait3A_130 = arith.constant 0 : i32
    %dma_wait3A_131 = arith.constant 0 : i32
    %dma_wait3A_132 = tpu.memref_slice %arg7[%dma_wait3A_128, %dma_wait3A_130, %dma_wait3A_131] : memref<4x8x256xf32, #tpu.memory_space<vmem>> -> memref<1x8x256xf32, #tpu.memory_space<vmem>>
    %dma_wait3A_133 = tpu.memref_squeeze %dma_wait3A_132 : memref<1x8x256xf32, #tpu.memory_space<vmem>> -> memref<8x256xf32, #tpu.memory_space<vmem>>
    %dma_wait3A_134 = arith.constant 0 : i32
    %dma_wait3A_135 = tpu.memref_slice %arg4[%dma_wait3A_129, %mul3A_2, %dma_wait3A_134] : memref<4x256x256xf32, #tpu.memory_space<hbm>> -> memref<1x8x256xf32, #tpu.memory_space<hbm>>
    %dma_wait3A_136 = tpu.memref_squeeze %dma_wait3A_135 : memref<1x8x256xf32, #tpu.memory_space<hbm>> -> memref<8x256xf32, #tpu.memory_space<hbm>>
    %dma_wait3A_137 = arith.constant 0 : i32
    %dma_wait3A_138 = tpu.memref_slice %arg4[%dma_wait3A_129, %mul3A_2, %dma_wait3A_137] : memref<4x256x256xf32, #tpu.memory_space<hbm>> -> memref<1x8x256xf32, #tpu.memory_space<hbm>>
    %dma_wait3A_139 = tpu.memref_squeeze %dma_wait3A_138 : memref<1x8x256xf32, #tpu.memory_space<hbm>> -> memref<8x256xf32, #tpu.memory_space<hbm>>
    %dma_wait3A_140 = arith.constant 0 : i32
    %dma_wait3A_141 = arith.constant 0 : i32
    %dma_wait3A_142 = tpu.memref_slice %arg7[%dma_wait3A_128, %dma_wait3A_140, %dma_wait3A_141] : memref<4x8x256xf32, #tpu.memory_space<vmem>> -> memref<1x8x256xf32, #tpu.memory_space<vmem>>
    %dma_wait3A_143 = tpu.memref_squeeze %dma_wait3A_142 : memref<1x8x256xf32, #tpu.memory_space<vmem>> -> memref<8x256xf32, #tpu.memory_space<vmem>>
    tpu.wait_dma2 semaphore(%arg10 : memref<!tpu.dma_semaphore, #tpu.memory_space<semaphore_mem>>) src(%dma_wait3A_143 : memref<8x256xf32, #tpu.memory_space<vmem>>) dst(%dma_wait3A_139 : memref<8x256xf32, #tpu.memory_space<hbm>>)
    %dma_wait3A_144 = arith.constant 3 : i32
    %dma_wait3A_145 = arith.constant 3 : i32
    %dma_wait3A_146 = arith.constant 0 : i32
    %dma_wait3A_147 = arith.constant 0 : i32
    %dma_wait3A_148 = tpu.memref_slice %arg7[%dma_wait3A_144, %dma_wait3A_146, %dma_wait3A_147] : memref<4x8x256xf32, #tpu.memory_space<vmem>> -> memref<1x8x256xf32, #tpu.memory_space<vmem>>
    %dma_wait3A_149 = tpu.memref_squeeze %dma_wait3A_148 : memref<1x8x256xf32, #tpu.memory_space<vmem>> -> memref<8x256xf32, #tpu.memory_space<vmem>>
    %dma_wait3A_150 = arith.constant 0 : i32
    %dma_wait3A_151 = tpu.memref_slice %arg4[%dma_wait3A_145, %mul3A_2, %dma_wait3A_150] : memref<4x256x256xf32, #tpu.memory_space<hbm>> -> memref<1x8x256xf32, #tpu.memory_space<hbm>>
    %dma_wait3A_152 = tpu.memref_squeeze %dma_wait3A_151 : memref<1x8x256xf32, #tpu.memory_space<hbm>> -> memref<8x256xf32, #tpu.memory_space<hbm>>
    %dma_wait3A_153 = arith.constant 0 : i32
    %dma_wait3A_154 = tpu.memref_slice %arg4[%dma_wait3A_145, %mul3A_2, %dma_wait3A_153] : memref<4x256x256xf32, #tpu.memory_space<hbm>> -> memref<1x8x256xf32, #tpu.memory_space<hbm>>
    %dma_wait3A_155 = tpu.memref_squeeze %dma_wait3A_154 : memref<1x8x256xf32, #tpu.memory_space<hbm>> -> memref<8x256xf32, #tpu.memory_space<hbm>>
    %dma_wait3A_156 = arith.constant 0 : i32
    %dma_wait3A_157 = arith.constant 0 : i32
    %dma_wait3A_158 = tpu.memref_slice %arg7[%dma_wait3A_144, %dma_wait3A_156, %dma_wait3A_157] : memref<4x8x256xf32, #tpu.memory_space<vmem>> -> memref<1x8x256xf32, #tpu.memory_space<vmem>>
    %dma_wait3A_159 = tpu.memref_squeeze %dma_wait3A_158 : memref<1x8x256xf32, #tpu.memory_space<vmem>> -> memref<8x256xf32, #tpu.memory_space<vmem>>
    tpu.wait_dma2 semaphore(%arg10 : memref<!tpu.dma_semaphore, #tpu.memory_space<semaphore_mem>>) src(%dma_wait3A_159 : memref<8x256xf32, #tpu.memory_space<vmem>>) dst(%dma_wait3A_155 : memref<8x256xf32, #tpu.memory_space<hbm>>)
    return
  }
}

module attributes {stable_mosaic.version = 14 : i64} {
  func.func @_score_body(%arg0: memref<4x256x256xf32, #tpu.memory_space<vmem>>, %arg1: memref<512x256xf32, #tpu.memory_space<vmem>>, %arg2: memref<4x256xi32, #tpu.memory_space<vmem>>, %arg3: memref<256x512xf32, #tpu.memory_space<vmem>>) attributes {dimension_semantics = [], scalar_prefetch = 0 : i64, scratch_operands = 0 : i64, tpu.core_type = #tpu.core_type<tc>} {
    %get3A = arith.constant 0 : index
    %get3A_0 = arith.constant 0 : index
    %get3A_1 = vector.load %arg1[%get3A, %get3A_0] : memref<512x256xf32, #tpu.memory_space<vmem>>, vector<512x256xf32>
    %convert_element_type3A = arith.truncf %get3A_1 : vector<512x256xf32> to vector<512x256xbf16>
    %convert_element_type3A_2 = arith.extf %convert_element_type3A : vector<512x256xbf16> to vector<512x256xf32>
    %sub3A = arith.subf %get3A_1, %convert_element_type3A_2 : vector<512x256xf32>
    %convert_element_type3A_3 = arith.truncf %sub3A : vector<512x256xf32> to vector<512x256xbf16>
    %mul3A = arith.mulf %get3A_1, %get3A_1 : vector<512x256xf32>
    %reduce_sum3A = arith.constant dense<0.000000e+00> : vector<512xf32>
    %reduce_sum3A_4 = vector.multi_reduction <add>, %mul3A, %reduce_sum3A [1] : vector<512x256xf32> to vector<512xf32>
    %broadcast_in_dim3A = vector.shape_cast %reduce_sum3A_4 : vector<512xf32> to vector<512x1xf32>
    %get3A_5 = arith.constant 0 : index
    %get3A_6 = arith.constant 0 : index
    %get3A_7 = arith.constant 0 : index
    %get3A_8 = vector.load %arg0[%get3A_5, %get3A_6, %get3A_7] : memref<4x256x256xf32, #tpu.memory_space<vmem>>, vector<1x256x256xf32>
    %get3A_9 = vector.shape_cast %get3A_8 : vector<1x256x256xf32> to vector<256x256xf32>
    %convert_element_type3A_10 = arith.truncf %get3A_9 : vector<256x256xf32> to vector<256x256xbf16>
    %convert_element_type3A_11 = arith.extf %convert_element_type3A_10 : vector<256x256xbf16> to vector<256x256xf32>
    %sub3A_12 = arith.subf %get3A_9, %convert_element_type3A_11 : vector<256x256xf32>
    %convert_element_type3A_13 = arith.truncf %sub3A_12 : vector<256x256xf32> to vector<256x256xbf16>
    %dot_general3A = arith.constant dense<0.000000e+00> : vector<512x256xf32>
    %dot_general3A_14 = tpu.matmul %convert_element_type3A, %convert_element_type3A_10, %dot_general3A {dimension_numbers = #tpu.dot_dimension_numbers<[1], [0], [0], [1], [0, 0, 1, 1], [], []>, transpose_lhs_hint = false} : vector<512x256xbf16>, vector<256x256xbf16>, vector<512x256xf32> -> vector<512x256xf32>
    %dot_general3A_15 = arith.constant dense<0.000000e+00> : vector<512x256xf32>
    %dot_general3A_16 = tpu.matmul %convert_element_type3A, %convert_element_type3A_13, %dot_general3A_15 {dimension_numbers = #tpu.dot_dimension_numbers<[1], [0], [0], [1], [0, 0, 1, 1], [], []>, transpose_lhs_hint = false} : vector<512x256xbf16>, vector<256x256xbf16>, vector<512x256xf32> -> vector<512x256xf32>
    %add3A = arith.addf %dot_general3A_14, %dot_general3A_16 : vector<512x256xf32>
    %dot_general3A_17 = arith.constant dense<0.000000e+00> : vector<512x256xf32>
    %dot_general3A_18 = tpu.matmul %convert_element_type3A_3, %convert_element_type3A_10, %dot_general3A_17 {dimension_numbers = #tpu.dot_dimension_numbers<[1], [0], [0], [1], [0, 0, 1, 1], [], []>, transpose_lhs_hint = false} : vector<512x256xbf16>, vector<256x256xbf16>, vector<512x256xf32> -> vector<512x256xf32>
    %add3A_19 = arith.addf %add3A, %dot_general3A_18 : vector<512x256xf32>
    %mul3A_20 = arith.constant 2.000000e+00 : f32
    %mul3A_21 = vector.broadcast %mul3A_20 : f32 to vector<512x256xf32>
    %mul3A_22 = arith.mulf %mul3A_21, %add3A_19 : vector<512x256xf32>
    %sub3A_23 = vector.broadcast %broadcast_in_dim3A : vector<512x1xf32> to vector<512x256xf32>
    %sub3A_24 = arith.subf %sub3A_23, %mul3A_22 : vector<512x256xf32>
    %reduce_min3A = arith.constant dense<0x7F800000> : vector<256xf32>
    %reduce_min3A_25 = vector.multi_reduction <minimumf>, %sub3A_24, %reduce_min3A [0] : vector<512x256xf32> to vector<256xf32>
    %broadcast_in_dim3A_26 = vector.shape_cast %reduce_min3A_25 : vector<256xf32> to vector<1x256xf32>
    %iota3A = tpu.iota {dimensions = array<i32: 0>} : vector<512x256xi32>
    %eq3A = vector.broadcast %broadcast_in_dim3A_26 : vector<1x256xf32> to vector<512x256xf32>
    %eq3A_27 = arith.cmpf oeq, %sub3A_24, %eq3A : vector<512x256xf32>
    %jit3A = arith.constant 512 : i32
    %broadcast_in_dim3A_28 = vector.broadcast %jit3A : i32 to vector<512x256xi32>
    %select_n3A = arith.select %eq3A_27, %iota3A, %broadcast_in_dim3A_28 : vector<512x256xi1>, vector<512x256xi32>
    %reduce_min3A_29 = arith.constant dense<2147483647> : vector<256xi32>
    %reduce_min3A_30 = vector.multi_reduction <minsi>, %select_n3A, %reduce_min3A_29 [0] : vector<512x256xi32> to vector<256xi32>
    %swap3A = arith.constant 0 : index
    %swap3A_31 = arith.constant 0 : index
    %swap3A_32 = vector.load %arg2[%swap3A, %swap3A_31] : memref<4x256xi32, #tpu.memory_space<vmem>>, vector<1x256xi32>
    %swap3A_33 = vector.shape_cast %swap3A_32 : vector<1x256xi32> to vector<256xi32>
    %swap3A_34 = vector.shape_cast %reduce_min3A_30 : vector<256xi32> to vector<1x256xi32>
    tpu.vector_store %arg2[%swap3A, %swap3A_31], %swap3A_34 {strides = array<i32>} : memref<4x256xi32, #tpu.memory_space<vmem>>, vector<1x256xi32>,
    %get3A_35 = arith.constant 1 : index
    %get3A_36 = arith.constant 0 : index
    %get3A_37 = arith.constant 0 : index
    %get3A_38 = vector.load %arg0[%get3A_35, %get3A_36, %get3A_37] : memref<4x256x256xf32, #tpu.memory_space<vmem>>, vector<1x256x256xf32>
    %get3A_39 = vector.shape_cast %get3A_38 : vector<1x256x256xf32> to vector<256x256xf32>
    %convert_element_type3A_40 = arith.truncf %get3A_39 : vector<256x256xf32> to vector<256x256xbf16>
    %convert_element_type3A_41 = arith.extf %convert_element_type3A_40 : vector<256x256xbf16> to vector<256x256xf32>
    %sub3A_42 = arith.subf %get3A_39, %convert_element_type3A_41 : vector<256x256xf32>
    %convert_element_type3A_43 = arith.truncf %sub3A_42 : vector<256x256xf32> to vector<256x256xbf16>
    %dot_general3A_44 = arith.constant dense<0.000000e+00> : vector<512x256xf32>
    %dot_general3A_45 = tpu.matmul %convert_element_type3A, %convert_element_type3A_40, %dot_general3A_44 {dimension_numbers = #tpu.dot_dimension_numbers<[1], [0], [0], [1], [0, 0, 1, 1], [], []>, transpose_lhs_hint = false} : vector<512x256xbf16>, vector<256x256xbf16>, vector<512x256xf32> -> vector<512x256xf32>
    %dot_general3A_46 = arith.constant dense<0.000000e+00> : vector<512x256xf32>
    %dot_general3A_47 = tpu.matmul %convert_element_type3A, %convert_element_type3A_43, %dot_general3A_46 {dimension_numbers = #tpu.dot_dimension_numbers<[1], [0], [0], [1], [0, 0, 1, 1], [], []>, transpose_lhs_hint = false} : vector<512x256xbf16>, vector<256x256xbf16>, vector<512x256xf32> -> vector<512x256xf32>
    %add3A_48 = arith.addf %dot_general3A_45, %dot_general3A_47 : vector<512x256xf32>
    %dot_general3A_49 = arith.constant dense<0.000000e+00> : vector<512x256xf32>
    %dot_general3A_50 = tpu.matmul %convert_element_type3A_3, %convert_element_type3A_40, %dot_general3A_49 {dimension_numbers = #tpu.dot_dimension_numbers<[1], [0], [0], [1], [0, 0, 1, 1], [], []>, transpose_lhs_hint = false} : vector<512x256xbf16>, vector<256x256xbf16>, vector<512x256xf32> -> vector<512x256xf32>
    %add3A_51 = arith.addf %add3A_48, %dot_general3A_50 : vector<512x256xf32>
    %mul3A_52 = arith.constant 2.000000e+00 : f32
    %mul3A_53 = vector.broadcast %mul3A_52 : f32 to vector<512x256xf32>
    %mul3A_54 = arith.mulf %mul3A_53, %add3A_51 : vector<512x256xf32>
    %sub3A_55 = vector.broadcast %broadcast_in_dim3A : vector<512x1xf32> to vector<512x256xf32>
    %sub3A_56 = arith.subf %sub3A_55, %mul3A_54 : vector<512x256xf32>
    %reduce_min3A_57 = arith.constant dense<0x7F800000> : vector<256xf32>
    %reduce_min3A_58 = vector.multi_reduction <minimumf>, %sub3A_56, %reduce_min3A_57 [0] : vector<512x256xf32> to vector<256xf32>
    %broadcast_in_dim3A_59 = vector.shape_cast %reduce_min3A_58 : vector<256xf32> to vector<1x256xf32>
    %iota3A_60 = tpu.iota {dimensions = array<i32: 0>} : vector<512x256xi32>
    %eq3A_61 = vector.broadcast %broadcast_in_dim3A_59 : vector<1x256xf32> to vector<512x256xf32>
    %eq3A_62 = arith.cmpf oeq, %sub3A_56, %eq3A_61 : vector<512x256xf32>
    %jit3A_63 = arith.constant 512 : i32
    %broadcast_in_dim3A_64 = vector.broadcast %jit3A_63 : i32 to vector<512x256xi32>
    %select_n3A_65 = arith.select %eq3A_62, %iota3A_60, %broadcast_in_dim3A_64 : vector<512x256xi1>, vector<512x256xi32>
    %reduce_min3A_66 = arith.constant dense<2147483647> : vector<256xi32>
    %reduce_min3A_67 = vector.multi_reduction <minsi>, %select_n3A_65, %reduce_min3A_66 [0] : vector<512x256xi32> to vector<256xi32>
    %swap3A_68 = arith.constant 1 : index
    %swap3A_69 = arith.constant 0 : index
    %swap3A_70 = vector.load %arg2[%swap3A_68, %swap3A_69] : memref<4x256xi32, #tpu.memory_space<vmem>>, vector<1x256xi32>
    %swap3A_71 = vector.shape_cast %swap3A_70 : vector<1x256xi32> to vector<256xi32>
    %swap3A_72 = vector.shape_cast %reduce_min3A_67 : vector<256xi32> to vector<1x256xi32>
    tpu.vector_store %arg2[%swap3A_68, %swap3A_69], %swap3A_72 {strides = array<i32>} : memref<4x256xi32, #tpu.memory_space<vmem>>, vector<1x256xi32>,
    %get3A_73 = arith.constant 2 : index
    %get3A_74 = arith.constant 0 : index
    %get3A_75 = arith.constant 0 : index
    %get3A_76 = vector.load %arg0[%get3A_73, %get3A_74, %get3A_75] : memref<4x256x256xf32, #tpu.memory_space<vmem>>, vector<1x256x256xf32>
    %get3A_77 = vector.shape_cast %get3A_76 : vector<1x256x256xf32> to vector<256x256xf32>
    %convert_element_type3A_78 = arith.truncf %get3A_77 : vector<256x256xf32> to vector<256x256xbf16>
    %convert_element_type3A_79 = arith.extf %convert_element_type3A_78 : vector<256x256xbf16> to vector<256x256xf32>
    %sub3A_80 = arith.subf %get3A_77, %convert_element_type3A_79 : vector<256x256xf32>
    %convert_element_type3A_81 = arith.truncf %sub3A_80 : vector<256x256xf32> to vector<256x256xbf16>
    %dot_general3A_82 = arith.constant dense<0.000000e+00> : vector<512x256xf32>
    %dot_general3A_83 = tpu.matmul %convert_element_type3A, %convert_element_type3A_78, %dot_general3A_82 {dimension_numbers = #tpu.dot_dimension_numbers<[1], [0], [0], [1], [0, 0, 1, 1], [], []>, transpose_lhs_hint = false} : vector<512x256xbf16>, vector<256x256xbf16>, vector<512x256xf32> -> vector<512x256xf32>
    %dot_general3A_84 = arith.constant dense<0.000000e+00> : vector<512x256xf32>
    %dot_general3A_85 = tpu.matmul %convert_element_type3A, %convert_element_type3A_81, %dot_general3A_84 {dimension_numbers = #tpu.dot_dimension_numbers<[1], [0], [0], [1], [0, 0, 1, 1], [], []>, transpose_lhs_hint = false} : vector<512x256xbf16>, vector<256x256xbf16>, vector<512x256xf32> -> vector<512x256xf32>
    %add3A_86 = arith.addf %dot_general3A_83, %dot_general3A_85 : vector<512x256xf32>
    %dot_general3A_87 = arith.constant dense<0.000000e+00> : vector<512x256xf32>
    %dot_general3A_88 = tpu.matmul %convert_element_type3A_3, %convert_element_type3A_78, %dot_general3A_87 {dimension_numbers = #tpu.dot_dimension_numbers<[1], [0], [0], [1], [0, 0, 1, 1], [], []>, transpose_lhs_hint = false} : vector<512x256xbf16>, vector<256x256xbf16>, vector<512x256xf32> -> vector<512x256xf32>
    %add3A_89 = arith.addf %add3A_86, %dot_general3A_88 : vector<512x256xf32>
    %mul3A_90 = arith.constant 2.000000e+00 : f32
    %mul3A_91 = vector.broadcast %mul3A_90 : f32 to vector<512x256xf32>
    %mul3A_92 = arith.mulf %mul3A_91, %add3A_89 : vector<512x256xf32>
    %sub3A_93 = vector.broadcast %broadcast_in_dim3A : vector<512x1xf32> to vector<512x256xf32>
    %sub3A_94 = arith.subf %sub3A_93, %mul3A_92 : vector<512x256xf32>
    %reduce_min3A_95 = arith.constant dense<0x7F800000> : vector<256xf32>
    %reduce_min3A_96 = vector.multi_reduction <minimumf>, %sub3A_94, %reduce_min3A_95 [0] : vector<512x256xf32> to vector<256xf32>
    %broadcast_in_dim3A_97 = vector.shape_cast %reduce_min3A_96 : vector<256xf32> to vector<1x256xf32>
    %iota3A_98 = tpu.iota {dimensions = array<i32: 0>} : vector<512x256xi32>
    %eq3A_99 = vector.broadcast %broadcast_in_dim3A_97 : vector<1x256xf32> to vector<512x256xf32>
    %eq3A_100 = arith.cmpf oeq, %sub3A_94, %eq3A_99 : vector<512x256xf32>
    %jit3A_101 = arith.constant 512 : i32
    %broadcast_in_dim3A_102 = vector.broadcast %jit3A_101 : i32 to vector<512x256xi32>
    %select_n3A_103 = arith.select %eq3A_100, %iota3A_98, %broadcast_in_dim3A_102 : vector<512x256xi1>, vector<512x256xi32>
    %reduce_min3A_104 = arith.constant dense<2147483647> : vector<256xi32>
    %reduce_min3A_105 = vector.multi_reduction <minsi>, %select_n3A_103, %reduce_min3A_104 [0] : vector<512x256xi32> to vector<256xi32>
    %swap3A_106 = arith.constant 2 : index
    %swap3A_107 = arith.constant 0 : index
    %swap3A_108 = vector.load %arg2[%swap3A_106, %swap3A_107] : memref<4x256xi32, #tpu.memory_space<vmem>>, vector<1x256xi32>
    %swap3A_109 = vector.shape_cast %swap3A_108 : vector<1x256xi32> to vector<256xi32>
    %swap3A_110 = vector.shape_cast %reduce_min3A_105 : vector<256xi32> to vector<1x256xi32>
    tpu.vector_store %arg2[%swap3A_106, %swap3A_107], %swap3A_110 {strides = array<i32>} : memref<4x256xi32, #tpu.memory_space<vmem>>, vector<1x256xi32>,
    %get3A_111 = arith.constant 3 : index
    %get3A_112 = arith.constant 0 : index
    %get3A_113 = arith.constant 0 : index
    %get3A_114 = vector.load %arg0[%get3A_111, %get3A_112, %get3A_113] : memref<4x256x256xf32, #tpu.memory_space<vmem>>, vector<1x256x256xf32>
    %get3A_115 = vector.shape_cast %get3A_114 : vector<1x256x256xf32> to vector<256x256xf32>
    %convert_element_type3A_116 = arith.truncf %get3A_115 : vector<256x256xf32> to vector<256x256xbf16>
    %convert_element_type3A_117 = arith.extf %convert_element_type3A_116 : vector<256x256xbf16> to vector<256x256xf32>
    %sub3A_118 = arith.subf %get3A_115, %convert_element_type3A_117 : vector<256x256xf32>
    %convert_element_type3A_119 = arith.truncf %sub3A_118 : vector<256x256xf32> to vector<256x256xbf16>
    %dot_general3A_120 = arith.constant dense<0.000000e+00> : vector<512x256xf32>
    %dot_general3A_121 = tpu.matmul %convert_element_type3A, %convert_element_type3A_116, %dot_general3A_120 {dimension_numbers = #tpu.dot_dimension_numbers<[1], [0], [0], [1], [0, 0, 1, 1], [], []>, transpose_lhs_hint = false} : vector<512x256xbf16>, vector<256x256xbf16>, vector<512x256xf32> -> vector<512x256xf32>
    %dot_general3A_122 = arith.constant dense<0.000000e+00> : vector<512x256xf32>
    %dot_general3A_123 = tpu.matmul %convert_element_type3A, %convert_element_type3A_119, %dot_general3A_122 {dimension_numbers = #tpu.dot_dimension_numbers<[1], [0], [0], [1], [0, 0, 1, 1], [], []>, transpose_lhs_hint = false} : vector<512x256xbf16>, vector<256x256xbf16>, vector<512x256xf32> -> vector<512x256xf32>
    %add3A_124 = arith.addf %dot_general3A_121, %dot_general3A_123 : vector<512x256xf32>
    %dot_general3A_125 = arith.constant dense<0.000000e+00> : vector<512x256xf32>
    %dot_general3A_126 = tpu.matmul %convert_element_type3A_3, %convert_element_type3A_116, %dot_general3A_125 {dimension_numbers = #tpu.dot_dimension_numbers<[1], [0], [0], [1], [0, 0, 1, 1], [], []>, transpose_lhs_hint = false} : vector<512x256xbf16>, vector<256x256xbf16>, vector<512x256xf32> -> vector<512x256xf32>
    %add3A_127 = arith.addf %add3A_124, %dot_general3A_126 : vector<512x256xf32>
    %mul3A_128 = arith.constant 2.000000e+00 : f32
    %mul3A_129 = vector.broadcast %mul3A_128 : f32 to vector<512x256xf32>
    %mul3A_130 = arith.mulf %mul3A_129, %add3A_127 : vector<512x256xf32>
    %sub3A_131 = vector.broadcast %broadcast_in_dim3A : vector<512x1xf32> to vector<512x256xf32>
    %sub3A_132 = arith.subf %sub3A_131, %mul3A_130 : vector<512x256xf32>
    %reduce_min3A_133 = arith.constant dense<0x7F800000> : vector<256xf32>
    %reduce_min3A_134 = vector.multi_reduction <minimumf>, %sub3A_132, %reduce_min3A_133 [0] : vector<512x256xf32> to vector<256xf32>
    %broadcast_in_dim3A_135 = vector.shape_cast %reduce_min3A_134 : vector<256xf32> to vector<1x256xf32>
    %iota3A_136 = tpu.iota {dimensions = array<i32: 0>} : vector<512x256xi32>
    %eq3A_137 = vector.broadcast %broadcast_in_dim3A_135 : vector<1x256xf32> to vector<512x256xf32>
    %eq3A_138 = arith.cmpf oeq, %sub3A_132, %eq3A_137 : vector<512x256xf32>
    %jit3A_139 = arith.constant 512 : i32
    %broadcast_in_dim3A_140 = vector.broadcast %jit3A_139 : i32 to vector<512x256xi32>
    %select_n3A_141 = arith.select %eq3A_138, %iota3A_136, %broadcast_in_dim3A_140 : vector<512x256xi1>, vector<512x256xi32>
    %reduce_min3A_142 = arith.constant dense<2147483647> : vector<256xi32>
    %reduce_min3A_143 = vector.multi_reduction <minsi>, %select_n3A_141, %reduce_min3A_142 [0] : vector<512x256xi32> to vector<256xi32>
    %swap3A_144 = arith.constant 3 : index
    %swap3A_145 = arith.constant 0 : index
    %swap3A_146 = vector.load %arg2[%swap3A_144, %swap3A_145] : memref<4x256xi32, #tpu.memory_space<vmem>>, vector<1x256xi32>
    %swap3A_147 = vector.shape_cast %swap3A_146 : vector<1x256xi32> to vector<256xi32>
    %swap3A_148 = vector.shape_cast %reduce_min3A_143 : vector<256xi32> to vector<1x256xi32>
    tpu.vector_store %arg2[%swap3A_144, %swap3A_145], %swap3A_148 {strides = array<i32>} : memref<4x256xi32, #tpu.memory_space<vmem>>, vector<1x256xi32>,
    %transpose3A = tpu.transpose %get3A_1, [1, 0] : vector<512x256xf32> -> vector<256x512xf32>
    %swap3A_149 = arith.constant 0 : index
    %swap3A_150 = arith.constant 0 : index
    %swap3A_151 = vector.load %arg3[%swap3A_149, %swap3A_150] : memref<256x512xf32, #tpu.memory_space<vmem>>, vector<256x512xf32>
    tpu.vector_store %arg3[%swap3A_149, %swap3A_150], %transpose3A {strides = array<i32>} : memref<256x512xf32, #tpu.memory_space<vmem>>, vector<256x512xf32>,
    return
  }
}

</mosaic_0001>

<sc_bundles>
// kernel: kernel.4.cloned.1.call-start
scs
__scs_entry_jumppad:
0x0: {  	(pc) =	sbr.rel $0x88, $3  }
0x1: {  	(tag) =	ssettag $0x0;
	lr =	simm.s32 $0x1  }
0x2: {  	[smem:$0x3F9F] =	sst lr;
	_ =	strace $0xD0000000  }
0x3: {  	_ = 	snop  }
0x4: {  	_ = 	snop  }
0x5: {  	_ = 	snop  }
0x6: {  	_ = 	snop  }
0x7: {  	_ = 	snop  }
__scs_overlays_trampoline_lowered:
0x8: {  	[smem:$0x3FAE] =	sst s0  }
0x9: {  	[smem:$0x3FAF] =	sst s1  }
0xa: {  	[smem:$0x3FB0] =	sst s2  }
0xb: {  	[smem:$0x3FB1] =	sst s3  }
0xc: {  	[smem:$0x3FB2] =	sst s4  }
0xd: {  	[smem:$0x3FB3] =	sst s5  }
0xe: {  	[smem:$0x3FB4] =	sst s6  }
0xf: {  	[smem:$0x3FB5] =	sst s7  }
0x10: {  	[smem:$0x3FB6] =	sst s8  }
0x11: {  	[smem:$0x3FB7] =	sst s9;
	s0 =	simm.s32 @!p0 $0x0  }
0x12: {  	s1 =	sld [smem:$0x3F9D];
	s0 =	simm.s32 @p0 $0x1  }
0x13: {  	[smem:$0x3FB8] =	sst s0;
	s0 =	simm.s32 @!p1 $0x0  }
0x14: {  	s2 =	sld [smem:$0x3F9C];
	s0 =	simm.s32 @p1 $0x1  }
0x15: {  	[smem:$0x3FB9] =	sst s0;
	s0 =	simm.s32 @!p2 $0x0  }
0x16: {  	s3 =	sld [smem:$0x3FDB];
	s0 =	simm.s32 @p2 $0x1  }
0x17: {  	s4 =	simm.s32 $0x1BF5;
	[smem:$0x3FBB] =	sst s0  }
0x18: {  	s0 =	sld [smem:$0x3F9E];
	_ =	swait.ge [sflag:s4], $0x0  }
0x19: {  	s7 =	sld [smem:$0x3F9F]  }
0x1a: {  	s8 =	sadd.s32 $0xFFFFE003, lr  }
0x1b: {  	s9 =	sadd.s32 $0xFFFFFEF7, lr;
	s5 =	simm.s32 $0xFFFFFFFF;
	p2 =	slt.u32 s8, $0xFFFFF086  }
0x1c: {  	p1 =	slt.u32 s9, $0xF7A;
	s5 =	simm.s32 @!p2 $0x0  }
0x1d: {  	s5 =	simm.s32 @p1 $0x1;
	p0 =	seq.s32 s7, s2  }
0x1e: {  	s7 =	smul.u32 @!p0 $0xF7A, s2;
	p2 =	seq.s32 @!p0 s5, $0x0  }
0x1f: {  	s9 =	smul.u32 $0xF7A, s1;
	s8 =	simm.s32 @!p0 $0x1BF5;
	p2 =	por !p2, p0  }
0x20: {  	[sflag:s8] =	ssyncset.s32 @!p0 $0xFFFFF086;
	s6 =	sadd.s32 @!p0 s3, s7;
	s7 =	simm.s32 @!p0 $0x108  }
0x21: {  	s3 =	sadd.s32 s3, s9;
	s6 =	sadd.s32 @!p0 $0x88, s6;
	s7 =	simm.s32 @p2 $0x1082  }
0x22: {  	[simem:s7], [sflag:s8] =	dma.local @!p0 [hbm:s6], $0xF7A  }
0x23: {  	s9 =	sor.u32 $0xD0000000, s2;
	s6 =	simm.s32 $0x108;
	_ =	swait.ge @!p0 [sflag:s8], $0x0  }
0x24: {  	s3 =	sadd.s32 $0x88, s3;
	s6 =	simm.s32 @!p1 $0x1082;
	[sflag:s4] =	ssyncset.s32 $0xFFFFF086  }
0x25: {  	[simem:s6], [sflag:s4] =	dma.local [hbm:s3], $0xF7A  }
0x26: {  	[smem:$0x3F9F] =	sst s1;
	(tag) =	ssettag s2;
	_ =	strace s9  }
0x27: {  	s1 =	sld [smem:$0x3FAF]  }
0x28: {  	s2 =	sld [smem:$0x3FB0]  }
0x29: {  	s4 =	sld [smem:$0x3FB2]  }
0x2a: {  	p0 =	seq.s32 s5, $0x0;
	s5 =	sld [smem:$0x3FB3]  }
0x2b: {  	s6 =	sld [smem:$0x3FB4]  }
0x2c: {  	s7 =	sld [smem:$0x3FB5]  }
0x2d: {  	s3 =	simm.s32 $0x108;
	s8 =	sld [smem:$0x3FB6]  }
0x2e: {  	s3 =	simm.s32 @!p0 $0x1082;
	s9 =	sld [smem:$0x3FB7]  }
0x2f: {  	lr =	sadd.s32 s0, s3;
	s0 =	sld [smem:$0x3FAE]  }
0x30: {  	s3 =	sld [smem:$0x3FB1]  }
0x31: {  	[smem:$0x3FBA] =	sst s10  }
0x32: {  	s10 =	sld [smem:$0x3FB8];
	_ =	sdelay $0x3  }
0x33: {  	p0 =	seq.s32 s10, $0x1;
	s10 =	sld [smem:$0x3FBA];
	_ =	sdelay $0x3  }
0x34: {  	[smem:$0x3FBA] =	sst s10  }
0x35: {  	s10 =	sld [smem:$0x3FB9];
	_ =	sdelay $0x3  }
0x36: {  	p1 =	seq.s32 s10, $0x1;
	s10 =	sld [smem:$0x3FBA];
	_ =	sdelay $0x3  }
0x37: {  	[smem:$0x3FBA] =	sst s10  }
0x38: {  	s10 =	sld [smem:$0x3FBB]  }
0x39: {  	_ = 	snop;
	(pc) =	sbr.ind lr, $3  }
0x3a: {  	_ = 	snop  }
0x3b: {  	_ = 	snop  }
0x3c: {  	p2 =	seq.s32 s10, $0x1;
	s10 =	sld [smem:$0x3FBA]  }
0x3d: {  	_ =	shalt  }
0x3e: {  	_ =	shalt  }
0x3f: {  	_ =	shalt  }
0x40: {  	_ =	shalt  }
0x41: {  	_ =	shalt  }
0x42: {  	_ =	shalt  }
0x43: {  	_ =	shalt  }
0x44: {  	_ =	shalt  }
0x45: {  	_ =	shalt  }
0x46: {  	_ =	shalt  }
0x47: {  	_ =	shalt  }
0x48: {  	_ =	shalt  }
0x49: {  	_ =	shalt  }
0x4a: {  	_ =	shalt  }
0x4b: {  	_ =	shalt  }
0x4c: {  	_ =	shalt  }
0x4d: {  	_ =	shalt  }
0x4e: {  	_ =	shalt  }
0x4f: {  	_ =	shalt  }
0x50: {  	_ =	shalt  }
0x51: {  	_ =	shalt  }
0x52: {  	_ =	shalt  }
0x53: {  	_ =	shalt  }
0x54: {  	_ =	shalt  }
0x55: {  	_ =	shalt  }
0x56: {  	_ =	shalt  }
0x57: {  	_ =	shalt  }
0x58: {  	_ =	shalt  }
0x59: {  	_ =	shalt  }
0x5a: {  	_ =	shalt  }
0x5b: {  	_ =	shalt  }
0x5c: {  	_ =	shalt  }
0x5d: {  	_ =	shalt  }
0x5e: {  	_ =	shalt  }
0x5f: {  	_ =	shalt  }
0x60: {  	_ =	shalt  }
0x61: {  	_ =	shalt  }
0x62: {  	_ =	shalt  }
0x63: {  	_ =	shalt  }
0x64: {  	_ =	shalt  }
0x65: {  	_ =	shalt  }
0x66: {  	_ =	shalt  }
0x67: {  	_ =	shalt  }
0x68: {  	_ =	shalt  }
0x69: {  	_ =	shalt  }
0x6a: {  	_ =	shalt  }
0x6b: {  	_ =	shalt  }
0x6c: {  	_ =	shalt  }
0x6d: {  	_ =	shalt  }
0x6e: {  	_ =	shalt  }
0x6f: {  	_ =	shalt  }
0x70: {  	_ =	shalt  }
0x71: {  	_ =	shalt  }
0x72: {  	_ =	shalt  }
0x73: {  	_ =	shalt  }
0x74: {  	_ =	shalt  }
0x75: {  	_ =	shalt  }
0x76: {  	_ =	shalt  }
0x77: {  	_ =	shalt  }
0x78: {  	_ =	shalt  }
0x79: {  	_ =	shalt  }
0x7a: {  	_ =	shalt  }
0x7b: {  	_ =	shalt  }
0x7c: {  	_ =	shalt  }
0x7d: {  	_ =	shalt  }
0x7e: {  	_ =	shalt  }
0x7f: {  	_ =	shalt  }
0x80: {  	_ =	shalt  }
0x81: {  	_ =	shalt  }
0x82: {  	_ =	shalt  }
0x83: {  	_ =	shalt  }
0x84: {  	_ =	shalt  }
0x85: {  	_ =	shalt  }
0x86: {  	_ =	shalt  }
0x87: {  	_ =	shalt  }
.Lfunc_end0:
.L_simem_size_0:
called_computation_lowered:
.L_overlay_start_0:
0x88: {  	s2 =	sld [smem:$0x3FD9]  }
0x89: {  	s3 =	sld [smem:$0x3FFE];
	_ =	sdelay $0x1  }
0x8a: {  	s1 =	srdreg.scid  }
0x8b: {  	s0 =	sand.u32 $0x1, s1  }
0x8c: {  	s14 =	sshll.u32 s0, $0xA;
	s2 =	sadd.s32 s3, s2  }
0x8d: {  	s2 =	sadd.s32 s2, s14  }
0x8e: {  	[smem:$0x3FC6] =	sst s2  }
0x8f: {  	_ = 	snop  }
0x90: {  	s2 =	sld [smem:$0x3FD0];
	_ =	sdelay $0x2  }
0x91: {  	s15 =	simm.s32 $0xA;
	s4 =	simm.s32 $0x10  }
0x92: {  	[smem:s4], [sflag:s15] =	dma.local [hbm:s2], $0x1  }
0x93: {  	_ =	swait.eq [sflag:s15], $0x1  }
0x94: {  	[sflag:s15] =	ssyncset.done $0x0  }
0x95: {  	s16 =	sld [smem:$0x10];
	[sflag:s15] =	ssyncadd.s32 $0xFFFFFFFF  }
0x96: {  	s17 =	sld [smem:$0x11];
	(tm) =	ssettm $0x1  }
0x97: {  	s18 =	sld [smem:$0x3FFB];
	_ =	sdelay $0x3  }
0x98: {  	_ =	strace s18  }
0x99: {  	s4 =	sld [smem:$0x3FFC];
	_ =	sdelay $0x3  }
0x9a: {  	_ =	strace s4  }
0x9b: {  	s4 =	sld [smem:$0x3FFD];
	_ =	sdelay $0x3  }
0x9c: {  	_ =	strace s4  }
0x9d: {  	_ =	strace $0x8FFFFFFF  }
0x9e: {  	s19 =	sld [smem:$0x3FDB];
	_ =	sdelay $0x1  }
0x9f: {  	s5 =	simm.s32 $_scs_section_size  }
0xa0: {  	s6 =	simm.s32 $_size__tile_overlayer_lowered;
	s7 =	simm.s32 $_tile_overlayer_lowered  }
0xa1: {  	s22 =	simm.s32 $0x1BFF;
	s21 =	sshll.u32 s7, $0x1;
	s4 =	sadd.s32 s5, s19  }
0xa2: {  	s8 =	simm.s32 $0x0;
	s20 =	sshll.u32 s6, $0x1;
	s6 =	sadd.s32 s21, s4  }
0xa3: {  	[timem:s8], [sflag:s22] =	dma.local [hbm:s6], s20  }
0xa4: {  	_ =	swait.ge [sflag:s22], s20  }
0xa5: {  	s5 =	ssub.s32 $0x0, s20;
	[sflag:s22] =	ssyncset.done $0x0  }
0xa6: {  	[sflag:s22] =	ssyncadd.s32 s5;
	_ =	sdelay $0x1  }
0xa7: {  	s23 =	simm.s32 $0x1B8B  }
0xa8: {  	_ =	swait.ge [sflag:s23], $0x1  }
0xa9: {  	[sflag:s23] =	ssyncset.done $0x0  }
0xaa: {  	s25 =	simm.s32 $0x1B8E;
	s24 =	sld [smem:$0x3FFE];
	[sflag:s23] =	ssyncadd.s32 $0xFFFFFFFF  }
0xab: {  	s26 =	simm.s32 $execute0_lowered;
	[smem:$0x3FD2] =	sst s25  }
0xac: {  	s6 =	sshll.u32 s26, $0x1;
	_ =	strace $0x80000046;
	[dreg:$0x1] =	wrdreg $0xFFFFFFFF  }
0xad: {  	s28 =	simm.s32 $_size_execute0_lowered;
	s4 =	sadd.s32 s4, s6;
	[dreg:$0x0] =	wrdreg $0x0  }
0xae: {  	s6 =	sshll.u32 s28, $0x1;
	[dreg:$0x2] =	wrdreg s4  }
0xaf: {  	[dreg:$0x3] =	wrdreg s6  }
0xb0: {  	[dreg:$0x4] =	wrdreg $0xC0  }
0xb1: {  	_ =	task [dreg:s8], $0x5FFFF  }
0xb2: {  	[dreg:$0x1] =	wrdreg $0xFFFFFFFF  }
0xb3: {  	[dreg:$0x0] =	wrdreg $0x60  }
0xb4: {  	[dreg:$0x2] =	wrdreg s17  }
0xb5: {  	[dreg:$0x3] =	wrdreg s24  }
0xb6: {  	[dreg:$0x4] =	wrdreg s16  }
0xb7: {  	[dreg:$0x5] =	wrdreg $0x9  }
0xb8: {  	_ =	task.clear_ibuf [dreg:s8], $0x6FFFF;
	_ =	strace $0x90000046  }
0xb9: {  	s29 =	simm.s32 $0x9;
	_ =	strace $0x80000048  }
0xba: {  	_ =	swait.ge [sflag:s29], $0x1  }
0xbb: {  	[sflag:s29] =	ssyncadd.s32 $0xFFFFFFFF  }
0xbc: {  	_ =	strace $0x90000048  }
0xbd: {  	_ =	sfence  }
0xbe: {  	s30 =	sld [smem:$0x0];
	_ =	sdelay $0x2  }
0xbf: {  	s31 =	sshll.u32 s1, $0xD;
	s1 =	sshrl.u32 s1, $0x2  }
0xc0: {  	s3 =	sand.u32 $0x4000, s31;
	s1 =	sadd.s32 s1, s30  }
0xc1: {  	s0 =	sor.u32 s3, s0;
	s1 =	sshll.u32 s1, $0x11  }
0xc2: {  	s0 =	sor.u32 s1, s0  }
0xc3: {  	s0 =	sadd.s32 $0x8F2B, s0  }
0xc4: {  	[sflag:s0] =	ssyncadd.remote.s32 $0x1  }
0xc5: {  	_ =	sfence.sel $0xFFFF  }
0xc6: {  	[dreg:$0x0] =	wrdreg $0xFFFFFFFF;
	(pc) =	sbr.abs _section_cstart, $3  }
0xc7: {  	[dreg:$0x1] =	wrdreg $0xFFFFFFFF  }
0xc8: {  	_ =	task.clear_ibuf [dreg:s8], $0x2FFFF;
	_ =	strace $0x9FFFFFFF  }
0xc9: {  	(tm) =	ssettm $0x7FFFFFFF  }
tec
execute0_lowered:
.L_overlay_start_1:
0x0: {  	(tag) =	ssettag $0x1  }
0x1: {  	s1 =	rddreg [dreg:$0x0]  }
0x2: {  	s4 =	rddreg [dreg:$0x1]  }
0x3: {  	s5 =	rddreg [dreg:$0x2];
	s2 =	srdreg.scid;
	s3 =	simm.s32 $0x0  }
0x4: {  	s0 =	stileid.u32;
	s10 =	simm.s32 $0x1000;
	s11 =	simm.s32 $0x1  }
0x5: {  	s12 =	simm.s32 $0x2;
	s13 =	simm.s32 $0x1400;
	s14 =	simm.s32 $0x1C00  }
0x6: {  	s15 =	simm.s32 $0x2400;
	s16 =	simm.s32 $0x2C00;
	s6 =	sand.u32 $0x1, s2  }
0x7: {  	s17 =	simm.s32 $0x3;
	s18 =	simm.s32 $0x0;
	s7 =	sshll.u32 s6, $0x4  }
0x8: {  	[smem:$0x7FF] =	sst s3;
	s6 =	ssub.s32 $0x2, s6;
	s7 =	sor.u32 s0, s7  }
0x9: {  	_ =	strace $0x80000047;
	s9 =	sshrl.u32 s6, $0x1;
	s8 =	sshll.u32 s7, $0x9  }
0xa: {  	s7 =	sshll.u32 s7, $0x8;
	s9 =	ssub.s32 s6, s9;
	s8 =	sadd.s32 s8, s4  }
0xb: {  	s4 =	sadd.s32 s5, s7;
	s9 =	smax.u32 s9, $0x1;
	s5 =	sadd.s32 $0xC00, s8  }
0xc: {  	s6 =	sadd.s32 $0x2000, s4;
	s7 =	sadd.s32 $0x4000, s4;
	s8 =	sadd.s32 $0x6000, s4  }
.LBB2_1:
0xd: {  	[tilespmem:s3], [sflag:$0x1] =	stream.linear.gather [hbm4b:s5+s3], $0x1000, $0x38;
	[tilespmem:$0x3400] =	vst v63  }
0xe: {  	_ = 	snop  }
0xf: {  	[tilespmem:s10], [sflag:$0x2] =	stream.linear.gather [hbm4b:s1+s3], $0x400, $0x38;
	[tilespmem:$0x3400] =	vst v63  }
0x10: {  	_ =	swait.ge [sflag:s11], $0x1000  }
0x11: {  	[sflag:s11] =	ssyncset.done $0x0  }
0x12: {  	[sflag:s11] =	ssyncadd.s32 $0xFFFFF000  }
0x13: {  	_ =	swait.ge [sflag:s12], $0x400  }
0x14: {  	[sflag:s12] =	ssyncset.done $0x0  }
0x15: {  	s19 =	simm.s32 $0xFFFFFFFC;
	s20 =	simm.s32 $0x0;
	[sflag:s12] =	ssyncadd.s32 $0xFFFFFC00  }
.LBB2_2:
0x16: {  	s19 =	sadd.s32 $0x4, s19  }
0x17: {  	s21 =	sshll.u32 s19, $0x6  }
0x18: {  	s21 =	sand.u32 $0x3FFFFE00, s21  }
0x19: {  	s22 =	sand.u32 $0x40, s20;
	s21 =	sadd.s32 $0x1000, s21  }
0x1a: {  	s23 =	sor.u32 s22, s21  }
0x1b: {  	v0 =	vld [tilespmem:s23+$0x0];
	_ =	sdelay $0x4  }
0x1c: {  	v1 =	vshll.u32 v0, $0x3  }
0x1d: {  	v0 =	vand.u32 $0x7F, v0;
	v1 =	vand.u32 $0xFFFFFC00, v1  }
0x1e: {  	v0 =	vor.u32 v0, v1;
	_ =	sdelay $0x4  }
0x1f: {  	v1 =	vld.idx.msk [tilespmem:v0+s3+$0x0], $0xffff  }
0x20: {  	s0 =	sshll.u32 s19, $0x7;
	v2 =	vor.u32 $0x80, v0  }
0x21: {  	s23 =	sand.u32 $0x3FFFFC00, s0  }
0x22: {  	s23 =	sadd.s32 $0x1400, s23  }
0x23: {  	s24 =	sor.u32 s22, s23  }
0x24: {  	[tilespmem:s24+$0x0] =	vst v1  }
0x25: {  	v1 =	vld.idx.msk [tilespmem:v2+s3+$0x0], $0xffff  }
0x26: {  	v38 =	vor.u32 $0x100, v0;
	_ =	sdelay $0x3  }
0x27: {  	[tilespmem:s24+$0x80] =	vst v1  }
0x28: {  	v1 =	vld.idx.msk [tilespmem:v38+s3+$0x0], $0xffff  }
0x29: {  	v39 =	vor.u32 $0x180, v0;
	_ =	sdelay $0x3  }
0x2a: {  	[tilespmem:s24+$0x100] =	vst v1  }
0x2b: {  	v1 =	vld.idx.msk [tilespmem:v39+s3+$0x0], $0xffff  }
0x2c: {  	v40 =	vor.u32 $0x200, v0;
	_ =	sdelay $0x3  }
0x2d: {  	[tilespmem:s24+$0x180] =	vst v1  }
0x2e: {  	v1 =	vld.idx.msk [tilespmem:v40+s3+$0x0], $0xffff  }
0x2f: {  	v41 =	vor.u32 $0x280, v0;
	_ =	sdelay $0x3  }
0x30: {  	[tilespmem:s24+$0x200] =	vst v1  }
0x31: {  	v1 =	vld.idx.msk [tilespmem:v41+s3+$0x0], $0xffff  }
0x32: {  	v42 =	vor.u32 $0x300, v0;
	_ =	sdelay $0x3  }
0x33: {  	[tilespmem:s24+$0x280] =	vst v1  }
0x34: {  	v1 =	vld.idx.msk [tilespmem:v42+s3+$0x0], $0xffff  }
0x35: {  	v0 =	vor.u32 $0x380, v0;
	_ =	sdelay $0x3  }
0x36: {  	[tilespmem:s24+$0x300] =	vst v1  }
0x37: {  	v0 =	vld.idx.msk [tilespmem:v0+s3+$0x0], $0xffff;
	_ =	sdelay $0x3  }
0x38: {  	s25 =	sor.u32 $0x10, s22  }
0x39: {  	s2 =	sor.u32 s25, s21;
	[tilespmem:s24+$0x380] =	vst v0  }
0x3a: {  	v0 =	vld [tilespmem:s2+$0x0];
	_ =	sdelay $0x4  }
0x3b: {  	v43 =	vshll.u32 v0, $0x3  }
0x3c: {  	v0 =	vand.u32 $0x7F, v0;
	v1 =	vand.u32 $0xFFFFFC00, v43  }
0x3d: {  	v0 =	vor.u32 v0, v1;
	_ =	sdelay $0x4  }
0x3e: {  	v1 =	vld.idx.msk [tilespmem:v0+s3+$0x0], $0xffff  }
0x3f: {  	v44 =	vor.u32 $0x80, v0;
	_ =	sdelay $0x2  }
0x40: {  	s26 =	sor.u32 s25, s23  }
0x41: {  	[tilespmem:s26+$0x0] =	vst v1  }
0x42: {  	v1 =	vld.idx.msk [tilespmem:v44+s3+$0x0], $0xffff  }
0x43: {  	v45 =	vor.u32 $0x100, v0;
	_ =	sdelay $0x3  }
0x44: {  	[tilespmem:s26+$0x80] =	vst v1  }
0x45: {  	v1 =	vld.idx.msk [tilespmem:v45+s3+$0x0], $0xffff  }
0x46: {  	v46 =	vor.u32 $0x180, v0;
	_ =	sdelay $0x3  }
0x47: {  	[tilespmem:s26+$0x100] =	vst v1  }
0x48: {  	v1 =	vld.idx.msk [tilespmem:v46+s3+$0x0], $0xffff  }
0x49: {  	v47 =	vor.u32 $0x200, v0;
	_ =	sdelay $0x3  }
0x4a: {  	[tilespmem:s26+$0x180] =	vst v1  }
0x4b: {  	v1 =	vld.idx.msk [tilespmem:v47+s3+$0x0], $0xffff  }
0x4c: {  	v48 =	vor.u32 $0x280, v0;
	_ =	sdelay $0x3  }
0x4d: {  	[tilespmem:s26+$0x200] =	vst v1  }
0x4e: {  	v1 =	vld.idx.msk [tilespmem:v48+s3+$0x0], $0xffff  }
0x4f: {  	v49 =	vor.u32 $0x300, v0;
	_ =	sdelay $0x3  }
0x50: {  	[tilespmem:s26+$0x280] =	vst v1  }
0x51: {  	v1 =	vld.idx.msk [tilespmem:v49+s3+$0x0], $0xffff  }
0x52: {  	v0 =	vor.u32 $0x380, v0;
	_ =	sdelay $0x3  }
0x53: {  	[tilespmem:s26+$0x300] =	vst v1  }
0x54: {  	v0 =	vld.idx.msk [tilespmem:v0+s3+$0x0], $0xffff;
	_ =	sdelay $0x3  }
0x55: {  	s28 =	sor.u32 $0x20, s22  }
0x56: {  	s29 =	sor.u32 s28, s21;
	[tilespmem:s26+$0x380] =	vst v0  }
0x57: {  	v0 =	vld [tilespmem:s29+$0x0];
	_ =	sdelay $0x4  }
0x58: {  	v50 =	vshll.u32 v0, $0x3  }
0x59: {  	v0 =	vand.u32 $0x7F, v0;
	v1 =	vand.u32 $0xFFFFFC00, v50  }
0x5a: {  	v0 =	vor.u32 v0, v1;
	_ =	sdelay $0x4  }
0x5b: {  	v1 =	vld.idx.msk [tilespmem:v0+s3+$0x0], $0xffff  }
0x5c: {  	v51 =	vor.u32 $0x80, v0;
	_ =	sdelay $0x2  }
0x5d: {  	s30 =	sor.u32 s28, s23  }
0x5e: {  	[tilespmem:s30+$0x0] =	vst v1  }
0x5f: {  	v1 =	vld.idx.msk [tilespmem:v51+s3+$0x0], $0xffff  }
0x60: {  	v52 =	vor.u32 $0x100, v0;
	_ =	sdelay $0x3  }
0x61: {  	[tilespmem:s30+$0x80] =	vst v1  }
0x62: {  	v1 =	vld.idx.msk [tilespmem:v52+s3+$0x0], $0xffff  }
0x63: {  	v53 =	vor.u32 $0x180, v0;
	_ =	sdelay $0x3  }
0x64: {  	[tilespmem:s30+$0x100] =	vst v1  }
0x65: {  	v1 =	vld.idx.msk [tilespmem:v53+s3+$0x0], $0xffff  }
0x66: {  	v54 =	vor.u32 $0x200, v0;
	_ =	sdelay $0x3  }
0x67: {  	[tilespmem:s30+$0x180] =	vst v1  }
0x68: {  	v1 =	vld.idx.msk [tilespmem:v54+s3+$0x0], $0xffff  }
0x69: {  	v55 =	vor.u32 $0x280, v0;
	_ =	sdelay $0x3  }
0x6a: {  	[tilespmem:s30+$0x200] =	vst v1  }
0x6b: {  	v1 =	vld.idx.msk [tilespmem:v55+s3+$0x0], $0xffff  }
0x6c: {  	v56 =	vor.u32 $0x300, v0;
	_ =	sdelay $0x3  }
0x6d: {  	[tilespmem:s30+$0x280] =	vst v1  }
0x6e: {  	v1 =	vld.idx.msk [tilespmem:v56+s3+$0x0], $0xffff  }
0x6f: {  	v0 =	vor.u32 $0x380, v0;
	_ =	sdelay $0x3  }
0x70: {  	[tilespmem:s30+$0x300] =	vst v1  }
0x71: {  	v0 =	vld.idx.msk [tilespmem:v0+s3+$0x0], $0xffff;
	_ =	sdelay $0x3  }
0x72: {  	s22 =	sor.u32 $0x30, s22  }
0x73: {  	s21 =	sor.u32 s22, s21;
	[tilespmem:s30+$0x380] =	vst v0  }
0x74: {  	v0 =	vld [tilespmem:s21+$0x0];
	_ =	sdelay $0x4  }
0x75: {  	v57 =	vshll.u32 v0, $0x3  }
0x76: {  	v0 =	vand.u32 $0x7F, v0;
	v1 =	vand.u32 $0xFFFFFC00, v57  }
0x77: {  	v0 =	vor.u32 v0, v1;
	_ =	sdelay $0x4  }
0x78: {  	v1 =	vld.idx.msk [tilespmem:v0+s3+$0x0], $0xffff  }
0x79: {  	v58 =	vor.u32 $0x80, v0;
	_ =	sdelay $0x2  }
0x7a: {  	s31 =	sor.u32 s22, s23  }
0x7b: {  	[tilespmem:s31+$0x0] =	vst v1  }
0x7c: {  	v1 =	vld.idx.msk [tilespmem:v58+s3+$0x0], $0xffff  }
0x7d: {  	v59 =	vor.u32 $0x100, v0;
	_ =	sdelay $0x3  }
0x7e: {  	[tilespmem:s31+$0x80] =	vst v1  }
0x7f: {  	v1 =	vld.idx.msk [tilespmem:v59+s3+$0x0], $0xffff  }
0x80: {  	v60 =	vor.u32 $0x180, v0;
	_ =	sdelay $0x3  }
0x81: {  	[tilespmem:s31+$0x100] =	vst v1  }
0x82: {  	v1 =	vld.idx.msk [tilespmem:v60+s3+$0x0], $0xffff  }
0x83: {  	v61 =	vor.u32 $0x200, v0;
	_ =	sdelay $0x3  }
0x84: {  	[tilespmem:s31+$0x180] =	vst v1  }
0x85: {  	v1 =	vld.idx.msk [tilespmem:v61+s3+$0x0], $0xffff  }
0x86: {  	v62 =	vor.u32 $0x280, v0;
	_ =	sdelay $0x3  }
0x87: {  	[tilespmem:s31+$0x200] =	vst v1  }
0x88: {  	v1 =	vld.idx.msk [tilespmem:v62+s3+$0x0], $0xffff  }
0x89: {  	v63 =	vor.u32 $0x300, v0;
	_ =	sdelay $0x3  }
0x8a: {  	[tilespmem:s31+$0x280] =	vst v1  }
0x8b: {  	v1 =	vld.idx.msk [tilespmem:v63+s3+$0x0], $0xffff  }
0x8c: {  	v0 =	vor.u32 $0x380, v0;
	_ =	sdelay $0x3  }
0x8d: {  	[tilespmem:s31+$0x300] =	vst v1  }
0x8e: {  	p0 =	slt.u32 s19, $0xC;
	v0 =	vld.idx.msk [tilespmem:v0+s3+$0x0], $0xffff  }
.Ltmp0:
0x8f: {  	_ = 	snop;
	(pc) =	sbr.rel @p0 .LBB2_2-.Ltmp0, $2  }
0x90: {  	_ =	sdelay $0x2  }
0x91: {  	s20 =	sadd.s32 $0x40, s20;
	[tilespmem:s31+$0x380] =	vst v0  }
0x92: {  	s19 =	simm.s32 $0x0;
	s20 =	simm.s32 $0xFFFFFFFC  }
0x93: {  	[hbm4b:s4+s19] =	stream.linear.scatter [tilespmem:s13], [sflag:$0x3], $0x800, $0x38;
	[tilespmem:$0x3400] =	vst v63  }
.LBB2_4:
0x94: {  	s20 =	sadd.s32 $0x4, s20  }
0x95: {  	s21 =	sshll.u32 s20, $0x6  }
0x96: {  	s21 =	sand.u32 $0x3FFFFE00, s21  }
0x97: {  	s22 =	sand.u32 $0x40, s19;
	s21 =	sadd.s32 $0x1000, s21  }
0x98: {  	s23 =	sor.u32 s22, s21  }
0x99: {  	v0 =	vld [tilespmem:s23+$0x80];
	_ =	sdelay $0x4  }
0x9a: {  	v1 =	vshll.u32 v0, $0x3  }
0x9b: {  	v0 =	vand.u32 $0x7F, v0;
	v1 =	vand.u32 $0xFFFFFC00, v1  }
0x9c: {  	v0 =	vor.u32 v0, v1;
	_ =	sdelay $0x4  }
0x9d: {  	v1 =	vld.idx.msk [tilespmem:v0+s3+$0x0], $0xffff  }
0x9e: {  	s2 =	sshll.u32 s20, $0x7;
	v2 =	vor.u32 $0x80, v0  }
0x9f: {  	s31 =	sand.u32 $0x3FFFFC00, s2  }
0xa0: {  	s23 =	sadd.s32 $0x1C00, s31  }
0xa1: {  	s24 =	sor.u32 s22, s23  }
0xa2: {  	[tilespmem:s24+$0x0] =	vst v1  }
0xa3: {  	v1 =	vld.idx.msk [tilespmem:v2+s3+$0x0], $0xffff  }
0xa4: {  	v38 =	vor.u32 $0x100, v0;
	_ =	sdelay $0x1  }
0xa5: {  	s24 =	sadd.s32 $0x1C80, s31  }
0xa6: {  	s25 =	sor.u32 s22, s24  }
0xa7: {  	[tilespmem:s25+$0x0] =	vst v1  }
0xa8: {  	v1 =	vld.idx.msk [tilespmem:v38+s3+$0x0], $0xffff  }
0xa9: {  	v39 =	vor.u32 $0x180, v0;
	_ =	sdelay $0x1  }
0xaa: {  	s25 =	sadd.s32 $0x1D00, s31  }
0xab: {  	s26 =	sor.u32 s22, s25  }
0xac: {  	[tilespmem:s26+$0x0] =	vst v1  }
0xad: {  	v1 =	vld.idx.msk [tilespmem:v39+s3+$0x0], $0xffff  }
0xae: {  	v40 =	vor.u32 $0x200, v0;
	_ =	sdelay $0x1  }
0xaf: {  	s26 =	sadd.s32 $0x1D80, s31  }
0xb0: {  	s28 =	sor.u32 s22, s26  }
0xb1: {  	[tilespmem:s28+$0x0] =	vst v1  }
0xb2: {  	v1 =	vld.idx.msk [tilespmem:v40+s3+$0x0], $0xffff  }
0xb3: {  	v41 =	vor.u32 $0x280, v0;
	_ =	sdelay $0x1  }
0xb4: {  	s28 =	sadd.s32 $0x1E00, s31  }
0xb5: {  	s29 =	sor.u32 s22, s28  }
0xb6: {  	[tilespmem:s29+$0x0] =	vst v1  }
0xb7: {  	v1 =	vld.idx.msk [tilespmem:v41+s3+$0x0], $0xffff  }
0xb8: {  	v42 =	vor.u32 $0x300, v0;
	_ =	sdelay $0x1  }
0xb9: {  	s29 =	sadd.s32 $0x1E80, s31  }
0xba: {  	s30 =	sor.u32 s22, s29  }
0xbb: {  	[tilespmem:s30+$0x0] =	vst v1  }
0xbc: {  	v1 =	vld.idx.msk [tilespmem:v42+s3+$0x0], $0xffff  }
0xbd: {  	v0 =	vor.u32 $0x380, v0;
	_ =	sdelay $0x1  }
0xbe: {  	s30 =	sadd.s32 $0x1F00, s31  }
0xbf: {  	s0 =	sor.u32 s22, s30  }
0xc0: {  	[tilespmem:s0+$0x0] =	vst v1  }
0xc1: {  	v0 =	vld.idx.msk [tilespmem:v0+s3+$0x0], $0xffff;
	_ =	sdelay $0x2  }
0xc2: {  	s31 =	sadd.s32 $0x1F80, s31  }
0xc3: {  	s2 =	sor.u32 $0x10, s22;
	s0 =	sor.u32 s22, s31  }
0xc4: {  	[tilespmem:s0+$0x0] =	vst v0;
	s0 =	sor.u32 s2, s21  }
0xc5: {  	v0 =	vld [tilespmem:s0+$0x80];
	_ =	sdelay $0x4  }
0xc6: {  	v43 =	vshll.u32 v0, $0x3  }
0xc7: {  	v0 =	vand.u32 $0x7F, v0;
	v1 =	vand.u32 $0xFFFFFC00, v43  }
0xc8: {  	v0 =	vor.u32 v0, v1;
	_ =	sdelay $0x4  }
0xc9: {  	v1 =	vld.idx.msk [tilespmem:v0+s3+$0x0], $0xffff  }
0xca: {  	v44 =	vor.u32 $0x80, v0;
	_ =	sdelay $0x2  }
0xcb: {  	s0 =	sor.u32 s2, s23  }
0xcc: {  	[tilespmem:s0+$0x0] =	vst v1  }
0xcd: {  	v1 =	vld.idx.msk [tilespmem:v44+s3+$0x0], $0xffff  }
0xce: {  	v45 =	vor.u32 $0x100, v0;
	_ =	sdelay $0x2  }
0xcf: {  	s0 =	sor.u32 s2, s24  }
0xd0: {  	[tilespmem:s0+$0x0] =	vst v1  }
0xd1: {  	v1 =	vld.idx.msk [tilespmem:v45+s3+$0x0], $0xffff  }
0xd2: {  	v46 =	vor.u32 $0x180, v0;
	_ =	sdelay $0x2  }
0xd3: {  	s0 =	sor.u32 s2, s25  }
0xd4: {  	[tilespmem:s0+$0x0] =	vst v1  }
0xd5: {  	v1 =	vld.idx.msk [tilespmem:v46+s3+$0x0], $0xffff  }
0xd6: {  	v47 =	vor.u32 $0x200, v0;
	_ =	sdelay $0x2  }
0xd7: {  	s0 =	sor.u32 s2, s26  }
0xd8: {  	[tilespmem:s0+$0x0] =	vst v1  }
0xd9: {  	v1 =	vld.idx.msk [tilespmem:v47+s3+$0x0], $0xffff  }
0xda: {  	v48 =	vor.u32 $0x280, v0;
	_ =	sdelay $0x2  }
0xdb: {  	s0 =	sor.u32 s2, s28  }
0xdc: {  	[tilespmem:s0+$0x0] =	vst v1  }
0xdd: {  	v1 =	vld.idx.msk [tilespmem:v48+s3+$0x0], $0xffff  }
0xde: {  	v49 =	vor.u32 $0x300, v0;
	_ =	sdelay $0x2  }
0xdf: {  	s0 =	sor.u32 s2, s29  }
0xe0: {  	[tilespmem:s0+$0x0] =	vst v1  }
0xe1: {  	v1 =	vld.idx.msk [tilespmem:v49+s3+$0x0], $0xffff  }
0xe2: {  	v0 =	vor.u32 $0x380, v0;
	_ =	sdelay $0x2  }
0xe3: {  	s0 =	sor.u32 s2, s30  }
0xe4: {  	[tilespmem:s0+$0x0] =	vst v1  }
0xe5: {  	v0 =	vld.idx.msk [tilespmem:v0+s3+$0x0], $0xffff;
	_ =	sdelay $0x3  }
0xe6: {  	s0 =	sor.u32 s2, s31;
	s2 =	sor.u32 $0x20, s22  }
0xe7: {  	[tilespmem:s0+$0x0] =	vst v0;
	s0 =	sor.u32 s2, s21  }
0xe8: {  	v0 =	vld [tilespmem:s0+$0x80];
	_ =	sdelay $0x4  }
0xe9: {  	v50 =	vshll.u32 v0, $0x3  }
0xea: {  	v0 =	vand.u32 $0x7F, v0;
	v1 =	vand.u32 $0xFFFFFC00, v50  }
0xeb: {  	v0 =	vor.u32 v0, v1;
	_ =	sdelay $0x4  }
0xec: {  	v1 =	vld.idx.msk [tilespmem:v0+s3+$0x0], $0xffff  }
0xed: {  	v51 =	vor.u32 $0x80, v0;
	_ =	sdelay $0x2  }
0xee: {  	s0 =	sor.u32 s2, s23  }
0xef: {  	[tilespmem:s0+$0x0] =	vst v1  }
0xf0: {  	v1 =	vld.idx.msk [tilespmem:v51+s3+$0x0], $0xffff  }
0xf1: {  	v52 =	vor.u32 $0x100, v0;
	_ =	sdelay $0x2  }
0xf2: {  	s0 =	sor.u32 s2, s24  }
0xf3: {  	[tilespmem:s0+$0x0] =	vst v1  }
0xf4: {  	v1 =	vld.idx.msk [tilespmem:v52+s3+$0x0], $0xffff  }
0xf5: {  	v53 =	vor.u32 $0x180, v0;
	_ =	sdelay $0x2  }
0xf6: {  	s0 =	sor.u32 s2, s25  }
0xf7: {  	[tilespmem:s0+$0x0] =	vst v1  }
0xf8: {  	v1 =	vld.idx.msk [tilespmem:v53+s3+$0x0], $0xffff  }
0xf9: {  	v54 =	vor.u32 $0x200, v0;
	_ =	sdelay $0x2  }
0xfa: {  	s0 =	sor.u32 s2, s26  }
0xfb: {  	[tilespmem:s0+$0x0] =	vst v1  }
0xfc: {  	v1 =	vld.idx.msk [tilespmem:v54+s3+$0x0], $0xffff  }
0xfd: {  	v55 =	vor.u32 $0x280, v0;
	_ =	sdelay $0x2  }
0xfe: {  	s0 =	sor.u32 s2, s28  }
0xff: {  	[tilespmem:s0+$0x0] =	vst v1  }
0x100: {  	v1 =	vld.idx.msk [tilespmem:v55+s3+$0x0], $0xffff  }
0x101: {  	v56 =	vor.u32 $0x300, v0;
	_ =	sdelay $0x2  }
0x102: {  	s0 =	sor.u32 s2, s29  }
0x103: {  	[tilespmem:s0+$0x0] =	vst v1  }
0x104: {  	v1 =	vld.idx.msk [tilespmem:v56+s3+$0x0], $0xffff  }
0x105: {  	v0 =	vor.u32 $0x380, v0;
	_ =	sdelay $0x2  }
0x106: {  	s0 =	sor.u32 s2, s30  }
0x107: {  	[tilespmem:s0+$0x0] =	vst v1  }
0x108: {  	v0 =	vld.idx.msk [tilespmem:v0+s3+$0x0], $0xffff;
	_ =	sdelay $0x3  }
0x109: {  	s0 =	sor.u32 s2, s31;
	s2 =	sor.u32 $0x30, s22  }
0x10a: {  	s22 =	sor.u32 s2, s21;
	[tilespmem:s0+$0x0] =	vst v0  }
0x10b: {  	v0 =	vld [tilespmem:s22+$0x80];
	_ =	sdelay $0x4  }
0x10c: {  	v57 =	vshll.u32 v0, $0x3  }
0x10d: {  	v0 =	vand.u32 $0x7F, v0;
	v1 =	vand.u32 $0xFFFFFC00, v57  }
0x10e: {  	v0 =	vor.u32 v0, v1;
	_ =	sdelay $0x4  }
0x10f: {  	v1 =	vld.idx.msk [tilespmem:v0+s3+$0x0], $0xffff  }
0x110: {  	v58 =	vor.u32 $0x80, v0;
	_ =	sdelay $0x2  }
0x111: {  	s23 =	sor.u32 s2, s23  }
0x112: {  	[tilespmem:s23+$0x0] =	vst v1  }
0x113: {  	v1 =	vld.idx.msk [tilespmem:v58+s3+$0x0], $0xffff  }
0x114: {  	v59 =	vor.u32 $0x100, v0;
	_ =	sdelay $0x2  }
0x115: {  	s24 =	sor.u32 s2, s24  }
0x116: {  	[tilespmem:s24+$0x0] =	vst v1  }
0x117: {  	v1 =	vld.idx.msk [tilespmem:v59+s3+$0x0], $0xffff  }
0x118: {  	v60 =	vor.u32 $0x180, v0;
	_ =	sdelay $0x2  }
0x119: {  	s25 =	sor.u32 s2, s25  }
0x11a: {  	[tilespmem:s25+$0x0] =	vst v1  }
0x11b: {  	v1 =	vld.idx.msk [tilespmem:v60+s3+$0x0], $0xffff  }
0x11c: {  	v61 =	vor.u32 $0x200, v0;
	_ =	sdelay $0x2  }
0x11d: {  	s26 =	sor.u32 s2, s26  }
0x11e: {  	[tilespmem:s26+$0x0] =	vst v1  }
0x11f: {  	v1 =	vld.idx.msk [tilespmem:v61+s3+$0x0], $0xffff  }
0x120: {  	v62 =	vor.u32 $0x280, v0;
	_ =	sdelay $0x2  }
0x121: {  	s28 =	sor.u32 s2, s28  }
0x122: {  	[tilespmem:s28+$0x0] =	vst v1  }
0x123: {  	v1 =	vld.idx.msk [tilespmem:v62+s3+$0x0], $0xffff  }
0x124: {  	v63 =	vor.u32 $0x300, v0;
	_ =	sdelay $0x2  }
0x125: {  	s29 =	sor.u32 s2, s29  }
0x126: {  	[tilespmem:s29+$0x0] =	vst v1  }
0x127: {  	v1 =	vld.idx.msk [tilespmem:v63+s3+$0x0], $0xffff  }
0x128: {  	v0 =	vor.u32 $0x380, v0;
	_ =	sdelay $0x2  }
0x129: {  	s30 =	sor.u32 s2, s30  }
0x12a: {  	[tilespmem:s30+$0x0] =	vst v1  }
0x12b: {  	p0 =	slt.u32 s20, $0xC;
	v0 =	vld.idx.msk [tilespmem:v0+s3+$0x0], $0xffff  }
.Ltmp1:
0x12c: {  	_ = 	snop;
	(pc) =	sbr.rel @p0 .LBB2_4-.Ltmp1, $3  }
0x12d: {  	_ =	sdelay $0x1  }
0x12e: {  	s31 =	sor.u32 s2, s31  }
0x12f: {  	s19 =	sadd.s32 $0x40, s19;
	[tilespmem:s31+$0x0] =	vst v0  }
0x130: {  	s19 =	simm.s32 $0x0;
	s20 =	simm.s32 $0xFFFFFFFC  }
0x131: {  	[hbm4b:s6+s19] =	stream.linear.scatter [tilespmem:s14], [sflag:$0x3], $0x800, $0x38;
	[tilespmem:$0x3400] =	vst v63  }
.LBB2_6:
0x132: {  	s20 =	sadd.s32 $0x4, s20  }
0x133: {  	s0 =	sshll.u32 s20, $0x6  }
0x134: {  	s0 =	sand.u32 $0x3FFFFE00, s0  }
0x135: {  	s22 =	sand.u32 $0x40, s19;
	s21 =	sadd.s32 $0x1000, s0  }
0x136: {  	s0 =	sor.u32 s22, s21  }
0x137: {  	v0 =	vld [tilespmem:s0+$0x100];
	_ =	sdelay $0x4  }
0x138: {  	v1 =	vshll.u32 v0, $0x3  }
0x139: {  	v0 =	vand.u32 $0x7F, v0;
	v1 =	vand.u32 $0xFFFFFC00, v1  }
0x13a: {  	v0 =	vor.u32 v0, v1;
	_ =	sdelay $0x4  }
0x13b: {  	v1 =	vld.idx.msk [tilespmem:v0+s3+$0x0], $0xffff  }
0x13c: {  	s24 =	sshll.u32 s20, $0x7;
	v2 =	vor.u32 $0x80, v0  }
0x13d: {  	s0 =	sand.u32 $0x3FFFFC00, s24  }
0x13e: {  	s23 =	sadd.s32 $0x2400, s0  }
0x13f: {  	s2 =	sor.u32 s22, s23  }
0x140: {  	[tilespmem:s2+$0x0] =	vst v1  }
0x141: {  	v1 =	vld.idx.msk [tilespmem:v2+s3+$0x0], $0xffff  }
0x142: {  	v38 =	vor.u32 $0x100, v0;
	_ =	sdelay $0x1  }
0x143: {  	s24 =	sadd.s32 $0x2480, s0  }
0x144: {  	s25 =	sor.u32 s22, s24  }
0x145: {  	[tilespmem:s25+$0x0] =	vst v1  }
0x146: {  	v1 =	vld.idx.msk [tilespmem:v38+s3+$0x0], $0xffff  }
0x147: {  	v39 =	vor.u32 $0x180, v0;
	_ =	sdelay $0x1  }
0x148: {  	s25 =	sadd.s32 $0x2500, s0  }
0x149: {  	s26 =	sor.u32 s22, s25  }
0x14a: {  	[tilespmem:s26+$0x0] =	vst v1  }
0x14b: {  	v1 =	vld.idx.msk [tilespmem:v39+s3+$0x0], $0xffff  }
0x14c: {  	v40 =	vor.u32 $0x200, v0;
	_ =	sdelay $0x1  }
0x14d: {  	s26 =	sadd.s32 $0x2580, s0  }
0x14e: {  	s28 =	sor.u32 s22, s26  }
0x14f: {  	[tilespmem:s28+$0x0] =	vst v1  }
0x150: {  	v1 =	vld.idx.msk [tilespmem:v40+s3+$0x0], $0xffff  }
0x151: {  	v41 =	vor.u32 $0x280, v0;
	_ =	sdelay $0x1  }
0x152: {  	s28 =	sadd.s32 $0x2600, s0  }
0x153: {  	s29 =	sor.u32 s22, s28  }
0x154: {  	[tilespmem:s29+$0x0] =	vst v1  }
0x155: {  	v1 =	vld.idx.msk [tilespmem:v41+s3+$0x0], $0xffff  }
0x156: {  	v42 =	vor.u32 $0x300, v0;
	_ =	sdelay $0x1  }
0x157: {  	s29 =	sadd.s32 $0x2680, s0  }
0x158: {  	s30 =	sor.u32 s22, s29  }
0x159: {  	[tilespmem:s30+$0x0] =	vst v1  }
0x15a: {  	v1 =	vld.idx.msk [tilespmem:v42+s3+$0x0], $0xffff  }
0x15b: {  	v0 =	vor.u32 $0x380, v0;
	_ =	sdelay $0x1  }
0x15c: {  	s30 =	sadd.s32 $0x2700, s0  }
0x15d: {  	s31 =	sor.u32 s22, s30  }
0x15e: {  	[tilespmem:s31+$0x0] =	vst v1  }
0x15f: {  	v0 =	vld.idx.msk [tilespmem:v0+s3+$0x0], $0xffff;
	_ =	sdelay $0x2  }
0x160: {  	s31 =	sadd.s32 $0x2780, s0  }
0x161: {  	s2 =	sor.u32 $0x10, s22;
	s0 =	sor.u32 s22, s31  }
0x162: {  	[tilespmem:s0+$0x0] =	vst v0;
	s0 =	sor.u32 s2, s21  }
0x163: {  	v0 =	vld [tilespmem:s0+$0x100];
	_ =	sdelay $0x4  }
0x164: {  	v43 =	vshll.u32 v0, $0x3  }
0x165: {  	v0 =	vand.u32 $0x7F, v0;
	v1 =	vand.u32 $0xFFFFFC00, v43  }
0x166: {  	v0 =	vor.u32 v0, v1;
	_ =	sdelay $0x4  }
0x167: {  	v1 =	vld.idx.msk [tilespmem:v0+s3+$0x0], $0xffff  }
0x168: {  	v44 =	vor.u32 $0x80, v0;
	_ =	sdelay $0x2  }
0x169: {  	s0 =	sor.u32 s2, s23  }
0x16a: {  	[tilespmem:s0+$0x0] =	vst v1  }
0x16b: {  	v1 =	vld.idx.msk [tilespmem:v44+s3+$0x0], $0xffff  }
0x16c: {  	v45 =	vor.u32 $0x100, v0;
	_ =	sdelay $0x2  }
0x16d: {  	s0 =	sor.u32 s2, s24  }
0x16e: {  	[tilespmem:s0+$0x0] =	vst v1  }
0x16f: {  	v1 =	vld.idx.msk [tilespmem:v45+s3+$0x0], $0xffff  }
0x170: {  	v46 =	vor.u32 $0x180, v0;
	_ =	sdelay $0x2  }
0x171: {  	s0 =	sor.u32 s2, s25  }
0x172: {  	[tilespmem:s0+$0x0] =	vst v1  }
0x173: {  	v1 =	vld.idx.msk [tilespmem:v46+s3+$0x0], $0xffff  }
0x174: {  	v47 =	vor.u32 $0x200, v0;
	_ =	sdelay $0x2  }
0x175: {  	s0 =	sor.u32 s2, s26  }
0x176: {  	[tilespmem:s0+$0x0] =	vst v1  }
0x177: {  	v1 =	vld.idx.msk [tilespmem:v47+s3+$0x0], $0xffff  }
0x178: {  	v48 =	vor.u32 $0x280, v0;
	_ =	sdelay $0x2  }
0x179: {  	s0 =	sor.u32 s2, s28  }
0x17a: {  	[tilespmem:s0+$0x0] =	vst v1  }
0x17b: {  	v1 =	vld.idx.msk [tilespmem:v48+s3+$0x0], $0xffff  }
0x17c: {  	v49 =	vor.u32 $0x300, v0;
	_ =	sdelay $0x2  }
0x17d: {  	s0 =	sor.u32 s2, s29  }
0x17e: {  	[tilespmem:s0+$0x0] =	vst v1  }
0x17f: {  	v1 =	vld.idx.msk [tilespmem:v49+s3+$0x0], $0xffff  }
0x180: {  	v0 =	vor.u32 $0x380, v0;
	_ =	sdelay $0x2  }
0x181: {  	s0 =	sor.u32 s2, s30  }
0x182: {  	[tilespmem:s0+$0x0] =	vst v1  }
0x183: {  	v0 =	vld.idx.msk [tilespmem:v0+s3+$0x0], $0xffff;
	_ =	sdelay $0x3  }
0x184: {  	s0 =	sor.u32 s2, s31;
	s2 =	sor.u32 $0x20, s22  }
0x185: {  	[tilespmem:s0+$0x0] =	vst v0;
	s0 =	sor.u32 s2, s21  }
0x186: {  	v0 =	vld [tilespmem:s0+$0x100];
	_ =	sdelay $0x4  }
0x187: {  	v50 =	vshll.u32 v0, $0x3  }
0x188: {  	v0 =	vand.u32 $0x7F, v0;
	v1 =	vand.u32 $0xFFFFFC00, v50  }
0x189: {  	v0 =	vor.u32 v0, v1;
	_ =	sdelay $0x4  }
0x18a: {  	v1 =	vld.idx.msk [tilespmem:v0+s3+$0x0], $0xffff  }
0x18b: {  	v51 =	vor.u32 $0x80, v0;
	_ =	sdelay $0x2  }
0x18c: {  	s0 =	sor.u32 s2, s23  }
0x18d: {  	[tilespmem:s0+$0x0] =	vst v1  }
0x18e: {  	v1 =	vld.idx.msk [tilespmem:v51+s3+$0x0], $0xffff  }
0x18f: {  	v52 =	vor.u32 $0x100, v0;
	_ =	sdelay $0x2  }
0x190: {  	s0 =	sor.u32 s2, s24  }
0x191: {  	[tilespmem:s0+$0x0] =	vst v1  }
0x192: {  	v1 =	vld.idx.msk [tilespmem:v52+s3+$0x0], $0xffff  }
0x193: {  	v53 =	vor.u32 $0x180, v0;
	_ =	sdelay $0x2  }
0x194: {  	s0 =	sor.u32 s2, s25  }
0x195: {  	[tilespmem:s0+$0x0] =	vst v1  }
0x196: {  	v1 =	vld.idx.msk [tilespmem:v53+s3+$0x0], $0xffff  }
0x197: {  	v54 =	vor.u32 $0x200, v0;
	_ =	sdelay $0x2  }
0x198: {  	s0 =	sor.u32 s2, s26  }
0x199: {  	[tilespmem:s0+$0x0] =	vst v1  }
0x19a: {  	v1 =	vld.idx.msk [tilespmem:v54+s3+$0x0], $0xffff  }
0x19b: {  	v55 =	vor.u32 $0x280, v0;
	_ =	sdelay $0x2  }
0x19c: {  	s0 =	sor.u32 s2, s28  }
0x19d: {  	[tilespmem:s0+$0x0] =	vst v1  }
0x19e: {  	v1 =	vld.idx.msk [tilespmem:v55+s3+$0x0], $0xffff  }
0x19f: {  	v56 =	vor.u32 $0x300, v0;
	_ =	sdelay $0x2  }
0x1a0: {  	s0 =	sor.u32 s2, s29  }
0x1a1: {  	[tilespmem:s0+$0x0] =	vst v1  }
0x1a2: {  	v1 =	vld.idx.msk [tilespmem:v56+s3+$0x0], $0xffff  }
0x1a3: {  	v0 =	vor.u32 $0x380, v0;
	_ =	sdelay $0x2  }
0x1a4: {  	s0 =	sor.u32 s2, s30  }
0x1a5: {  	[tilespmem:s0+$0x0] =	vst v1  }
0x1a6: {  	v0 =	vld.idx.msk [tilespmem:v0+s3+$0x0], $0xffff;
	_ =	sdelay $0x3  }
0x1a7: {  	s0 =	sor.u32 s2, s31;
	s2 =	sor.u32 $0x30, s22  }
0x1a8: {  	s22 =	sor.u32 s2, s21;
	[tilespmem:s0+$0x0] =	vst v0  }
0x1a9: {  	v0 =	vld [tilespmem:s22+$0x100];
	_ =	sdelay $0x4  }
0x1aa: {  	v57 =	vshll.u32 v0, $0x3  }
0x1ab: {  	v0 =	vand.u32 $0x7F, v0;
	v1 =	vand.u32 $0xFFFFFC00, v57  }
0x1ac: {  	v0 =	vor.u32 v0, v1;
	_ =	sdelay $0x4  }
0x1ad: {  	v1 =	vld.idx.msk [tilespmem:v0+s3+$0x0], $0xffff  }
0x1ae: {  	v58 =	vor.u32 $0x80, v0;
	_ =	sdelay $0x2  }
0x1af: {  	s23 =	sor.u32 s2, s23  }
0x1b0: {  	[tilespmem:s23+$0x0] =	vst v1  }
0x1b1: {  	v1 =	vld.idx.msk [tilespmem:v58+s3+$0x0], $0xffff  }
0x1b2: {  	v59 =	vor.u32 $0x100, v0;
	_ =	sdelay $0x2  }
0x1b3: {  	s24 =	sor.u32 s2, s24  }
0x1b4: {  	[tilespmem:s24+$0x0] =	vst v1  }
0x1b5: {  	v1 =	vld.idx.msk [tilespmem:v59+s3+$0x0], $0xffff  }
0x1b6: {  	v60 =	vor.u32 $0x180, v0;
	_ =	sdelay $0x2  }
0x1b7: {  	s25 =	sor.u32 s2, s25  }
0x1b8: {  	[tilespmem:s25+$0x0] =	vst v1  }
0x1b9: {  	v1 =	vld.idx.msk [tilespmem:v60+s3+$0x0], $0xffff  }
0x1ba: {  	v61 =	vor.u32 $0x200, v0;
	_ =	sdelay $0x2  }
0x1bb: {  	s26 =	sor.u32 s2, s26  }
0x1bc: {  	[tilespmem:s26+$0x0] =	vst v1  }
0x1bd: {  	v1 =	vld.idx.msk [tilespmem:v61+s3+$0x0], $0xffff  }
0x1be: {  	v62 =	vor.u32 $0x280, v0;
	_ =	sdelay $0x2  }
0x1bf: {  	s28 =	sor.u32 s2, s28  }
0x1c0: {  	[tilespmem:s28+$0x0] =	vst v1  }
0x1c1: {  	v1 =	vld.idx.msk [tilespmem:v62+s3+$0x0], $0xffff  }
0x1c2: {  	v63 =	vor.u32 $0x300, v0;
	_ =	sdelay $0x2  }
0x1c3: {  	s29 =	sor.u32 s2, s29  }
0x1c4: {  	[tilespmem:s29+$0x0] =	vst v1  }
0x1c5: {  	v1 =	vld.idx.msk [tilespmem:v63+s3+$0x0], $0xffff  }
0x1c6: {  	v0 =	vor.u32 $0x380, v0;
	_ =	sdelay $0x2  }
0x1c7: {  	s30 =	sor.u32 s2, s30  }
0x1c8: {  	[tilespmem:s30+$0x0] =	vst v1  }
0x1c9: {  	p0 =	slt.u32 s20, $0xC;
	v0 =	vld.idx.msk [tilespmem:v0+s3+$0x0], $0xffff  }
.Ltmp2:
0x1ca: {  	_ = 	snop;
	(pc) =	sbr.rel @p0 .LBB2_6-.Ltmp2, $3  }
0x1cb: {  	_ =	sdelay $0x1  }
0x1cc: {  	s31 =	sor.u32 s2, s31  }
0x1cd: {  	s19 =	sadd.s32 $0x40, s19;
	[tilespmem:s31+$0x0] =	vst v0  }
0x1ce: {  	s19 =	simm.s32 $0x0;
	s20 =	simm.s32 $0xFFFFFFFC  }
0x1cf: {  	[hbm4b:s7+s19] =	stream.linear.scatter [tilespmem:s15], [sflag:$0x3], $0x800, $0x38;
	[tilespmem:$0x3400] =	vst v63  }
.LBB2_8:
0x1d0: {  	s20 =	sadd.s32 $0x4, s20  }
0x1d1: {  	s0 =	sshll.u32 s20, $0x6  }
0x1d2: {  	s0 =	sand.u32 $0x3FFFFE00, s0  }
0x1d3: {  	s22 =	sand.u32 $0x40, s19;
	s21 =	sadd.s32 $0x1000, s0  }
0x1d4: {  	s0 =	sor.u32 s22, s21  }
0x1d5: {  	v0 =	vld [tilespmem:s0+$0x180];
	_ =	sdelay $0x4  }
0x1d6: {  	v1 =	vshll.u32 v0, $0x3  }
0x1d7: {  	v0 =	vand.u32 $0x7F, v0;
	v1 =	vand.u32 $0xFFFFFC00, v1  }
0x1d8: {  	v0 =	vor.u32 v0, v1;
	_ =	sdelay $0x4  }
0x1d9: {  	v1 =	vld.idx.msk [tilespmem:v0+s3+$0x0], $0xffff  }
0x1da: {  	s24 =	sshll.u32 s20, $0x7;
	v2 =	vor.u32 $0x80, v0  }
0x1db: {  	s0 =	sand.u32 $0x3FFFFC00, s24  }
0x1dc: {  	s23 =	sadd.s32 $0x2C00, s0  }
0x1dd: {  	s2 =	sor.u32 s22, s23  }
0x1de: {  	[tilespmem:s2+$0x0] =	vst v1  }
0x1df: {  	v1 =	vld.idx.msk [tilespmem:v2+s3+$0x0], $0xffff  }
0x1e0: {  	v38 =	vor.u32 $0x100, v0;
	_ =	sdelay $0x1  }
0x1e1: {  	s24 =	sadd.s32 $0x2C80, s0  }
0x1e2: {  	s25 =	sor.u32 s22, s24  }
0x1e3: {  	[tilespmem:s25+$0x0] =	vst v1  }
0x1e4: {  	v1 =	vld.idx.msk [tilespmem:v38+s3+$0x0], $0xffff  }
0x1e5: {  	v39 =	vor.u32 $0x180, v0;
	_ =	sdelay $0x1  }
0x1e6: {  	s25 =	sadd.s32 $0x2D00, s0  }
0x1e7: {  	s26 =	sor.u32 s22, s25  }
0x1e8: {  	[tilespmem:s26+$0x0] =	vst v1  }
0x1e9: {  	v1 =	vld.idx.msk [tilespmem:v39+s3+$0x0], $0xffff  }
0x1ea: {  	v40 =	vor.u32 $0x200, v0;
	_ =	sdelay $0x1  }
0x1eb: {  	s26 =	sadd.s32 $0x2D80, s0  }
0x1ec: {  	s28 =	sor.u32 s22, s26  }
0x1ed: {  	[tilespmem:s28+$0x0] =	vst v1  }
0x1ee: {  	v1 =	vld.idx.msk [tilespmem:v40+s3+$0x0], $0xffff  }
0x1ef: {  	v41 =	vor.u32 $0x280, v0;
	_ =	sdelay $0x1  }
0x1f0: {  	s28 =	sadd.s32 $0x2E00, s0  }
0x1f1: {  	s29 =	sor.u32 s22, s28  }
0x1f2: {  	[tilespmem:s29+$0x0] =	vst v1  }
0x1f3: {  	v1 =	vld.idx.msk [tilespmem:v41+s3+$0x0], $0xffff  }
0x1f4: {  	v42 =	vor.u32 $0x300, v0;
	_ =	sdelay $0x1  }
0x1f5: {  	s29 =	sadd.s32 $0x2E80, s0  }
0x1f6: {  	s30 =	sor.u32 s22, s29  }
0x1f7: {  	[tilespmem:s30+$0x0] =	vst v1  }
0x1f8: {  	v1 =	vld.idx.msk [tilespmem:v42+s3+$0x0], $0xffff  }
0x1f9: {  	v0 =	vor.u32 $0x380, v0;
	_ =	sdelay $0x1  }
0x1fa: {  	s30 =	sadd.s32 $0x2F00, s0  }
0x1fb: {  	s31 =	sor.u32 s22, s30  }
0x1fc: {  	[tilespmem:s31+$0x0] =	vst v1  }
0x1fd: {  	v0 =	vld.idx.msk [tilespmem:v0+s3+$0x0], $0xffff;
	_ =	sdelay $0x2  }
0x1fe: {  	s31 =	sadd.s32 $0x2F80, s0  }
0x1ff: {  	s2 =	sor.u32 $0x10, s22;
	s0 =	sor.u32 s22, s31  }
0x200: {  	[tilespmem:s0+$0x0] =	vst v0;
	s0 =	sor.u32 s2, s21  }
0x201: {  	v0 =	vld [tilespmem:s0+$0x180];
	_ =	sdelay $0x4  }
0x202: {  	v43 =	vshll.u32 v0, $0x3  }
0x203: {  	v0 =	vand.u32 $0x7F, v0;
	v1 =	vand.u32 $0xFFFFFC00, v43  }
0x204: {  	v0 =	vor.u32 v0, v1;
	_ =	sdelay $0x4  }
0x205: {  	v1 =	vld.idx.msk [tilespmem:v0+s3+$0x0], $0xffff  }
0x206: {  	v44 =	vor.u32 $0x80, v0;
	_ =	sdelay $0x2  }
0x207: {  	s0 =	sor.u32 s2, s23  }
0x208: {  	[tilespmem:s0+$0x0] =	vst v1  }
0x209: {  	v1 =	vld.idx.msk [tilespmem:v44+s3+$0x0], $0xffff  }
0x20a: {  	v45 =	vor.u32 $0x100, v0;
	_ =	sdelay $0x2  }
0x20b: {  	s0 =	sor.u32 s2, s24  }
0x20c: {  	[tilespmem:s0+$0x0] =	vst v1  }
0x20d: {  	v1 =	vld.idx.msk [tilespmem:v45+s3+$0x0], $0xffff  }
0x20e: {  	v46 =	vor.u32 $0x180, v0;
	_ =	sdelay $0x2  }
0x20f: {  	s0 =	sor.u32 s2, s25  }
0x210: {  	[tilespmem:s0+$0x0] =	vst v1  }
0x211: {  	v1 =	vld.idx.msk [tilespmem:v46+s3+$0x0], $0xffff  }
0x212: {  	v47 =	vor.u32 $0x200, v0;
	_ =	sdelay $0x2  }
0x213: {  	s0 =	sor.u32 s2, s26  }
0x214: {  	[tilespmem:s0+$0x0] =	vst v1  }
0x215: {  	v1 =	vld.idx.msk [tilespmem:v47+s3+$0x0], $0xffff  }
0x216: {  	v48 =	vor.u32 $0x280, v0;
	_ =	sdelay $0x2  }
0x217: {  	s0 =	sor.u32 s2, s28  }
0x218: {  	[tilespmem:s0+$0x0] =	vst v1  }
0x219: {  	v1 =	vld.idx.msk [tilespmem:v48+s3+$0x0], $0xffff  }
0x21a: {  	v49 =	vor.u32 $0x300, v0;
	_ =	sdelay $0x2  }
0x21b: {  	s0 =	sor.u32 s2, s29  }
0x21c: {  	[tilespmem:s0+$0x0] =	vst v1  }
0x21d: {  	v1 =	vld.idx.msk [tilespmem:v49+s3+$0x0], $0xffff  }
0x21e: {  	v0 =	vor.u32 $0x380, v0;
	_ =	sdelay $0x2  }
0x21f: {  	s0 =	sor.u32 s2, s30  }
0x220: {  	[tilespmem:s0+$0x0] =	vst v1  }
0x221: {  	v0 =	vld.idx.msk [tilespmem:v0+s3+$0x0], $0xffff;
	_ =	sdelay $0x3  }
0x222: {  	s0 =	sor.u32 s2, s31;
	s2 =	sor.u32 $0x20, s22  }
0x223: {  	[tilespmem:s0+$0x0] =	vst v0;
	s0 =	sor.u32 s2, s21  }
0x224: {  	v0 =	vld [tilespmem:s0+$0x180];
	_ =	sdelay $0x4  }
0x225: {  	v50 =	vshll.u32 v0, $0x3  }
0x226: {  	v0 =	vand.u32 $0x7F, v0;
	v1 =	vand.u32 $0xFFFFFC00, v50  }
0x227: {  	v0 =	vor.u32 v0, v1;
	_ =	sdelay $0x4  }
0x228: {  	v1 =	vld.idx.msk [tilespmem:v0+s3+$0x0], $0xffff  }
0x229: {  	v51 =	vor.u32 $0x80, v0;
	_ =	sdelay $0x2  }
0x22a: {  	s0 =	sor.u32 s2, s23  }
0x22b: {  	[tilespmem:s0+$0x0] =	vst v1  }
0x22c: {  	v1 =	vld.idx.msk [tilespmem:v51+s3+$0x0], $0xffff  }
0x22d: {  	v52 =	vor.u32 $0x100, v0;
	_ =	sdelay $0x2  }
0x22e: {  	s0 =	sor.u32 s2, s24  }
0x22f: {  	[tilespmem:s0+$0x0] =	vst v1  }
0x230: {  	v1 =	vld.idx.msk [tilespmem:v52+s3+$0x0], $0xffff  }
0x231: {  	v53 =	vor.u32 $0x180, v0;
	_ =	sdelay $0x2  }
0x232: {  	s0 =	sor.u32 s2, s25  }
0x233: {  	[tilespmem:s0+$0x0] =	vst v1  }
0x234: {  	v1 =	vld.idx.msk [tilespmem:v53+s3+$0x0], $0xffff  }
0x235: {  	v54 =	vor.u32 $0x200, v0;
	_ =	sdelay $0x2  }
0x236: {  	s0 =	sor.u32 s2, s26  }
0x237: {  	[tilespmem:s0+$0x0] =	vst v1  }
0x238: {  	v1 =	vld.idx.msk [tilespmem:v54+s3+$0x0], $0xffff  }
0x239: {  	v55 =	vor.u32 $0x280, v0;
	_ =	sdelay $0x2  }
0x23a: {  	s0 =	sor.u32 s2, s28  }
0x23b: {  	[tilespmem:s0+$0x0] =	vst v1  }
0x23c: {  	v1 =	vld.idx.msk [tilespmem:v55+s3+$0x0], $0xffff  }
0x23d: {  	v56 =	vor.u32 $0x300, v0;
	_ =	sdelay $0x2  }
0x23e: {  	s0 =	sor.u32 s2, s29  }
0x23f: {  	[tilespmem:s0+$0x0] =	vst v1  }
0x240: {  	v1 =	vld.idx.msk [tilespmem:v56+s3+$0x0], $0xffff  }
0x241: {  	v0 =	vor.u32 $0x380, v0;
	_ =	sdelay $0x2  }
0x242: {  	s0 =	sor.u32 s2, s30  }
0x243: {  	[tilespmem:s0+$0x0] =	vst v1  }
0x244: {  	v0 =	vld.idx.msk [tilespmem:v0+s3+$0x0], $0xffff;
	_ =	sdelay $0x3  }
0x245: {  	s0 =	sor.u32 s2, s31;
	s2 =	sor.u32 $0x30, s22  }
0x246: {  	s22 =	sor.u32 s2, s21;
	[tilespmem:s0+$0x0] =	vst v0  }
0x247: {  	v0 =	vld [tilespmem:s22+$0x180];
	_ =	sdelay $0x4  }
0x248: {  	v57 =	vshll.u32 v0, $0x3  }
0x249: {  	v0 =	vand.u32 $0x7F, v0;
	v1 =	vand.u32 $0xFFFFFC00, v57  }
0x24a: {  	v0 =	vor.u32 v0, v1;
	_ =	sdelay $0x4  }
0x24b: {  	v1 =	vld.idx.msk [tilespmem:v0+s3+$0x0], $0xffff  }
0x24c: {  	v58 =	vor.u32 $0x80, v0;
	_ =	sdelay $0x2  }
0x24d: {  	s23 =	sor.u32 s2, s23  }
0x24e: {  	[tilespmem:s23+$0x0] =	vst v1  }
0x24f: {  	v1 =	vld.idx.msk [tilespmem:v58+s3+$0x0], $0xffff  }
0x250: {  	v59 =	vor.u32 $0x100, v0;
	_ =	sdelay $0x2  }
0x251: {  	s24 =	sor.u32 s2, s24  }
0x252: {  	[tilespmem:s24+$0x0] =	vst v1  }
0x253: {  	v1 =	vld.idx.msk [tilespmem:v59+s3+$0x0], $0xffff  }
0x254: {  	v60 =	vor.u32 $0x180, v0;
	_ =	sdelay $0x2  }
0x255: {  	s25 =	sor.u32 s2, s25  }
0x256: {  	[tilespmem:s25+$0x0] =	vst v1  }
0x257: {  	v1 =	vld.idx.msk [tilespmem:v60+s3+$0x0], $0xffff  }
0x258: {  	v61 =	vor.u32 $0x200, v0;
	_ =	sdelay $0x2  }
0x259: {  	s26 =	sor.u32 s2, s26  }
0x25a: {  	[tilespmem:s26+$0x0] =	vst v1  }
0x25b: {  	v1 =	vld.idx.msk [tilespmem:v61+s3+$0x0], $0xffff  }
0x25c: {  	v62 =	vor.u32 $0x280, v0;
	_ =	sdelay $0x2  }
0x25d: {  	s28 =	sor.u32 s2, s28  }
0x25e: {  	[tilespmem:s28+$0x0] =	vst v1  }
0x25f: {  	v1 =	vld.idx.msk [tilespmem:v62+s3+$0x0], $0xffff  }
0x260: {  	v63 =	vor.u32 $0x300, v0;
	_ =	sdelay $0x2  }
0x261: {  	s29 =	sor.u32 s2, s29  }
0x262: {  	[tilespmem:s29+$0x0] =	vst v1  }
0x263: {  	v1 =	vld.idx.msk [tilespmem:v63+s3+$0x0], $0xffff  }
0x264: {  	v0 =	vor.u32 $0x380, v0;
	_ =	sdelay $0x2  }
0x265: {  	s30 =	sor.u32 s2, s30  }
0x266: {  	[tilespmem:s30+$0x0] =	vst v1  }
0x267: {  	p0 =	slt.u32 s20, $0xC;
	v0 =	vld.idx.msk [tilespmem:v0+s3+$0x0], $0xffff  }
.Ltmp3:
0x268: {  	_ = 	snop;
	(pc) =	sbr.rel @p0 .LBB2_8-.Ltmp3, $3  }
0x269: {  	_ =	sdelay $0x1  }
0x26a: {  	s31 =	sor.u32 s2, s31  }
0x26b: {  	s19 =	sadd.s32 $0x40, s19;
	[tilespmem:s31+$0x0] =	vst v0  }
0x26c: {  	[hbm4b:s8+s3] =	stream.linear.scatter [tilespmem:s16], [sflag:$0x3], $0x800, $0x38;
	[tilespmem:$0x3400] =	vst v63  }
0x26d: {  	_ =	swait.ge [sflag:s17], $0x800  }
0x26e: {  	[sflag:s17] =	ssyncset.done $0x0  }
0x26f: {  	[sflag:s17] =	ssyncadd.s32 $0xFFFFF800  }
0x270: {  	_ =	swait.ge [sflag:s17], $0x800  }
0x271: {  	[sflag:s17] =	ssyncset.done $0x0  }
0x272: {  	s18 =	sadd.s32 $0x1, s18;
	[sflag:s17] =	ssyncadd.s32 $0xFFFFF800  }
0x273: {  	p0 =	sne.s32 s18, s9;
	_ =	swait.ge [sflag:s17], $0x800  }
.Ltmp4:
0x274: {  	[sflag:s17] =	ssyncset.done $0x0;
	(pc) =	sbr.rel @p0 .LBB2_1-.Ltmp4, $4  }
0x275: {  	[sflag:s17] =	ssyncadd.s32 $0xFFFFF800  }
0x276: {  	_ =	swait.ge [sflag:s17], $0x800  }
0x277: {  	[sflag:s17] =	ssyncset.done $0x0  }
0x278: {  	[sflag:s17] =	ssyncadd.s32 $0xFFFFF800  }
0x279: {  	_ =	sfence.sel $0x180000  }
0x27a: {  	[bflag:$0x0] =	sbarrier.arrive $0xFFFF  }
0x27b: {  	_ =	strace $0x90000047  }
0x27c: {  	s0 =	stileid.u32;
	[bflag:$0x2] =	sbarrier.arrive $0xFFFF  }
0x27d: {  	p0 =	sne.s32 s0, $0x0;
	s0 =	rddreg [dreg:$0x3]  }
0x27e: {  	s0 =	sadd.s32 @!p0 $0x100000, s0  }
0x27f: {  	[sflag:s0] =	ssyncadd.tile.s32 @!p0 $0x1;
	_ =	shalt  }
.Lfunc_end2:
_tile_overlayer_lowered:
.L_overlay_start_2:
0x280: {  	(tag) =	ssettag $0x2  }
0x281: {  	s0 =	rddreg [dreg:$0x0];
	s2 =	stileid.u32  }
0x282: {  	s1 =	rddreg [dreg:$0x1];
	p0 =	sne.s32 s2, $0x0  }
0x283: {  	s3 =	rddreg [dreg:$0x2];
	[bflag:$0x3] =	sbarrier.arrive $0xFFFF;
	s2 =	simm.s32 @!p0 $0x1C04  }
0x284: {  	[timem:s3], [sflag:s2] =	dma.local @!p0 [hbm:s0], s1  }
0x285: {  	s0 =	simm.s32 @!p0 $0x4  }
0x286: {  	_ =	swait.ge @!p0 [sflag:s0], s1  }
0x287: {  	s1 =	ssub.s32 @!p0 $0x0, s1;
	[sflag:s0] =	ssyncset.done @!p0 $0x0  }
0x288: {  	[sflag:s0] =	ssyncadd.s32 @!p0 s1  }
0x289: {  	[bflag:$0x3] =	sbarrier.arrive $0xFFFF  }
0x28a: {  	_ =	shalt  }

</sc_bundles>
